<compile_context>
chip_gen: v7x
topology: tpu7x:2x2x1
jax: 0.10.2.dev20260603
libtpu: 0.0.44.dev20260713+nightly
codegen_flags: <defaults>
</compile_context>

<pallas_src>
import dataclasses
import functools

import jax
import jax.numpy as jnp
from jax import lax
from jax.experimental import pallas as pl
from jax.experimental.pallas import tpu as pltpu
from jax.experimental.pallas import tpu_sc as plsc

N = 10000
E = 320000
D = 128
NPAD = 10240
HALF = 5000
HALFPAD = 5120
NSUB = 16
CH = 2000
EDGES_PER_SLOT = E // NSUB
NCHUNK = EDGES_PER_SLOT // CH
NEG = -3e38
F32 = jnp.float32


def _sc_compiler_params():
    cp = pltpu.CompilerParams()
    fields = pltpu.CompilerParams.__dataclass_fields__
    if "needs_layout_passes" in fields:
        cp = dataclasses.replace(cp, needs_layout_passes=False)
    if "use_tc_tiling_on_sc" in fields:
        cp = dataclasses.replace(cp, use_tc_tiling_on_sc=False)
    return cp


def _make_sc_edge(d):
    mesh = plsc.VectorSubcoreMesh(core_axis_name="c", subcore_axis_name="s")
    out_type = [
        jax.ShapeDtypeStruct((NPAD, 16), F32),
        jax.ShapeDtypeStruct((NPAD, NSUB * 16), F32),
    ]

    @functools.partial(
        pl.kernel,
        out_type=out_type,
        mesh=mesh,
        scratch_types=[
            pltpu.VMEM((CH,), jnp.int32),
            pltpu.VMEM((CH,), jnp.int32),
            pltpu.VMEM((CH, 16), F32),
            pltpu.VMEM((HALFPAD, 16), F32),
            pltpu.VMEM((16,), jnp.int32),
            pltpu.VMEM((16,), jnp.int32),
            pltpu.VMEM_SHARED((NPAD, 16), F32),
        ],
        compiler_params=_sc_compiler_params(),
    )
    def k(pb_hbm, src_hbm, dst_hbm, osum, omaxp, idxs, idxd, rows, mac,
          kbuf, mbuf, ssum):
        c = lax.axis_index("c")
        s = lax.axis_index("s")
        base = c * HALF

        neg = jnp.full((16,), NEG, F32)

        @pl.loop(0, HALFPAD)
        def _(i):
            mac[i, :] = neg

        zero = jnp.zeros((16,), F32)

        @pl.loop(0, 640)
        def _(i):
            rows[i, :] = zero

        pltpu.sync_copy(rows.at[pl.ds(0, 640)], ssum.at[pl.ds(s * 640, 640)])
        plsc.subcore_barrier()

        iot = lax.iota(jnp.int32, 16)

        @pl.loop(0, NCHUNK)
        def _(ci):
            e0 = s * EDGES_PER_SLOT + ci * CH
            pltpu.sync_copy(src_hbm.at[pl.ds(e0, CH)], idxs)
            pltpu.sync_copy(dst_hbm.at[pl.ds(e0, CH)], idxd)
            pltpu.sync_copy(pb_hbm.at[idxs], rows)

            @pl.when(c == 0)
            def _():
                pltpu.sync_copy(rows, ssum.at[idxd], add=True)

            @pl.loop(0, CH // 16)
            def _(v):
                d16 = idxd[pl.ds(v * 16, 16)]
                local = d16 - base
                act = (local >= 0) & (local < HALF)
                sl = jnp.where(act, local, 0)
                rix = iot + v * 16
                cols = [
                    plsc.load_gather(rows, [rix, jnp.full((16,), j, jnp.int32)])
                    for j in range(d)
                ]

                def cond(carry):
                    a, r = carry
                    return (jnp.max(a.astype(jnp.int32)) > 0) & (r < 16)

                def body(carry):
                    a, r = carry
                    sk, sv = plsc.sort_key_val(sl, iot, mask=a)[:2]
                    nact = jnp.sum(a.astype(jnp.int32))
                    kbuf[...] = sk
                    prevk = plsc.load_gather(kbuf, [jnp.maximum(iot - 1, 0)])
                    first = (iot < nact) & ((iot == 0) | (sk != prevk))
                    plsc.store_scatter(mbuf, [sv], first.astype(jnp.int32))
                    win = a & (plsc.load_gather(mbuf, [iot]) > 0)
                    for j in range(d):
                        cj = jnp.full((16,), j, jnp.int32)
                        cur = plsc.load_gather(mac, [sl, cj], mask=win)
                        plsc.store_scatter(
                            mac, [sl, cj], jnp.maximum(cur, cols[j]), mask=win
                        )
                    return a & jnp.logical_not(win), r + 1

                lax.while_loop(cond, body, (act, jnp.int32(0)))

        plsc.subcore_barrier()

        @pl.when(c == 0)
        def _():
            pltpu.sync_copy(ssum.at[pl.ds(s * 640, 640)],
                            osum.at[pl.ds(s * 640, 640)])

        pltpu.sync_copy(
            mac, omaxp.at[pl.ds(c * HALFPAD, HALFPAD), pl.ds(s * 16, 16)])

    return k


def _bn_lrelu(h, g, be, rowmask, nvalid):
    hm = jnp.where(rowmask, h, 0.0)
    mu = jnp.sum(hm, axis=0, keepdims=True) / nvalid
    var = jnp.sum(jnp.where(rowmask, (h - mu) ** 2, 0.0), axis=0,
                  keepdims=True) / nvalid
    hn = (h - mu) * lax.rsqrt(var + 1e-5) * g + be
    hn = jnp.where(hn > 0, hn, 0.01 * hn)
    return jnp.where(rowmask, hn, 0.0)


def _make_maxcmb():
    RB = 1024

    def body(omaxp_ref, m_ref):
        m = omaxp_ref[:, :16]
        for s_ in range(1, NSUB):
            m = jnp.maximum(m, omaxp_ref[:, s_ * 16:(s_ + 1) * 16])
        m_ref[...] = m

    return pl.pallas_call(
        body,
        grid=(NPAD // RB,),
        in_specs=[pl.BlockSpec((RB, NSUB * 16), lambda i: (i, 0))],
        out_specs=pl.BlockSpec((RB, 16), lambda i: (i, 0)),
        out_shape=jax.ShapeDtypeStruct((NPAD, 16), F32),
    )


def _combine(packed, bvec, d):
    pa, osum, mm = packed[:, :16], packed[:, 16:32], packed[:, 32:48]
    cnt = osum[:, d:d + 1]
    pab = pa[:, :d] + bvec[:, :d]
    ssum = osum[:, :d] + cnt * pab
    smean = ssum / jnp.maximum(cnt, 1.0)
    smax = jnp.where(cnt > 0, pab + mm[:, :d], 0.0)
    return jnp.concatenate([ssum, smean, smax], axis=1)


def _make_tc0():
    def body(x_ref, wcat_ref, out_ref):
        h = jnp.dot(x_ref[...], wcat_ref[...], preferred_element_type=F32)
        lane = lax.broadcasted_iota(jnp.int32, (NPAD, 32), 1)
        out_ref[...] = jnp.where(lane == 16 + 12, 1.0, h)

    return pl.pallas_call(
        body,
        out_shape=jax.ShapeDtypeStruct((NPAD, 32), F32),
    )


def _make_tcmid(d, d2):
    def body(packed_ref, bvec_ref, g_ref, be_ref, wcat_ref, out_ref):
        rowmask = lax.broadcasted_iota(jnp.int32, (NPAD, 1), 0) < N
        h = _combine(packed_ref[...], bvec_ref[...], d)
        h = _bn_lrelu(h, g_ref[...], be_ref[...], rowmask, float(N))
        nxt = jnp.dot(h, wcat_ref[...], preferred_element_type=F32)
        lane = lax.broadcasted_iota(jnp.int32, (NPAD, 32), 1)
        out_ref[...] = jnp.where(lane == 16 + d2, 1.0, nxt)

    return pl.pallas_call(
        body,
        out_shape=jax.ShapeDtypeStruct((NPAD, 32), F32),
    )


def _make_tcfinal(d):
    def body(packed_ref, bvec_ref, g_ref, be_ref,
             l1w_ref, l1b_ref, l2w_ref, l2b_ref, g4_ref, be4_ref,
             ow_ref, ob_ref, out_ref):
        rowmask = lax.broadcasted_iota(jnp.int32, (NPAD, 1), 0) < N
        h = _combine(packed_ref[...], bvec_ref[...], d)
        h = _bn_lrelu(h, g_ref[...], be_ref[...], rowmask, float(N))
        v = jnp.dot(h, l1w_ref[...], preferred_element_type=F32) + l1b_ref[...]
        v = jnp.where(v > 0, v, 0.01 * v)
        u = jnp.dot(v, l2w_ref[...], preferred_element_type=F32) + l2b_ref[...]
        u = _bn_lrelu(u, g4_ref[...], be4_ref[...], rowmask, float(N))
        o = jnp.dot(u, ow_ref[...], preferred_element_type=F32) + ob_ref[...]
        out_ref[...] = jnp.concatenate([o, jnp.zeros((NPAD, 7), F32)], axis=1)

    return pl.pallas_call(
        body,
        out_shape=jax.ShapeDtypeStruct((NPAD, 8), F32),
    )


def _pad_cols(a, w):
    return jnp.pad(a, ((0, 0), (0, w - a.shape[1])))


def _wcat(W, din):
    return jnp.concatenate(
        [_pad_cols(W[:, :din].T, 16), _pad_cols(W[:, din:].T, 16)], axis=1)


def _sc_edge(pb_pad, src, dst, d):
    return _make_sc_edge(d)(pb_pad, src, dst)


def kernel(x, edge_index, W1, b1, g1, be1, W2, b2, g2, be2, W3, b3, g3, be3,
           L1w, L1b, L2w, L2b, g4, be4, Ow, Ob):
    src = edge_index[0]
    dst = edge_index[1]
    x_pad = jnp.pad(x, ((0, NPAD - N), (0, 0)))

    row = lambda a: a.reshape(1, -1)

    def pack(papb, osum, omaxp):
        mraw = _make_maxcmb()(omaxp)
        mm = jnp.concatenate(
            [mraw[:HALF], mraw[HALFPAD:HALFPAD + HALF],
             jnp.zeros((NPAD - 2 * HALF, 16), F32)], axis=0)
        return jnp.concatenate([papb[:, :16], osum, mm], axis=1)

    papb = _make_tc0()(x_pad, _wcat(W1, D))
    osum, omaxp = _sc_edge(papb[:, 16:], src, dst, 12)
    papb = _make_tcmid(12, 9)(
        pack(papb, osum, omaxp), row(_pad_cols(b1.reshape(1, -1), 16)),
        row(g1), row(be1), _wcat(W2, 36))
    osum, omaxp = _sc_edge(papb[:, 16:], src, dst, 9)
    papb = _make_tcmid(9, 7)(
        pack(papb, osum, omaxp), row(_pad_cols(b2.reshape(1, -1), 16)),
        row(g2), row(be2), _wcat(W3, 27))
    osum, omaxp = _sc_edge(papb[:, 16:], src, dst, 7)
    out = _make_tcfinal(7)(
        pack(papb, osum, omaxp), row(_pad_cols(b3.reshape(1, -1), 16)),
        row(g3), row(be3),
        L1w.T, row(L1b), L2w.T, row(L2b), row(g4), row(be4),
        Ow.T, row(Ob))
    return out[:N, :1]

# --- scband reference (transcript-rebuilt; emitter-appended) ---
"""Pipeline reference for scband-dqn-value-16801912062369 (READ-ONLY COPY).

The authoritative reference and input builder live on the scoring server;
editing this copy changes nothing except your own understanding.
"""

import jax, jax.numpy as jnp
import numpy as np

N = 10000
E = 320000
D = 128
HID = [12, 9, 7, 30, 10]

def _u(key, shape, fan_in):
    b = 1.0 / np.sqrt(fan_in)
    return jax.random.uniform(key, shape, minval=-b, maxval=b, dtype=jnp.float32)

def setup_inputs(seed: int = 0):
    key = jax.random.key(seed)
    ks = jax.random.split(key, 16)
    inp = {}
    inp["x"] = jax.random.normal(ks[0], (N, D), dtype=jnp.float32)
    inp["edge_index"] = jax.random.randint(ks[1], (2, E), 0, N, dtype=jnp.int32)
    inp["W1"] = _u(ks[2], (HID[0], 2 * D), 2 * D)
    inp["b1"] = _u(ks[3], (HID[0],), 2 * D)
    inp["g1"] = jnp.ones((3 * HID[0],), jnp.float32)
    inp["be1"] = jnp.zeros((3 * HID[0],), jnp.float32)
    inp["W2"] = _u(ks[4], (HID[1], 6 * HID[0]), 6 * HID[0])
    inp["b2"] = _u(ks[5], (HID[1],), 6 * HID[0])
    inp["g2"] = jnp.ones((3 * HID[1],), jnp.float32)
    inp["be2"] = jnp.zeros((3 * HID[1],), jnp.float32)
    inp["W3"] = _u(ks[6], (HID[2], 6 * HID[1]), 6 * HID[1])
    inp["b3"] = _u(ks[7], (HID[2],), 6 * HID[1])
    inp["g3"] = jnp.ones((3 * HID[2],), jnp.float32)
    inp["be3"] = jnp.zeros((3 * HID[2],), jnp.float32)
    inp["L1w"] = _u(ks[8], (HID[3], 3 * HID[2]), 3 * HID[2])
    inp["L1b"] = _u(ks[9], (HID[3],), 3 * HID[2])
    inp["L2w"] = _u(ks[10], (HID[4], HID[3]), HID[3])
    inp["L2b"] = _u(ks[11], (HID[4],), HID[3])
    inp["g4"] = jnp.ones((HID[4],), jnp.float32)
    inp["be4"] = jnp.zeros((HID[4],), jnp.float32)
    inp["Ow"] = _u(ks[12], (1, HID[4]), HID[4])
    inp["Ob"] = _u(ks[13], (1,), HID[4])
    return inp

def _bn(h, g, b, eps=1e-5):
    mu = jnp.mean(h, axis=0, keepdims=True)
    var = jnp.var(h, axis=0, keepdims=True)
    return (h - mu) / jnp.sqrt(var + eps) * g + b

def _vrsp(x, src, dst, W, b):
    m = jnp.concatenate([jnp.take(x, dst, axis=0), jnp.take(x, src, axis=0)], axis=-1) @ W.T + b
    ones = jnp.ones((m.shape[0],), jnp.float32)
    cnt = jax.ops.segment_sum(ones, dst, num_segments=N)
    s_sum = jax.ops.segment_sum(m, dst, num_segments=N)
    s_mean = s_sum / jnp.maximum(cnt, 1.0)[:, None]
    s_max = jax.ops.segment_max(m, dst, num_segments=N)
    s_max = jnp.where(cnt[:, None] > 0, s_max, 0.0)
    return jnp.concatenate([s_sum, s_mean, s_max], axis=-1)

def reference(x, edge_index, W1, b1, g1, be1, W2, b2, g2, be2, W3, b3, g3, be3, L1w, L1b, L2w, L2b, g4, be4, Ow, Ob):
    src = edge_index[0]
    dst = edge_index[1]
    lrelu = lambda t: jax.nn.leaky_relu(t, 0.01)
    h = lrelu(_bn(_vrsp(x, src, dst, W1, b1), g1, be1))
    h = lrelu(_bn(_vrsp(h, src, dst, W2, b2), g2, be2))
    h = lrelu(_bn(_vrsp(h, src, dst, W3, b3), g3, be3))
    v = lrelu(h @ L1w.T + L1b)
    v = lrelu(_bn(v @ L2w.T + L2b, g4, be4))
    return v @ Ow.T + Ob

if __name__ == "__main__":
    import jax
    _d = setup_inputs()
    print(jax.jit(kernel)(*tuple(_d.values())))

</pallas_src>

<mosaic_0001>
#map = affine_map<(d0, d1) -> (0, 0)>
#map1 = affine_map<(d0, d1) -> (0)>
module attributes {stable_mosaic.version = 14 : i64} {
  func.func @k(%arg0: i32, %arg1: i32, %arg2: memref<10240x16xf32, #tpu.memory_space<hbm>>, %arg3: memref<320000xi32, #tpu.memory_space<hbm>>, %arg4: memref<320000xi32, #tpu.memory_space<hbm>>, %arg5: memref<10240x16xf32, #tpu.memory_space<hbm>>, %arg6: memref<10240x256xf32, #tpu.memory_space<hbm>>, %arg7: memref<2000xi32, #tpu.memory_space<vmem>>, %arg8: memref<2000xi32, #tpu.memory_space<vmem>>, %arg9: memref<2000x16xf32, #tpu.memory_space<vmem>>, %arg10: memref<5120x16xf32, #tpu.memory_space<vmem>>, %arg11: memref<16xi32, #tpu.memory_space<vmem>>, %arg12: memref<16xi32, #tpu.memory_space<vmem>>, %arg13: memref<10240x16xf32, #tpu.memory_space<vmem_shared>>) attributes {dimension_semantics = [#tpu.dimension_semantics<core_parallel>, #tpu.dimension_semantics<subcore_parallel>], iteration_bounds = array<i64: 2, 16>, scalar_prefetch = 0 : i64, scratch_operands = 7 : i64, tpu.core_type = #tpu.core_type<sc_vector_subcore>, window_params = [{transform_indices = #map}, {transform_indices = #map1}, {transform_indices = #map1}, {transform_indices = #map}, {transform_indices = #map}]} {
    %mul3A = arith.constant 5000 : i32
    %mul3A_0 = arith.muli %arg0, %mul3A : i32
    %broadcast_in_dim3A = arith.constant -3.000000e+38 : f32
    %broadcast_in_dim3A_1 = vector.broadcast %broadcast_in_dim3A : f32 to vector<16xf32>
    %scan3A = arith.constant 0 : i32
    %scan3A_2 = arith.constant 5120 : i32
    %scan3A_3 = arith.addi %scan3A, %scan3A_2 : i32
    %scan3A_4 = arith.constant 1 : i32
    scf.for %scan3A_27 = %scan3A to %scan3A_3 step %scan3A_4  : i32 {
      %mul3A_28 = arith.constant 1 : i32
      %mul3A_29 = arith.muli %scan3A_27, %mul3A_28 : i32
      %add3A = arith.constant 0 : i32
      %add3A_30 = arith.addi %add3A, %mul3A_29 : i32
      %swap3A = arith.index_cast %add3A_30 : i32 to index
      %swap3A_31 = arith.constant 0 : index
      %swap3A_32 = tpu.vector_load %arg10[%swap3A, %swap3A_31] {strides = array<i32>} : memref<5120x16xf32, #tpu.memory_space<vmem>>, vector<16xf32>,
      tpu.vector_store %arg10[%swap3A, %swap3A_31], %broadcast_in_dim3A_1 {strides = array<i32>} : memref<5120x16xf32, #tpu.memory_space<vmem>>, vector<16xf32>,
    }
    %scan3A_5 = arith.constant 5120 : i32
    %broadcast_in_dim3A_6 = arith.constant 0.000000e+00 : f32
    %broadcast_in_dim3A_7 = vector.broadcast %broadcast_in_dim3A_6 : f32 to vector<16xf32>
    %scan3A_8 = arith.constant 0 : i32
    %scan3A_9 = arith.constant 640 : i32
    %scan3A_10 = arith.addi %scan3A_8, %scan3A_9 : i32
    %scan3A_11 = arith.constant 1 : i32
    scf.for %scan3A_27 = %scan3A_8 to %scan3A_10 step %scan3A_11  : i32 {
      %mul3A_28 = arith.constant 1 : i32
      %mul3A_29 = arith.muli %scan3A_27, %mul3A_28 : i32
      %add3A = arith.constant 0 : i32
      %add3A_30 = arith.addi %add3A, %mul3A_29 : i32
      %swap3A = arith.index_cast %add3A_30 : i32 to index
      %swap3A_31 = arith.constant 0 : index
      %swap3A_32 = tpu.vector_load %arg9[%swap3A, %swap3A_31] {strides = array<i32>} : memref<2000x16xf32, #tpu.memory_space<vmem>>, vector<16xf32>,
      tpu.vector_store %arg9[%swap3A, %swap3A_31], %broadcast_in_dim3A_7 {strides = array<i32>} : memref<2000x16xf32, #tpu.memory_space<vmem>>, vector<16xf32>,
    }
    %scan3A_12 = arith.constant 640 : i32
    %mul3A_13 = arith.constant 640 : i32
    %mul3A_14 = arith.muli %arg1, %mul3A_13 : i32
    "tpu.region"() ({
      %run_scoped3A = tpu.sem_alloc : memref<!tpu.dma_semaphore, #tpu.memory_space<semaphore_mem>>
      %dma_start3A = arith.constant 0 : i32
      %dma_start3A_27 = arith.constant 0 : i32
      %dma_start3A_28 = tpu.memref_slice %arg9[%dma_start3A, %dma_start3A_27] : memref<2000x16xf32, #tpu.memory_space<vmem>> -> memref<640x16xf32, #tpu.memory_space<vmem>>
      %dma_start3A_29 = arith.constant 0 : i32
      %dma_start3A_30 = tpu.memref_slice %arg13[%mul3A_14, %dma_start3A_29] : memref<10240x16xf32, #tpu.memory_space<vmem_shared>> -> memref<640x16xf32, #tpu.memory_space<vmem_shared>>
      %dma_start3A_31 = arith.constant 0 : i32
      %dma_start3A_32 = tpu.memref_slice %arg13[%mul3A_14, %dma_start3A_31] : memref<10240x16xf32, #tpu.memory_space<vmem_shared>> -> memref<640x16xf32, #tpu.memory_space<vmem_shared>>
      %dma_start3A_33 = arith.constant 0 : i32
      %dma_start3A_34 = arith.constant 0 : i32
      %dma_start3A_35 = tpu.memref_slice %arg9[%dma_start3A_33, %dma_start3A_34] : memref<2000x16xf32, #tpu.memory_space<vmem>> -> memref<640x16xf32, #tpu.memory_space<vmem>>
      tpu.enqueue_dma source(%dma_start3A_35 : memref<640x16xf32, #tpu.memory_space<vmem>>) target(%dma_start3A_32 : memref<640x16xf32, #tpu.memory_space<vmem_shared>>) target_semaphore(%run_scoped3A : memref<!tpu.dma_semaphore, #tpu.memory_space<semaphore_mem>>)
      %dma_wait3A = arith.constant 0 : i32
      %dma_wait3A_36 = arith.constant 0 : i32
      %dma_wait3A_37 = tpu.memref_slice %arg9[%dma_wait3A, %dma_wait3A_36] : memref<2000x16xf32, #tpu.memory_space<vmem>> -> memref<640x16xf32, #tpu.memory_space<vmem>>
      %dma_wait3A_38 = arith.constant 0 : i32
      %dma_wait3A_39 = tpu.memref_slice %arg13[%mul3A_14, %dma_wait3A_38] : memref<10240x16xf32, #tpu.memory_space<vmem_shared>> -> memref<640x16xf32, #tpu.memory_space<vmem_shared>>
      %dma_wait3A_40 = arith.constant 0 : i32
      %dma_wait3A_41 = tpu.memref_slice %arg13[%mul3A_14, %dma_wait3A_40] : memref<10240x16xf32, #tpu.memory_space<vmem_shared>> -> memref<640x16xf32, #tpu.memory_space<vmem_shared>>
      %dma_wait3A_42 = arith.constant 0 : i32
      %dma_wait3A_43 = arith.constant 0 : i32
      %dma_wait3A_44 = tpu.memref_slice %arg9[%dma_wait3A_42, %dma_wait3A_43] : memref<2000x16xf32, #tpu.memory_space<vmem>> -> memref<640x16xf32, #tpu.memory_space<vmem>>
      tpu.wait_dma2 semaphore(%run_scoped3A : memref<!tpu.dma_semaphore, #tpu.memory_space<semaphore_mem>>) src(%dma_wait3A_44 : memref<640x16xf32, #tpu.memory_space<vmem>>) dst(%dma_wait3A_41 : memref<640x16xf32, #tpu.memory_space<vmem_shared>>)
      tpu.yield
    }) : () -> ()
    %barrier3A = arith.constant 0 : index
    tpu.barrier barrier_id(%barrier3A)
    %iota3A = tpu.iota {dimensions = array<i32: 0>} : vector<16xi32>
    %scan3A_15 = arith.constant 0 : i32
    %scan3A_16 = arith.constant 10 : i32
    %scan3A_17 = arith.addi %scan3A_15, %scan3A_16 : i32
    %scan3A_18 = arith.constant 1 : i32
    scf.for %scan3A_27 = %scan3A_15 to %scan3A_17 step %scan3A_18  : i32 {
      %mul3A_28 = arith.constant 1 : i32
      %mul3A_29 = arith.muli %scan3A_27, %mul3A_28 : i32
      %add3A = arith.constant 0 : i32
      %add3A_30 = arith.addi %add3A, %mul3A_29 : i32
      %mul3A_31 = arith.constant 20000 : i32
      %mul3A_32 = arith.muli %arg1, %mul3A_31 : i32
      %mul3A_33 = arith.constant 2000 : i32
      %mul3A_34 = arith.muli %add3A_30, %mul3A_33 : i32
      %add3A_35 = arith.addi %mul3A_32, %mul3A_34 : i32
      "tpu.region"() ({
        %run_scoped3A = tpu.sem_alloc : memref<!tpu.dma_semaphore, #tpu.memory_space<semaphore_mem>>
        %dma_start3A = tpu.memref_slice %arg3[%add3A_35] : memref<320000xi32, #tpu.memory_space<hbm>> -> memref<2000xi32, #tpu.memory_space<hbm>>
        %dma_start3A_46 = tpu.memref_slice %arg3[%add3A_35] : memref<320000xi32, #tpu.memory_space<hbm>> -> memref<2000xi32, #tpu.memory_space<hbm>>
        tpu.enqueue_dma source(%dma_start3A_46 : memref<2000xi32, #tpu.memory_space<hbm>>) target(%arg7 : memref<2000xi32, #tpu.memory_space<vmem>>) target_semaphore(%run_scoped3A : memref<!tpu.dma_semaphore, #tpu.memory_space<semaphore_mem>>)
        %dma_wait3A = tpu.memref_slice %arg3[%add3A_35] : memref<320000xi32, #tpu.memory_space<hbm>> -> memref<2000xi32, #tpu.memory_space<hbm>>
        %dma_wait3A_47 = tpu.memref_slice %arg3[%add3A_35] : memref<320000xi32, #tpu.memory_space<hbm>> -> memref<2000xi32, #tpu.memory_space<hbm>>
        tpu.wait_dma2 semaphore(%run_scoped3A : memref<!tpu.dma_semaphore, #tpu.memory_space<semaphore_mem>>) src(%dma_wait3A_47 : memref<2000xi32, #tpu.memory_space<hbm>>) dst(%arg7 : memref<2000xi32, #tpu.memory_space<vmem>>)
        tpu.yield
      }) : () -> ()
      "tpu.region"() ({
        %run_scoped3A = tpu.sem_alloc : memref<!tpu.dma_semaphore, #tpu.memory_space<semaphore_mem>>
        %dma_start3A = tpu.memref_slice %arg4[%add3A_35] : memref<320000xi32, #tpu.memory_space<hbm>> -> memref<2000xi32, #tpu.memory_space<hbm>>
        %dma_start3A_46 = tpu.memref_slice %arg4[%add3A_35] : memref<320000xi32, #tpu.memory_space<hbm>> -> memref<2000xi32, #tpu.memory_space<hbm>>
        tpu.enqueue_dma source(%dma_start3A_46 : memref<2000xi32, #tpu.memory_space<hbm>>) target(%arg8 : memref<2000xi32, #tpu.memory_space<vmem>>) target_semaphore(%run_scoped3A : memref<!tpu.dma_semaphore, #tpu.memory_space<semaphore_mem>>)
        %dma_wait3A = tpu.memref_slice %arg4[%add3A_35] : memref<320000xi32, #tpu.memory_space<hbm>> -> memref<2000xi32, #tpu.memory_space<hbm>>
        %dma_wait3A_47 = tpu.memref_slice %arg4[%add3A_35] : memref<320000xi32, #tpu.memory_space<hbm>> -> memref<2000xi32, #tpu.memory_space<hbm>>
        tpu.wait_dma2 semaphore(%run_scoped3A : memref<!tpu.dma_semaphore, #tpu.memory_space<semaphore_mem>>) src(%dma_wait3A_47 : memref<2000xi32, #tpu.memory_space<hbm>>) dst(%arg8 : memref<2000xi32, #tpu.memory_space<vmem>>)
        tpu.yield
      }) : () -> ()
      "tpu.region"() ({
        %run_scoped3A = tpu.sem_alloc : memref<!tpu.dma_semaphore, #tpu.memory_space<semaphore_mem>>
        %dma_start3A = arith.constant 0 : i32
        %dma_start3A_46 = arith.constant 0 : i32
        %dma_start3A_47 = tpu.memref_slice %arg2[%dma_start3A, %dma_start3A_46] : memref<10240x16xf32, #tpu.memory_space<hbm>> -> memref<10240x16xf32, #tpu.memory_space<hbm>>
        tpu.enqueue_indirect_dma source(%dma_start3A_47 : memref<10240x16xf32, #tpu.memory_space<hbm>>) target(%arg9 : memref<2000x16xf32, #tpu.memory_space<vmem>>) offsets(%arg7 : memref<2000xi32, #tpu.memory_space<vmem>>) semaphore(%run_scoped3A : memref<!tpu.dma_semaphore, #tpu.memory_space<semaphore_mem>>)
        %dma_wait3A = arith.constant 0 : i32
        %dma_wait3A_48 = arith.constant 0 : i32
        %dma_wait3A_49 = tpu.memref_slice %arg2[%dma_wait3A, %dma_wait3A_48] : memref<10240x16xf32, #tpu.memory_space<hbm>> -> memref<10240x16xf32, #tpu.memory_space<hbm>>
        tpu.wait_indirect_dma semaphore(%run_scoped3A : memref<!tpu.dma_semaphore, #tpu.memory_space<semaphore_mem>>) src(%dma_wait3A_49 : memref<10240x16xf32, #tpu.memory_space<hbm>>) dst(%arg9 : memref<2000x16xf32, #tpu.memory_space<vmem>>)
        tpu.yield
      }) : () -> ()
      %eq3A_36 = arith.constant 0 : i32
      %eq3A_37 = arith.cmpi eq, %arg0, %eq3A_36 : i32
      %convert_element_type3A_38 = arith.extui %eq3A_37 : i1 to i32
      %cond3A_39 = arith.constant 0 : i32
      %cond3A_40 = arith.cmpi ne, %convert_element_type3A_38, %cond3A_39 : i32
      scf.if %cond3A_40 {
        "tpu.region"() ({
          %run_scoped3A = tpu.sem_alloc : memref<!tpu.dma_semaphore, #tpu.memory_space<semaphore_mem>>
          %dma_start3A = arith.constant 0 : i32
          %dma_start3A_46 = arith.constant 0 : i32
          %dma_start3A_47 = tpu.memref_slice %arg13[%dma_start3A, %dma_start3A_46] : memref<10240x16xf32, #tpu.memory_space<vmem_shared>> -> memref<10240x16xf32, #tpu.memory_space<vmem_shared>>
          tpu.enqueue_indirect_dma source(%arg9 : memref<2000x16xf32, #tpu.memory_space<vmem>>) target(%dma_start3A_47 : memref<10240x16xf32, #tpu.memory_space<vmem_shared>>) offsets(%arg8 : memref<2000xi32, #tpu.memory_space<vmem>>) semaphore(%run_scoped3A : memref<!tpu.dma_semaphore, #tpu.memory_space<semaphore_mem>>) {add = true}
          %dma_wait3A = arith.constant 0 : i32
          %dma_wait3A_48 = arith.constant 0 : i32
          %dma_wait3A_49 = tpu.memref_slice %arg13[%dma_wait3A, %dma_wait3A_48] : memref<10240x16xf32, #tpu.memory_space<vmem_shared>> -> memref<10240x16xf32, #tpu.memory_space<vmem_shared>>
          tpu.wait_indirect_dma semaphore(%run_scoped3A : memref<!tpu.dma_semaphore, #tpu.memory_space<semaphore_mem>>) src(%arg9 : memref<2000x16xf32, #tpu.memory_space<vmem>>) dst(%dma_wait3A_49 : memref<10240x16xf32, #tpu.memory_space<vmem_shared>>)
          tpu.yield
        }) : () -> ()
      } else {
      }
      %scan3A_41 = arith.constant 0 : i32
      %scan3A_42 = arith.constant 125 : i32
      %scan3A_43 = arith.addi %scan3A_41, %scan3A_42 : i32
      %scan3A_44 = arith.constant 1 : i32
      scf.for %scan3A_46 = %scan3A_41 to %scan3A_43 step %scan3A_44  : i32 {
        %mul3A_47 = arith.constant 1 : i32
        %mul3A_48 = arith.muli %scan3A_46, %mul3A_47 : i32
        %add3A_49 = arith.constant 0 : i32
        %add3A_50 = arith.addi %add3A_49, %mul3A_48 : i32
        %mul3A_51 = arith.constant 16 : i32
        %mul3A_52 = arith.muli %add3A_50, %mul3A_51 : i32
        %get3A = arith.index_cast %mul3A_52 : i32 to index
        %get3A_53 = tpu.vector_load %arg8[%get3A] {strides = array<i32>} : memref<2000xi32, #tpu.memory_space<vmem>>, vector<16xi32>,
        %sub3A = vector.broadcast %mul3A_0 : i32 to vector<16xi32>
        %sub3A_54 = arith.subi %get3A_53, %sub3A : vector<16xi32>
        %ge3A = arith.constant 0 : i32
        %ge3A_55 = vector.broadcast %ge3A : i32 to vector<16xi32>
        %ge3A_56 = arith.cmpi sge, %sub3A_54, %ge3A_55 : vector<16xi32>
        %lt3A = arith.constant 5000 : i32
        %lt3A_57 = vector.broadcast %lt3A : i32 to vector<16xi32>
        %lt3A_58 = arith.cmpi slt, %sub3A_54, %lt3A_57 : vector<16xi32>
        %and3A = arith.andi %ge3A_56, %lt3A_58 : vector<16xi1>
        %jit3A = arith.constant 0 : i32
        %broadcast_in_dim3A_59 = vector.broadcast %jit3A : i32 to vector<16xi32>
        %select_n3A = arith.select %and3A, %sub3A_54, %broadcast_in_dim3A_59 : vector<16xi1>, vector<16xi32>
        %mul3A_60 = arith.constant 16 : i32
        %mul3A_61 = arith.muli %add3A_50, %mul3A_60 : i32
        %add3A_62 = vector.broadcast %mul3A_61 : i32 to vector<16xi32>
        %add3A_63 = arith.addi %iota3A, %add3A_62 : vector<16xi32>
        %broadcast_in_dim3A_64 = arith.constant 0 : i32
        %broadcast_in_dim3A_65 = vector.broadcast %broadcast_in_dim3A_64 : i32 to vector<16xi32>
        %gather3A = tpu.vector_load_idx %arg9[%add3A_63, %broadcast_in_dim3A_65] : memref<2000x16xf32, #tpu.memory_space<vmem>>[vector<16xi32>, vector<16xi32>], vector<16xf32>,
        %broadcast_in_dim3A_66 = arith.constant 1 : i32
        %broadcast_in_dim3A_67 = vector.broadcast %broadcast_in_dim3A_66 : i32 to vector<16xi32>
        %gather3A_68 = tpu.vector_load_idx %arg9[%add3A_63, %broadcast_in_dim3A_67] : memref<2000x16xf32, #tpu.memory_space<vmem>>[vector<16xi32>, vector<16xi32>], vector<16xf32>,
        %broadcast_in_dim3A_69 = arith.constant 2 : i32
        %broadcast_in_dim3A_70 = vector.broadcast %broadcast_in_dim3A_69 : i32 to vector<16xi32>
        %gather3A_71 = tpu.vector_load_idx %arg9[%add3A_63, %broadcast_in_dim3A_70] : memref<2000x16xf32, #tpu.memory_space<vmem>>[vector<16xi32>, vector<16xi32>], vector<16xf32>,
        %broadcast_in_dim3A_72 = arith.constant 3 : i32
        %broadcast_in_dim3A_73 = vector.broadcast %broadcast_in_dim3A_72 : i32 to vector<16xi32>
        %gather3A_74 = tpu.vector_load_idx %arg9[%add3A_63, %broadcast_in_dim3A_73] : memref<2000x16xf32, #tpu.memory_space<vmem>>[vector<16xi32>, vector<16xi32>], vector<16xf32>,
        %broadcast_in_dim3A_75 = arith.constant 4 : i32
        %broadcast_in_dim3A_76 = vector.broadcast %broadcast_in_dim3A_75 : i32 to vector<16xi32>
        %gather3A_77 = tpu.vector_load_idx %arg9[%add3A_63, %broadcast_in_dim3A_76] : memref<2000x16xf32, #tpu.memory_space<vmem>>[vector<16xi32>, vector<16xi32>], vector<16xf32>,
        %broadcast_in_dim3A_78 = arith.constant 5 : i32
        %broadcast_in_dim3A_79 = vector.broadcast %broadcast_in_dim3A_78 : i32 to vector<16xi32>
        %gather3A_80 = tpu.vector_load_idx %arg9[%add3A_63, %broadcast_in_dim3A_79] : memref<2000x16xf32, #tpu.memory_space<vmem>>[vector<16xi32>, vector<16xi32>], vector<16xf32>,
        %broadcast_in_dim3A_81 = arith.constant 6 : i32
        %broadcast_in_dim3A_82 = vector.broadcast %broadcast_in_dim3A_81 : i32 to vector<16xi32>
        %gather3A_83 = tpu.vector_load_idx %arg9[%add3A_63, %broadcast_in_dim3A_82] : memref<2000x16xf32, #tpu.memory_space<vmem>>[vector<16xi32>, vector<16xi32>], vector<16xf32>,
        %broadcast_in_dim3A_84 = arith.constant 7 : i32
        %broadcast_in_dim3A_85 = vector.broadcast %broadcast_in_dim3A_84 : i32 to vector<16xi32>
        %gather3A_86 = tpu.vector_load_idx %arg9[%add3A_63, %broadcast_in_dim3A_85] : memref<2000x16xf32, #tpu.memory_space<vmem>>[vector<16xi32>, vector<16xi32>], vector<16xf32>,
        %broadcast_in_dim3A_87 = arith.constant 8 : i32
        %broadcast_in_dim3A_88 = vector.broadcast %broadcast_in_dim3A_87 : i32 to vector<16xi32>
        %gather3A_89 = tpu.vector_load_idx %arg9[%add3A_63, %broadcast_in_dim3A_88] : memref<2000x16xf32, #tpu.memory_space<vmem>>[vector<16xi32>, vector<16xi32>], vector<16xf32>,
        %broadcast_in_dim3A_90 = arith.constant 9 : i32
        %broadcast_in_dim3A_91 = vector.broadcast %broadcast_in_dim3A_90 : i32 to vector<16xi32>
        %gather3A_92 = tpu.vector_load_idx %arg9[%add3A_63, %broadcast_in_dim3A_91] : memref<2000x16xf32, #tpu.memory_space<vmem>>[vector<16xi32>, vector<16xi32>], vector<16xf32>,
        %broadcast_in_dim3A_93 = arith.constant 10 : i32
        %broadcast_in_dim3A_94 = vector.broadcast %broadcast_in_dim3A_93 : i32 to vector<16xi32>
        %gather3A_95 = tpu.vector_load_idx %arg9[%add3A_63, %broadcast_in_dim3A_94] : memref<2000x16xf32, #tpu.memory_space<vmem>>[vector<16xi32>, vector<16xi32>], vector<16xf32>,
        %broadcast_in_dim3A_96 = arith.constant 11 : i32
        %broadcast_in_dim3A_97 = vector.broadcast %broadcast_in_dim3A_96 : i32 to vector<16xi32>
        %gather3A_98 = tpu.vector_load_idx %arg9[%add3A_63, %broadcast_in_dim3A_97] : memref<2000x16xf32, #tpu.memory_space<vmem>>[vector<16xi32>, vector<16xi32>], vector<16xf32>,
        %while3A = arith.constant 0 : i32
        %while3A_99:2 = scf.while (%while3A_100 = %and3A, %while3A_101 = %while3A) : (vector<16xi1>, i32) -> (vector<16xi1>, i32) {
          %convert_element_type3A_102 = arith.extui %while3A_100 : vector<16xi1> to vector<16xi32>
          %reduce_max3A = arith.constant true
          %reduce_max3A_103 = vector.broadcast %reduce_max3A : i1 to vector<16xi1>
          %reduce_max3A_104 = arith.constant -2147483648 : i32
          %reduce_max3A_105 = vector.broadcast %reduce_max3A_104 : i32 to vector<16xi32>
          %reduce_max3A_106 = arith.xori %convert_element_type3A_102, %reduce_max3A_105 : vector<16xi32>
          %reduce_max3A_107 = tpu.scan <max>, %reduce_max3A_106 masked %reduce_max3A_103 : vector<16xi32>, vector<16xi1> -> vector<16xi32>
          %reduce_max3A_108 = arith.xori %reduce_max3A_107, %reduce_max3A_105 : vector<16xi32>
          %reduce_max3A_109 = vector.extract %reduce_max3A_108[15] : i32 from vector<16xi32>
          %gt3A = arith.constant 0 : i32
          %gt3A_110 = arith.cmpi sgt, %reduce_max3A_109, %gt3A : i32
          %lt3A_111 = arith.constant 16 : i32
          %lt3A_112 = arith.cmpi slt, %while3A_101, %lt3A_111 : i32
          %and3A_113 = arith.andi %gt3A_110, %lt3A_112 : i1
          scf.condition(%and3A_113) %while3A_100, %while3A_101 : vector<16xi1>, i32
        } do {
        ^bb0(%while3A_100: vector<16xi1>, %while3A_101: i32):
          %masked_sort3A = arith.constant -2147483648 : i32
          %masked_sort3A_102 = vector.broadcast %masked_sort3A : i32 to vector<16xi32>
          %masked_sort3A_103 = arith.xori %select_n3A, %masked_sort3A_102 : vector<16xi32>
          %masked_sort3A_104, %masked_sort3A_105, %masked_sort3A_106 = tpu.sort %masked_sort3A_103, %iota3A masked %while3A_100 : (vector<16xi32>, vector<16xi32>, vector<16xi1>) -> (vector<16xi1>, vector<16xi32>, vector<16xi32>)
          %masked_sort3A_107 = arith.xori %masked_sort3A_105, %masked_sort3A_102 : vector<16xi32>
          %convert_element_type3A_108 = arith.extui %while3A_100 : vector<16xi1> to vector<16xi32>
          %reduce_sum3A = arith.constant true
          %reduce_sum3A_109 = vector.broadcast %reduce_sum3A : i1 to vector<16xi1>
          %reduce_sum3A_110 = tpu.scan <sum>, %convert_element_type3A_108 masked %reduce_sum3A_109 : vector<16xi32>, vector<16xi1> -> vector<16xi32>
          %reduce_sum3A_111 = vector.extract %reduce_sum3A_110[15] : i32 from vector<16xi32>
          %swap3A = arith.constant 0 : index
          %swap3A_112 = tpu.vector_load %arg11[%swap3A] {strides = array<i32>} : memref<16xi32, #tpu.memory_space<vmem>>, vector<16xi32>,
          tpu.vector_store %arg11[%swap3A], %masked_sort3A_107 {strides = array<i32>} : memref<16xi32, #tpu.memory_space<vmem>>, vector<16xi32>,
          %sub3A_113 = arith.constant 1 : i32
          %sub3A_114 = vector.broadcast %sub3A_113 : i32 to vector<16xi32>
          %sub3A_115 = arith.subi %iota3A, %sub3A_114 : vector<16xi32>
          %max3A = arith.constant 0 : i32
          %max3A_116 = vector.broadcast %max3A : i32 to vector<16xi32>
          %max3A_117 = arith.maxsi %sub3A_115, %max3A_116 : vector<16xi32>
          %gather3A_118 = tpu.vector_load_idx %arg11[%max3A_117] : memref<16xi32, #tpu.memory_space<vmem>>[vector<16xi32>], vector<16xi32>,
          %lt3A_119 = vector.broadcast %reduce_sum3A_111 : i32 to vector<16xi32>
          %lt3A_120 = arith.cmpi slt, %iota3A, %lt3A_119 : vector<16xi32>
          %eq3A_121 = arith.constant 0 : i32
          %eq3A_122 = vector.broadcast %eq3A_121 : i32 to vector<16xi32>
          %eq3A_123 = arith.cmpi eq, %iota3A, %eq3A_122 : vector<16xi32>
          %ne3A = arith.cmpi ne, %masked_sort3A_107, %gather3A_118 : vector<16xi32>
          %or3A = arith.ori %eq3A_123, %ne3A : vector<16xi1>
          %and3A_124 = arith.andi %lt3A_120, %or3A : vector<16xi1>
          %convert_element_type3A_125 = arith.extui %and3A_124 : vector<16xi1> to vector<16xi32>
          tpu.vector_store_idx %arg12[%masked_sort3A_106], %convert_element_type3A_125 : memref<16xi32, #tpu.memory_space<vmem>>[vector<16xi32>], vector<16xi32>,
          %gather3A_126 = tpu.vector_load_idx %arg12[%iota3A] : memref<16xi32, #tpu.memory_space<vmem>>[vector<16xi32>], vector<16xi32>,
          %gt3A = arith.constant 0 : i32
          %gt3A_127 = vector.broadcast %gt3A : i32 to vector<16xi32>
          %gt3A_128 = arith.cmpi sgt, %gather3A_126, %gt3A_127 : vector<16xi32>
          %and3A_129 = arith.andi %while3A_100, %gt3A_128 : vector<16xi1>
          %broadcast_in_dim3A_130 = arith.constant 0 : i32
          %broadcast_in_dim3A_131 = vector.broadcast %broadcast_in_dim3A_130 : i32 to vector<16xi32>
          %gather3A_132 = tpu.vector_load_idx %arg10[%select_n3A, %broadcast_in_dim3A_131] masked %and3A_129 : memref<5120x16xf32, #tpu.memory_space<vmem>>[vector<16xi32>, vector<16xi32>], vector<16xf32>, vector<16xi1>
          %max3A_133 = arith.maximumf %gather3A_132, %gather3A : vector<16xf32>
          tpu.vector_store_idx %arg10[%select_n3A, %broadcast_in_dim3A_131], %max3A_133 masked %and3A_129 : memref<5120x16xf32, #tpu.memory_space<vmem>>[vector<16xi32>, vector<16xi32>], vector<16xf32>, vector<16xi1>
          %broadcast_in_dim3A_134 = arith.constant 1 : i32
          %broadcast_in_dim3A_135 = vector.broadcast %broadcast_in_dim3A_134 : i32 to vector<16xi32>
          %gather3A_136 = tpu.vector_load_idx %arg10[%select_n3A, %broadcast_in_dim3A_135] masked %and3A_129 : memref<5120x16xf32, #tpu.memory_space<vmem>>[vector<16xi32>, vector<16xi32>], vector<16xf32>, vector<16xi1>
          %max3A_137 = arith.maximumf %gather3A_136, %gather3A_68 : vector<16xf32>
          tpu.vector_store_idx %arg10[%select_n3A, %broadcast_in_dim3A_135], %max3A_137 masked %and3A_129 : memref<5120x16xf32, #tpu.memory_space<vmem>>[vector<16xi32>, vector<16xi32>], vector<16xf32>, vector<16xi1>
          %broadcast_in_dim3A_138 = arith.constant 2 : i32
          %broadcast_in_dim3A_139 = vector.broadcast %broadcast_in_dim3A_138 : i32 to vector<16xi32>
          %gather3A_140 = tpu.vector_load_idx %arg10[%select_n3A, %broadcast_in_dim3A_139] masked %and3A_129 : memref<5120x16xf32, #tpu.memory_space<vmem>>[vector<16xi32>, vector<16xi32>], vector<16xf32>, vector<16xi1>
          %max3A_141 = arith.maximumf %gather3A_140, %gather3A_71 : vector<16xf32>
          tpu.vector_store_idx %arg10[%select_n3A, %broadcast_in_dim3A_139], %max3A_141 masked %and3A_129 : memref<5120x16xf32, #tpu.memory_space<vmem>>[vector<16xi32>, vector<16xi32>], vector<16xf32>, vector<16xi1>
          %broadcast_in_dim3A_142 = arith.constant 3 : i32
          %broadcast_in_dim3A_143 = vector.broadcast %broadcast_in_dim3A_142 : i32 to vector<16xi32>
          %gather3A_144 = tpu.vector_load_idx %arg10[%select_n3A, %broadcast_in_dim3A_143] masked %and3A_129 : memref<5120x16xf32, #tpu.memory_space<vmem>>[vector<16xi32>, vector<16xi32>], vector<16xf32>, vector<16xi1>
          %max3A_145 = arith.maximumf %gather3A_144, %gather3A_74 : vector<16xf32>
          tpu.vector_store_idx %arg10[%select_n3A, %broadcast_in_dim3A_143], %max3A_145 masked %and3A_129 : memref<5120x16xf32, #tpu.memory_space<vmem>>[vector<16xi32>, vector<16xi32>], vector<16xf32>, vector<16xi1>
          %broadcast_in_dim3A_146 = arith.constant 4 : i32
          %broadcast_in_dim3A_147 = vector.broadcast %broadcast_in_dim3A_146 : i32 to vector<16xi32>
          %gather3A_148 = tpu.vector_load_idx %arg10[%select_n3A, %broadcast_in_dim3A_147] masked %and3A_129 : memref<5120x16xf32, #tpu.memory_space<vmem>>[vector<16xi32>, vector<16xi32>], vector<16xf32>, vector<16xi1>
          %max3A_149 = arith.maximumf %gather3A_148, %gather3A_77 : vector<16xf32>
          tpu.vector_store_idx %arg10[%select_n3A, %broadcast_in_dim3A_147], %max3A_149 masked %and3A_129 : memref<5120x16xf32, #tpu.memory_space<vmem>>[vector<16xi32>, vector<16xi32>], vector<16xf32>, vector<16xi1>
          %broadcast_in_dim3A_150 = arith.constant 5 : i32
          %broadcast_in_dim3A_151 = vector.broadcast %broadcast_in_dim3A_150 : i32 to vector<16xi32>
          %gather3A_152 = tpu.vector_load_idx %arg10[%select_n3A, %broadcast_in_dim3A_151] masked %and3A_129 : memref<5120x16xf32, #tpu.memory_space<vmem>>[vector<16xi32>, vector<16xi32>], vector<16xf32>, vector<16xi1>
          %max3A_153 = arith.maximumf %gather3A_152, %gather3A_80 : vector<16xf32>
          tpu.vector_store_idx %arg10[%select_n3A, %broadcast_in_dim3A_151], %max3A_153 masked %and3A_129 : memref<5120x16xf32, #tpu.memory_space<vmem>>[vector<16xi32>, vector<16xi32>], vector<16xf32>, vector<16xi1>
          %broadcast_in_dim3A_154 = arith.constant 6 : i32
          %broadcast_in_dim3A_155 = vector.broadcast %broadcast_in_dim3A_154 : i32 to vector<16xi32>
          %gather3A_156 = tpu.vector_load_idx %arg10[%select_n3A, %broadcast_in_dim3A_155] masked %and3A_129 : memref<5120x16xf32, #tpu.memory_space<vmem>>[vector<16xi32>, vector<16xi32>], vector<16xf32>, vector<16xi1>
          %max3A_157 = arith.maximumf %gather3A_156, %gather3A_83 : vector<16xf32>
          tpu.vector_store_idx %arg10[%select_n3A, %broadcast_in_dim3A_155], %max3A_157 masked %and3A_129 : memref<5120x16xf32, #tpu.memory_space<vmem>>[vector<16xi32>, vector<16xi32>], vector<16xf32>, vector<16xi1>
          %broadcast_in_dim3A_158 = arith.constant 7 : i32
          %broadcast_in_dim3A_159 = vector.broadcast %broadcast_in_dim3A_158 : i32 to vector<16xi32>
          %gather3A_160 = tpu.vector_load_idx %arg10[%select_n3A, %broadcast_in_dim3A_159] masked %and3A_129 : memref<5120x16xf32, #tpu.memory_space<vmem>>[vector<16xi32>, vector<16xi32>], vector<16xf32>, vector<16xi1>
          %max3A_161 = arith.maximumf %gather3A_160, %gather3A_86 : vector<16xf32>
          tpu.vector_store_idx %arg10[%select_n3A, %broadcast_in_dim3A_159], %max3A_161 masked %and3A_129 : memref<5120x16xf32, #tpu.memory_space<vmem>>[vector<16xi32>, vector<16xi32>], vector<16xf32>, vector<16xi1>
          %broadcast_in_dim3A_162 = arith.constant 8 : i32
          %broadcast_in_dim3A_163 = vector.broadcast %broadcast_in_dim3A_162 : i32 to vector<16xi32>
          %gather3A_164 = tpu.vector_load_idx %arg10[%select_n3A, %broadcast_in_dim3A_163] masked %and3A_129 : memref<5120x16xf32, #tpu.memory_space<vmem>>[vector<16xi32>, vector<16xi32>], vector<16xf32>, vector<16xi1>
          %max3A_165 = arith.maximumf %gather3A_164, %gather3A_89 : vector<16xf32>
          tpu.vector_store_idx %arg10[%select_n3A, %broadcast_in_dim3A_163], %max3A_165 masked %and3A_129 : memref<5120x16xf32, #tpu.memory_space<vmem>>[vector<16xi32>, vector<16xi32>], vector<16xf32>, vector<16xi1>
          %broadcast_in_dim3A_166 = arith.constant 9 : i32
          %broadcast_in_dim3A_167 = vector.broadcast %broadcast_in_dim3A_166 : i32 to vector<16xi32>
          %gather3A_168 = tpu.vector_load_idx %arg10[%select_n3A, %broadcast_in_dim3A_167] masked %and3A_129 : memref<5120x16xf32, #tpu.memory_space<vmem>>[vector<16xi32>, vector<16xi32>], vector<16xf32>, vector<16xi1>
          %max3A_169 = arith.maximumf %gather3A_168, %gather3A_92 : vector<16xf32>
          tpu.vector_store_idx %arg10[%select_n3A, %broadcast_in_dim3A_167], %max3A_169 masked %and3A_129 : memref<5120x16xf32, #tpu.memory_space<vmem>>[vector<16xi32>, vector<16xi32>], vector<16xf32>, vector<16xi1>
          %broadcast_in_dim3A_170 = arith.constant 10 : i32
          %broadcast_in_dim3A_171 = vector.broadcast %broadcast_in_dim3A_170 : i32 to vector<16xi32>
          %gather3A_172 = tpu.vector_load_idx %arg10[%select_n3A, %broadcast_in_dim3A_171] masked %and3A_129 : memref<5120x16xf32, #tpu.memory_space<vmem>>[vector<16xi32>, vector<16xi32>], vector<16xf32>, vector<16xi1>
          %max3A_173 = arith.maximumf %gather3A_172, %gather3A_95 : vector<16xf32>
          tpu.vector_store_idx %arg10[%select_n3A, %broadcast_in_dim3A_171], %max3A_173 masked %and3A_129 : memref<5120x16xf32, #tpu.memory_space<vmem>>[vector<16xi32>, vector<16xi32>], vector<16xf32>, vector<16xi1>
          %broadcast_in_dim3A_174 = arith.constant 11 : i32
          %broadcast_in_dim3A_175 = vector.broadcast %broadcast_in_dim3A_174 : i32 to vector<16xi32>
          %gather3A_176 = tpu.vector_load_idx %arg10[%select_n3A, %broadcast_in_dim3A_175] masked %and3A_129 : memref<5120x16xf32, #tpu.memory_space<vmem>>[vector<16xi32>, vector<16xi32>], vector<16xf32>, vector<16xi1>
          %max3A_177 = arith.maximumf %gather3A_176, %gather3A_98 : vector<16xf32>
          tpu.vector_store_idx %arg10[%select_n3A, %broadcast_in_dim3A_175], %max3A_177 masked %and3A_129 : memref<5120x16xf32, #tpu.memory_space<vmem>>[vector<16xi32>, vector<16xi32>], vector<16xf32>, vector<16xi1>
          %not3A = arith.constant dense<true> : vector<16xi1>
          %not3A_178 = arith.xori %and3A_129, %not3A : vector<16xi1>
          %and3A_179 = arith.andi %while3A_100, %not3A_178 : vector<16xi1>
          %add3A_180 = arith.constant 1 : i32
          %add3A_181 = arith.addi %while3A_101, %add3A_180 : i32
          scf.yield %and3A_179, %add3A_181 : vector<16xi1>, i32
        }
      }
      %scan3A_45 = arith.constant 125 : i32
    }
    %scan3A_19 = arith.constant 10 : i32
    %barrier3A_20 = arith.constant 0 : index
    tpu.barrier barrier_id(%barrier3A_20)
    %eq3A = arith.constant 0 : i32
    %eq3A_21 = arith.cmpi eq, %arg0, %eq3A : i32
    %convert_element_type3A = arith.extui %eq3A_21 : i1 to i32
    %cond3A = arith.constant 0 : i32
    %cond3A_22 = arith.cmpi ne, %convert_element_type3A, %cond3A : i32
    scf.if %cond3A_22 {
      %mul3A_27 = arith.constant 640 : i32
      %mul3A_28 = arith.muli %arg1, %mul3A_27 : i32
      %mul3A_29 = arith.constant 640 : i32
      %mul3A_30 = arith.muli %arg1, %mul3A_29 : i32
      "tpu.region"() ({
        %run_scoped3A = tpu.sem_alloc : memref<!tpu.dma_semaphore, #tpu.memory_space<semaphore_mem>>
        %dma_start3A = arith.constant 0 : i32
        %dma_start3A_31 = tpu.memref_slice %arg5[%mul3A_30, %dma_start3A] : memref<10240x16xf32, #tpu.memory_space<hbm>> -> memref<640x16xf32, #tpu.memory_space<hbm>>
        %dma_start3A_32 = arith.constant 0 : i32
        %dma_start3A_33 = tpu.memref_slice %arg13[%mul3A_28, %dma_start3A_32] : memref<10240x16xf32, #tpu.memory_space<vmem_shared>> -> memref<640x16xf32, #tpu.memory_space<vmem_shared>>
        tpu.enqueue_dma source(%dma_start3A_33 : memref<640x16xf32, #tpu.memory_space<vmem_shared>>) target(%dma_start3A_31 : memref<640x16xf32, #tpu.memory_space<hbm>>) target_semaphore(%run_scoped3A : memref<!tpu.dma_semaphore, #tpu.memory_space<semaphore_mem>>)
        %dma_wait3A = arith.constant 0 : i32
        %dma_wait3A_34 = tpu.memref_slice %arg5[%mul3A_30, %dma_wait3A] : memref<10240x16xf32, #tpu.memory_space<hbm>> -> memref<640x16xf32, #tpu.memory_space<hbm>>
        %dma_wait3A_35 = arith.constant 0 : i32
        %dma_wait3A_36 = tpu.memref_slice %arg13[%mul3A_28, %dma_wait3A_35] : memref<10240x16xf32, #tpu.memory_space<vmem_shared>> -> memref<640x16xf32, #tpu.memory_space<vmem_shared>>
        tpu.wait_dma2 semaphore(%run_scoped3A : memref<!tpu.dma_semaphore, #tpu.memory_space<semaphore_mem>>) src(%dma_wait3A_36 : memref<640x16xf32, #tpu.memory_space<vmem_shared>>) dst(%dma_wait3A_34 : memref<640x16xf32, #tpu.memory_space<hbm>>)
        tpu.yield
      }) : () -> ()
    } else {
    }
    %mul3A_23 = arith.constant 5120 : i32
    %mul3A_24 = arith.muli %arg0, %mul3A_23 : i32
    %mul3A_25 = arith.constant 16 : i32
    %mul3A_26 = arith.muli %arg1, %mul3A_25 : i32
    "tpu.region"() ({
      %run_scoped3A = tpu.sem_alloc : memref<!tpu.dma_semaphore, #tpu.memory_space<semaphore_mem>>
      %dma_start3A = tpu.memref_slice %arg6[%mul3A_24, %mul3A_26] : memref<10240x256xf32, #tpu.memory_space<hbm>> -> memref<5120x16xf32, #tpu.memory_space<hbm>>
      %dma_start3A_27 = tpu.memref_slice %arg6[%mul3A_24, %mul3A_26] : memref<10240x256xf32, #tpu.memory_space<hbm>> -> memref<5120x16xf32, #tpu.memory_space<hbm>>
      tpu.enqueue_dma source(%arg10 : memref<5120x16xf32, #tpu.memory_space<vmem>>) target(%dma_start3A_27 : memref<5120x16xf32, #tpu.memory_space<hbm>>) target_semaphore(%run_scoped3A : memref<!tpu.dma_semaphore, #tpu.memory_space<semaphore_mem>>)
      %dma_wait3A = tpu.memref_slice %arg6[%mul3A_24, %mul3A_26] : memref<10240x256xf32, #tpu.memory_space<hbm>> -> memref<5120x16xf32, #tpu.memory_space<hbm>>
      %dma_wait3A_28 = tpu.memref_slice %arg6[%mul3A_24, %mul3A_26] : memref<10240x256xf32, #tpu.memory_space<hbm>> -> memref<5120x16xf32, #tpu.memory_space<hbm>>
      tpu.wait_dma2 semaphore(%run_scoped3A : memref<!tpu.dma_semaphore, #tpu.memory_space<semaphore_mem>>) src(%arg10 : memref<5120x16xf32, #tpu.memory_space<vmem>>) dst(%dma_wait3A_28 : memref<5120x16xf32, #tpu.memory_space<hbm>>)
      tpu.yield
    }) : () -> ()
    return
  }
}

#map = affine_map<(d0, d1) -> (0, 0)>
#map1 = affine_map<(d0, d1) -> (0)>
module attributes {stable_mosaic.version = 14 : i64} {
  func.func @k(%arg0: i32, %arg1: i32, %arg2: memref<10240x16xf32, #tpu.memory_space<hbm>>, %arg3: memref<320000xi32, #tpu.memory_space<hbm>>, %arg4: memref<320000xi32, #tpu.memory_space<hbm>>, %arg5: memref<10240x16xf32, #tpu.memory_space<hbm>>, %arg6: memref<10240x256xf32, #tpu.memory_space<hbm>>, %arg7: memref<2000xi32, #tpu.memory_space<vmem>>, %arg8: memref<2000xi32, #tpu.memory_space<vmem>>, %arg9: memref<2000x16xf32, #tpu.memory_space<vmem>>, %arg10: memref<5120x16xf32, #tpu.memory_space<vmem>>, %arg11: memref<16xi32, #tpu.memory_space<vmem>>, %arg12: memref<16xi32, #tpu.memory_space<vmem>>, %arg13: memref<10240x16xf32, #tpu.memory_space<vmem_shared>>) attributes {dimension_semantics = [#tpu.dimension_semantics<core_parallel>, #tpu.dimension_semantics<subcore_parallel>], iteration_bounds = array<i64: 2, 16>, scalar_prefetch = 0 : i64, scratch_operands = 7 : i64, tpu.core_type = #tpu.core_type<sc_vector_subcore>, window_params = [{transform_indices = #map}, {transform_indices = #map1}, {transform_indices = #map1}, {transform_indices = #map}, {transform_indices = #map}]} {
    %mul3A = arith.constant 5000 : i32
    %mul3A_0 = arith.muli %arg0, %mul3A : i32
    %broadcast_in_dim3A = arith.constant -3.000000e+38 : f32
    %broadcast_in_dim3A_1 = vector.broadcast %broadcast_in_dim3A : f32 to vector<16xf32>
    %scan3A = arith.constant 0 : i32
    %scan3A_2 = arith.constant 5120 : i32
    %scan3A_3 = arith.addi %scan3A, %scan3A_2 : i32
    %scan3A_4 = arith.constant 1 : i32
    scf.for %scan3A_27 = %scan3A to %scan3A_3 step %scan3A_4  : i32 {
      %mul3A_28 = arith.constant 1 : i32
      %mul3A_29 = arith.muli %scan3A_27, %mul3A_28 : i32
      %add3A = arith.constant 0 : i32
      %add3A_30 = arith.addi %add3A, %mul3A_29 : i32
      %swap3A = arith.index_cast %add3A_30 : i32 to index
      %swap3A_31 = arith.constant 0 : index
      %swap3A_32 = tpu.vector_load %arg10[%swap3A, %swap3A_31] {strides = array<i32>} : memref<5120x16xf32, #tpu.memory_space<vmem>>, vector<16xf32>,
      tpu.vector_store %arg10[%swap3A, %swap3A_31], %broadcast_in_dim3A_1 {strides = array<i32>} : memref<5120x16xf32, #tpu.memory_space<vmem>>, vector<16xf32>,
    }
    %scan3A_5 = arith.constant 5120 : i32
    %broadcast_in_dim3A_6 = arith.constant 0.000000e+00 : f32
    %broadcast_in_dim3A_7 = vector.broadcast %broadcast_in_dim3A_6 : f32 to vector<16xf32>
    %scan3A_8 = arith.constant 0 : i32
    %scan3A_9 = arith.constant 640 : i32
    %scan3A_10 = arith.addi %scan3A_8, %scan3A_9 : i32
    %scan3A_11 = arith.constant 1 : i32
    scf.for %scan3A_27 = %scan3A_8 to %scan3A_10 step %scan3A_11  : i32 {
      %mul3A_28 = arith.constant 1 : i32
      %mul3A_29 = arith.muli %scan3A_27, %mul3A_28 : i32
      %add3A = arith.constant 0 : i32
      %add3A_30 = arith.addi %add3A, %mul3A_29 : i32
      %swap3A = arith.index_cast %add3A_30 : i32 to index
      %swap3A_31 = arith.constant 0 : index
      %swap3A_32 = tpu.vector_load %arg9[%swap3A, %swap3A_31] {strides = array<i32>} : memref<2000x16xf32, #tpu.memory_space<vmem>>, vector<16xf32>,
      tpu.vector_store %arg9[%swap3A, %swap3A_31], %broadcast_in_dim3A_7 {strides = array<i32>} : memref<2000x16xf32, #tpu.memory_space<vmem>>, vector<16xf32>,
    }
    %scan3A_12 = arith.constant 640 : i32
    %mul3A_13 = arith.constant 640 : i32
    %mul3A_14 = arith.muli %arg1, %mul3A_13 : i32
    "tpu.region"() ({
      %run_scoped3A = tpu.sem_alloc : memref<!tpu.dma_semaphore, #tpu.memory_space<semaphore_mem>>
      %dma_start3A = arith.constant 0 : i32
      %dma_start3A_27 = arith.constant 0 : i32
      %dma_start3A_28 = tpu.memref_slice %arg9[%dma_start3A, %dma_start3A_27] : memref<2000x16xf32, #tpu.memory_space<vmem>> -> memref<640x16xf32, #tpu.memory_space<vmem>>
      %dma_start3A_29 = arith.constant 0 : i32
      %dma_start3A_30 = tpu.memref_slice %arg13[%mul3A_14, %dma_start3A_29] : memref<10240x16xf32, #tpu.memory_space<vmem_shared>> -> memref<640x16xf32, #tpu.memory_space<vmem_shared>>
      %dma_start3A_31 = arith.constant 0 : i32
      %dma_start3A_32 = tpu.memref_slice %arg13[%mul3A_14, %dma_start3A_31] : memref<10240x16xf32, #tpu.memory_space<vmem_shared>> -> memref<640x16xf32, #tpu.memory_space<vmem_shared>>
      %dma_start3A_33 = arith.constant 0 : i32
      %dma_start3A_34 = arith.constant 0 : i32
      %dma_start3A_35 = tpu.memref_slice %arg9[%dma_start3A_33, %dma_start3A_34] : memref<2000x16xf32, #tpu.memory_space<vmem>> -> memref<640x16xf32, #tpu.memory_space<vmem>>
      tpu.enqueue_dma source(%dma_start3A_35 : memref<640x16xf32, #tpu.memory_space<vmem>>) target(%dma_start3A_32 : memref<640x16xf32, #tpu.memory_space<vmem_shared>>) target_semaphore(%run_scoped3A : memref<!tpu.dma_semaphore, #tpu.memory_space<semaphore_mem>>)
      %dma_wait3A = arith.constant 0 : i32
      %dma_wait3A_36 = arith.constant 0 : i32
      %dma_wait3A_37 = tpu.memref_slice %arg9[%dma_wait3A, %dma_wait3A_36] : memref<2000x16xf32, #tpu.memory_space<vmem>> -> memref<640x16xf32, #tpu.memory_space<vmem>>
      %dma_wait3A_38 = arith.constant 0 : i32
      %dma_wait3A_39 = tpu.memref_slice %arg13[%mul3A_14, %dma_wait3A_38] : memref<10240x16xf32, #tpu.memory_space<vmem_shared>> -> memref<640x16xf32, #tpu.memory_space<vmem_shared>>
      %dma_wait3A_40 = arith.constant 0 : i32
      %dma_wait3A_41 = tpu.memref_slice %arg13[%mul3A_14, %dma_wait3A_40] : memref<10240x16xf32, #tpu.memory_space<vmem_shared>> -> memref<640x16xf32, #tpu.memory_space<vmem_shared>>
      %dma_wait3A_42 = arith.constant 0 : i32
      %dma_wait3A_43 = arith.constant 0 : i32
      %dma_wait3A_44 = tpu.memref_slice %arg9[%dma_wait3A_42, %dma_wait3A_43] : memref<2000x16xf32, #tpu.memory_space<vmem>> -> memref<640x16xf32, #tpu.memory_space<vmem>>
      tpu.wait_dma2 semaphore(%run_scoped3A : memref<!tpu.dma_semaphore, #tpu.memory_space<semaphore_mem>>) src(%dma_wait3A_44 : memref<640x16xf32, #tpu.memory_space<vmem>>) dst(%dma_wait3A_41 : memref<640x16xf32, #tpu.memory_space<vmem_shared>>)
      tpu.yield
    }) : () -> ()
    %barrier3A = arith.constant 0 : index
    tpu.barrier barrier_id(%barrier3A)
    %iota3A = tpu.iota {dimensions = array<i32: 0>} : vector<16xi32>
    %scan3A_15 = arith.constant 0 : i32
    %scan3A_16 = arith.constant 10 : i32
    %scan3A_17 = arith.addi %scan3A_15, %scan3A_16 : i32
    %scan3A_18 = arith.constant 1 : i32
    scf.for %scan3A_27 = %scan3A_15 to %scan3A_17 step %scan3A_18  : i32 {
      %mul3A_28 = arith.constant 1 : i32
      %mul3A_29 = arith.muli %scan3A_27, %mul3A_28 : i32
      %add3A = arith.constant 0 : i32
      %add3A_30 = arith.addi %add3A, %mul3A_29 : i32
      %mul3A_31 = arith.constant 20000 : i32
      %mul3A_32 = arith.muli %arg1, %mul3A_31 : i32
      %mul3A_33 = arith.constant 2000 : i32
      %mul3A_34 = arith.muli %add3A_30, %mul3A_33 : i32
      %add3A_35 = arith.addi %mul3A_32, %mul3A_34 : i32
      "tpu.region"() ({
        %run_scoped3A = tpu.sem_alloc : memref<!tpu.dma_semaphore, #tpu.memory_space<semaphore_mem>>
        %dma_start3A = tpu.memref_slice %arg3[%add3A_35] : memref<320000xi32, #tpu.memory_space<hbm>> -> memref<2000xi32, #tpu.memory_space<hbm>>
        %dma_start3A_46 = tpu.memref_slice %arg3[%add3A_35] : memref<320000xi32, #tpu.memory_space<hbm>> -> memref<2000xi32, #tpu.memory_space<hbm>>
        tpu.enqueue_dma source(%dma_start3A_46 : memref<2000xi32, #tpu.memory_space<hbm>>) target(%arg7 : memref<2000xi32, #tpu.memory_space<vmem>>) target_semaphore(%run_scoped3A : memref<!tpu.dma_semaphore, #tpu.memory_space<semaphore_mem>>)
        %dma_wait3A = tpu.memref_slice %arg3[%add3A_35] : memref<320000xi32, #tpu.memory_space<hbm>> -> memref<2000xi32, #tpu.memory_space<hbm>>
        %dma_wait3A_47 = tpu.memref_slice %arg3[%add3A_35] : memref<320000xi32, #tpu.memory_space<hbm>> -> memref<2000xi32, #tpu.memory_space<hbm>>
        tpu.wait_dma2 semaphore(%run_scoped3A : memref<!tpu.dma_semaphore, #tpu.memory_space<semaphore_mem>>) src(%dma_wait3A_47 : memref<2000xi32, #tpu.memory_space<hbm>>) dst(%arg7 : memref<2000xi32, #tpu.memory_space<vmem>>)
        tpu.yield
      }) : () -> ()
      "tpu.region"() ({
        %run_scoped3A = tpu.sem_alloc : memref<!tpu.dma_semaphore, #tpu.memory_space<semaphore_mem>>
        %dma_start3A = tpu.memref_slice %arg4[%add3A_35] : memref<320000xi32, #tpu.memory_space<hbm>> -> memref<2000xi32, #tpu.memory_space<hbm>>
        %dma_start3A_46 = tpu.memref_slice %arg4[%add3A_35] : memref<320000xi32, #tpu.memory_space<hbm>> -> memref<2000xi32, #tpu.memory_space<hbm>>
        tpu.enqueue_dma source(%dma_start3A_46 : memref<2000xi32, #tpu.memory_space<hbm>>) target(%arg8 : memref<2000xi32, #tpu.memory_space<vmem>>) target_semaphore(%run_scoped3A : memref<!tpu.dma_semaphore, #tpu.memory_space<semaphore_mem>>)
        %dma_wait3A = tpu.memref_slice %arg4[%add3A_35] : memref<320000xi32, #tpu.memory_space<hbm>> -> memref<2000xi32, #tpu.memory_space<hbm>>
        %dma_wait3A_47 = tpu.memref_slice %arg4[%add3A_35] : memref<320000xi32, #tpu.memory_space<hbm>> -> memref<2000xi32, #tpu.memory_space<hbm>>
        tpu.wait_dma2 semaphore(%run_scoped3A : memref<!tpu.dma_semaphore, #tpu.memory_space<semaphore_mem>>) src(%dma_wait3A_47 : memref<2000xi32, #tpu.memory_space<hbm>>) dst(%arg8 : memref<2000xi32, #tpu.memory_space<vmem>>)
        tpu.yield
      }) : () -> ()
      "tpu.region"() ({
        %run_scoped3A = tpu.sem_alloc : memref<!tpu.dma_semaphore, #tpu.memory_space<semaphore_mem>>
        %dma_start3A = arith.constant 0 : i32
        %dma_start3A_46 = arith.constant 0 : i32
        %dma_start3A_47 = tpu.memref_slice %arg2[%dma_start3A, %dma_start3A_46] : memref<10240x16xf32, #tpu.memory_space<hbm>> -> memref<10240x16xf32, #tpu.memory_space<hbm>>
        tpu.enqueue_indirect_dma source(%dma_start3A_47 : memref<10240x16xf32, #tpu.memory_space<hbm>>) target(%arg9 : memref<2000x16xf32, #tpu.memory_space<vmem>>) offsets(%arg7 : memref<2000xi32, #tpu.memory_space<vmem>>) semaphore(%run_scoped3A : memref<!tpu.dma_semaphore, #tpu.memory_space<semaphore_mem>>)
        %dma_wait3A = arith.constant 0 : i32
        %dma_wait3A_48 = arith.constant 0 : i32
        %dma_wait3A_49 = tpu.memref_slice %arg2[%dma_wait3A, %dma_wait3A_48] : memref<10240x16xf32, #tpu.memory_space<hbm>> -> memref<10240x16xf32, #tpu.memory_space<hbm>>
        tpu.wait_indirect_dma semaphore(%run_scoped3A : memref<!tpu.dma_semaphore, #tpu.memory_space<semaphore_mem>>) src(%dma_wait3A_49 : memref<10240x16xf32, #tpu.memory_space<hbm>>) dst(%arg9 : memref<2000x16xf32, #tpu.memory_space<vmem>>)
        tpu.yield
      }) : () -> ()
      %eq3A_36 = arith.constant 0 : i32
      %eq3A_37 = arith.cmpi eq, %arg0, %eq3A_36 : i32
      %convert_element_type3A_38 = arith.extui %eq3A_37 : i1 to i32
      %cond3A_39 = arith.constant 0 : i32
      %cond3A_40 = arith.cmpi ne, %convert_element_type3A_38, %cond3A_39 : i32
      scf.if %cond3A_40 {
        "tpu.region"() ({
          %run_scoped3A = tpu.sem_alloc : memref<!tpu.dma_semaphore, #tpu.memory_space<semaphore_mem>>
          %dma_start3A = arith.constant 0 : i32
          %dma_start3A_46 = arith.constant 0 : i32
          %dma_start3A_47 = tpu.memref_slice %arg13[%dma_start3A, %dma_start3A_46] : memref<10240x16xf32, #tpu.memory_space<vmem_shared>> -> memref<10240x16xf32, #tpu.memory_space<vmem_shared>>
          tpu.enqueue_indirect_dma source(%arg9 : memref<2000x16xf32, #tpu.memory_space<vmem>>) target(%dma_start3A_47 : memref<10240x16xf32, #tpu.memory_space<vmem_shared>>) offsets(%arg8 : memref<2000xi32, #tpu.memory_space<vmem>>) semaphore(%run_scoped3A : memref<!tpu.dma_semaphore, #tpu.memory_space<semaphore_mem>>) {add = true}
          %dma_wait3A = arith.constant 0 : i32
          %dma_wait3A_48 = arith.constant 0 : i32
          %dma_wait3A_49 = tpu.memref_slice %arg13[%dma_wait3A, %dma_wait3A_48] : memref<10240x16xf32, #tpu.memory_space<vmem_shared>> -> memref<10240x16xf32, #tpu.memory_space<vmem_shared>>
          tpu.wait_indirect_dma semaphore(%run_scoped3A : memref<!tpu.dma_semaphore, #tpu.memory_space<semaphore_mem>>) src(%arg9 : memref<2000x16xf32, #tpu.memory_space<vmem>>) dst(%dma_wait3A_49 : memref<10240x16xf32, #tpu.memory_space<vmem_shared>>)
          tpu.yield
        }) : () -> ()
      } else {
      }
      %scan3A_41 = arith.constant 0 : i32
      %scan3A_42 = arith.constant 125 : i32
      %scan3A_43 = arith.addi %scan3A_41, %scan3A_42 : i32
      %scan3A_44 = arith.constant 1 : i32
      scf.for %scan3A_46 = %scan3A_41 to %scan3A_43 step %scan3A_44  : i32 {
        %mul3A_47 = arith.constant 1 : i32
        %mul3A_48 = arith.muli %scan3A_46, %mul3A_47 : i32
        %add3A_49 = arith.constant 0 : i32
        %add3A_50 = arith.addi %add3A_49, %mul3A_48 : i32
        %mul3A_51 = arith.constant 16 : i32
        %mul3A_52 = arith.muli %add3A_50, %mul3A_51 : i32
        %get3A = arith.index_cast %mul3A_52 : i32 to index
        %get3A_53 = tpu.vector_load %arg8[%get3A] {strides = array<i32>} : memref<2000xi32, #tpu.memory_space<vmem>>, vector<16xi32>,
        %sub3A = vector.broadcast %mul3A_0 : i32 to vector<16xi32>
        %sub3A_54 = arith.subi %get3A_53, %sub3A : vector<16xi32>
        %ge3A = arith.constant 0 : i32
        %ge3A_55 = vector.broadcast %ge3A : i32 to vector<16xi32>
        %ge3A_56 = arith.cmpi sge, %sub3A_54, %ge3A_55 : vector<16xi32>
        %lt3A = arith.constant 5000 : i32
        %lt3A_57 = vector.broadcast %lt3A : i32 to vector<16xi32>
        %lt3A_58 = arith.cmpi slt, %sub3A_54, %lt3A_57 : vector<16xi32>
        %and3A = arith.andi %ge3A_56, %lt3A_58 : vector<16xi1>
        %jit3A = arith.constant 0 : i32
        %broadcast_in_dim3A_59 = vector.broadcast %jit3A : i32 to vector<16xi32>
        %select_n3A = arith.select %and3A, %sub3A_54, %broadcast_in_dim3A_59 : vector<16xi1>, vector<16xi32>
        %mul3A_60 = arith.constant 16 : i32
        %mul3A_61 = arith.muli %add3A_50, %mul3A_60 : i32
        %add3A_62 = vector.broadcast %mul3A_61 : i32 to vector<16xi32>
        %add3A_63 = arith.addi %iota3A, %add3A_62 : vector<16xi32>
        %broadcast_in_dim3A_64 = arith.constant 0 : i32
        %broadcast_in_dim3A_65 = vector.broadcast %broadcast_in_dim3A_64 : i32 to vector<16xi32>
        %gather3A = tpu.vector_load_idx %arg9[%add3A_63, %broadcast_in_dim3A_65] : memref<2000x16xf32, #tpu.memory_space<vmem>>[vector<16xi32>, vector<16xi32>], vector<16xf32>,
        %broadcast_in_dim3A_66 = arith.constant 1 : i32
        %broadcast_in_dim3A_67 = vector.broadcast %broadcast_in_dim3A_66 : i32 to vector<16xi32>
        %gather3A_68 = tpu.vector_load_idx %arg9[%add3A_63, %broadcast_in_dim3A_67] : memref<2000x16xf32, #tpu.memory_space<vmem>>[vector<16xi32>, vector<16xi32>], vector<16xf32>,
        %broadcast_in_dim3A_69 = arith.constant 2 : i32
        %broadcast_in_dim3A_70 = vector.broadcast %broadcast_in_dim3A_69 : i32 to vector<16xi32>
        %gather3A_71 = tpu.vector_load_idx %arg9[%add3A_63, %broadcast_in_dim3A_70] : memref<2000x16xf32, #tpu.memory_space<vmem>>[vector<16xi32>, vector<16xi32>], vector<16xf32>,
        %broadcast_in_dim3A_72 = arith.constant 3 : i32
        %broadcast_in_dim3A_73 = vector.broadcast %broadcast_in_dim3A_72 : i32 to vector<16xi32>
        %gather3A_74 = tpu.vector_load_idx %arg9[%add3A_63, %broadcast_in_dim3A_73] : memref<2000x16xf32, #tpu.memory_space<vmem>>[vector<16xi32>, vector<16xi32>], vector<16xf32>,
        %broadcast_in_dim3A_75 = arith.constant 4 : i32
        %broadcast_in_dim3A_76 = vector.broadcast %broadcast_in_dim3A_75 : i32 to vector<16xi32>
        %gather3A_77 = tpu.vector_load_idx %arg9[%add3A_63, %broadcast_in_dim3A_76] : memref<2000x16xf32, #tpu.memory_space<vmem>>[vector<16xi32>, vector<16xi32>], vector<16xf32>,
        %broadcast_in_dim3A_78 = arith.constant 5 : i32
        %broadcast_in_dim3A_79 = vector.broadcast %broadcast_in_dim3A_78 : i32 to vector<16xi32>
        %gather3A_80 = tpu.vector_load_idx %arg9[%add3A_63, %broadcast_in_dim3A_79] : memref<2000x16xf32, #tpu.memory_space<vmem>>[vector<16xi32>, vector<16xi32>], vector<16xf32>,
        %broadcast_in_dim3A_81 = arith.constant 6 : i32
        %broadcast_in_dim3A_82 = vector.broadcast %broadcast_in_dim3A_81 : i32 to vector<16xi32>
        %gather3A_83 = tpu.vector_load_idx %arg9[%add3A_63, %broadcast_in_dim3A_82] : memref<2000x16xf32, #tpu.memory_space<vmem>>[vector<16xi32>, vector<16xi32>], vector<16xf32>,
        %while3A = arith.constant 0 : i32
        %while3A_84:2 = scf.while (%while3A_85 = %and3A, %while3A_86 = %while3A) : (vector<16xi1>, i32) -> (vector<16xi1>, i32) {
          %convert_element_type3A_87 = arith.extui %while3A_85 : vector<16xi1> to vector<16xi32>
          %reduce_max3A = arith.constant true
          %reduce_max3A_88 = vector.broadcast %reduce_max3A : i1 to vector<16xi1>
          %reduce_max3A_89 = arith.constant -2147483648 : i32
          %reduce_max3A_90 = vector.broadcast %reduce_max3A_89 : i32 to vector<16xi32>
          %reduce_max3A_91 = arith.xori %convert_element_type3A_87, %reduce_max3A_90 : vector<16xi32>
          %reduce_max3A_92 = tpu.scan <max>, %reduce_max3A_91 masked %reduce_max3A_88 : vector<16xi32>, vector<16xi1> -> vector<16xi32>
          %reduce_max3A_93 = arith.xori %reduce_max3A_92, %reduce_max3A_90 : vector<16xi32>
          %reduce_max3A_94 = vector.extract %reduce_max3A_93[15] : i32 from vector<16xi32>
          %gt3A = arith.constant 0 : i32
          %gt3A_95 = arith.cmpi sgt, %reduce_max3A_94, %gt3A : i32
          %lt3A_96 = arith.constant 16 : i32
          %lt3A_97 = arith.cmpi slt, %while3A_86, %lt3A_96 : i32
          %and3A_98 = arith.andi %gt3A_95, %lt3A_97 : i1
          scf.condition(%and3A_98) %while3A_85, %while3A_86 : vector<16xi1>, i32
        } do {
        ^bb0(%while3A_85: vector<16xi1>, %while3A_86: i32):
          %masked_sort3A = arith.constant -2147483648 : i32
          %masked_sort3A_87 = vector.broadcast %masked_sort3A : i32 to vector<16xi32>
          %masked_sort3A_88 = arith.xori %select_n3A, %masked_sort3A_87 : vector<16xi32>
          %masked_sort3A_89, %masked_sort3A_90, %masked_sort3A_91 = tpu.sort %masked_sort3A_88, %iota3A masked %while3A_85 : (vector<16xi32>, vector<16xi32>, vector<16xi1>) -> (vector<16xi1>, vector<16xi32>, vector<16xi32>)
          %masked_sort3A_92 = arith.xori %masked_sort3A_90, %masked_sort3A_87 : vector<16xi32>
          %convert_element_type3A_93 = arith.extui %while3A_85 : vector<16xi1> to vector<16xi32>
          %reduce_sum3A = arith.constant true
          %reduce_sum3A_94 = vector.broadcast %reduce_sum3A : i1 to vector<16xi1>
          %reduce_sum3A_95 = tpu.scan <sum>, %convert_element_type3A_93 masked %reduce_sum3A_94 : vector<16xi32>, vector<16xi1> -> vector<16xi32>
          %reduce_sum3A_96 = vector.extract %reduce_sum3A_95[15] : i32 from vector<16xi32>
          %swap3A = arith.constant 0 : index
          %swap3A_97 = tpu.vector_load %arg11[%swap3A] {strides = array<i32>} : memref<16xi32, #tpu.memory_space<vmem>>, vector<16xi32>,
          tpu.vector_store %arg11[%swap3A], %masked_sort3A_92 {strides = array<i32>} : memref<16xi32, #tpu.memory_space<vmem>>, vector<16xi32>,
          %sub3A_98 = arith.constant 1 : i32
          %sub3A_99 = vector.broadcast %sub3A_98 : i32 to vector<16xi32>
          %sub3A_100 = arith.subi %iota3A, %sub3A_99 : vector<16xi32>
          %max3A = arith.constant 0 : i32
          %max3A_101 = vector.broadcast %max3A : i32 to vector<16xi32>
          %max3A_102 = arith.maxsi %sub3A_100, %max3A_101 : vector<16xi32>
          %gather3A_103 = tpu.vector_load_idx %arg11[%max3A_102] : memref<16xi32, #tpu.memory_space<vmem>>[vector<16xi32>], vector<16xi32>,
          %lt3A_104 = vector.broadcast %reduce_sum3A_96 : i32 to vector<16xi32>
          %lt3A_105 = arith.cmpi slt, %iota3A, %lt3A_104 : vector<16xi32>
          %eq3A_106 = arith.constant 0 : i32
          %eq3A_107 = vector.broadcast %eq3A_106 : i32 to vector<16xi32>
          %eq3A_108 = arith.cmpi eq, %iota3A, %eq3A_107 : vector<16xi32>
          %ne3A = arith.cmpi ne, %masked_sort3A_92, %gather3A_103 : vector<16xi32>
          %or3A = arith.ori %eq3A_108, %ne3A : vector<16xi1>
          %and3A_109 = arith.andi %lt3A_105, %or3A : vector<16xi1>
          %convert_element_type3A_110 = arith.extui %and3A_109 : vector<16xi1> to vector<16xi32>
          tpu.vector_store_idx %arg12[%masked_sort3A_91], %convert_element_type3A_110 : memref<16xi32, #tpu.memory_space<vmem>>[vector<16xi32>], vector<16xi32>,
          %gather3A_111 = tpu.vector_load_idx %arg12[%iota3A] : memref<16xi32, #tpu.memory_space<vmem>>[vector<16xi32>], vector<16xi32>,
          %gt3A = arith.constant 0 : i32
          %gt3A_112 = vector.broadcast %gt3A : i32 to vector<16xi32>
          %gt3A_113 = arith.cmpi sgt, %gather3A_111, %gt3A_112 : vector<16xi32>
          %and3A_114 = arith.andi %while3A_85, %gt3A_113 : vector<16xi1>
          %broadcast_in_dim3A_115 = arith.constant 0 : i32
          %broadcast_in_dim3A_116 = vector.broadcast %broadcast_in_dim3A_115 : i32 to vector<16xi32>
          %gather3A_117 = tpu.vector_load_idx %arg10[%select_n3A, %broadcast_in_dim3A_116] masked %and3A_114 : memref<5120x16xf32, #tpu.memory_space<vmem>>[vector<16xi32>, vector<16xi32>], vector<16xf32>, vector<16xi1>
          %max3A_118 = arith.maximumf %gather3A_117, %gather3A : vector<16xf32>
          tpu.vector_store_idx %arg10[%select_n3A, %broadcast_in_dim3A_116], %max3A_118 masked %and3A_114 : memref<5120x16xf32, #tpu.memory_space<vmem>>[vector<16xi32>, vector<16xi32>], vector<16xf32>, vector<16xi1>
          %broadcast_in_dim3A_119 = arith.constant 1 : i32
          %broadcast_in_dim3A_120 = vector.broadcast %broadcast_in_dim3A_119 : i32 to vector<16xi32>
          %gather3A_121 = tpu.vector_load_idx %arg10[%select_n3A, %broadcast_in_dim3A_120] masked %and3A_114 : memref<5120x16xf32, #tpu.memory_space<vmem>>[vector<16xi32>, vector<16xi32>], vector<16xf32>, vector<16xi1>
          %max3A_122 = arith.maximumf %gather3A_121, %gather3A_68 : vector<16xf32>
          tpu.vector_store_idx %arg10[%select_n3A, %broadcast_in_dim3A_120], %max3A_122 masked %and3A_114 : memref<5120x16xf32, #tpu.memory_space<vmem>>[vector<16xi32>, vector<16xi32>], vector<16xf32>, vector<16xi1>
          %broadcast_in_dim3A_123 = arith.constant 2 : i32
          %broadcast_in_dim3A_124 = vector.broadcast %broadcast_in_dim3A_123 : i32 to vector<16xi32>
          %gather3A_125 = tpu.vector_load_idx %arg10[%select_n3A, %broadcast_in_dim3A_124] masked %and3A_114 : memref<5120x16xf32, #tpu.memory_space<vmem>>[vector<16xi32>, vector<16xi32>], vector<16xf32>, vector<16xi1>
          %max3A_126 = arith.maximumf %gather3A_125, %gather3A_71 : vector<16xf32>
          tpu.vector_store_idx %arg10[%select_n3A, %broadcast_in_dim3A_124], %max3A_126 masked %and3A_114 : memref<5120x16xf32, #tpu.memory_space<vmem>>[vector<16xi32>, vector<16xi32>], vector<16xf32>, vector<16xi1>
          %broadcast_in_dim3A_127 = arith.constant 3 : i32
          %broadcast_in_dim3A_128 = vector.broadcast %broadcast_in_dim3A_127 : i32 to vector<16xi32>
          %gather3A_129 = tpu.vector_load_idx %arg10[%select_n3A, %broadcast_in_dim3A_128] masked %and3A_114 : memref<5120x16xf32, #tpu.memory_space<vmem>>[vector<16xi32>, vector<16xi32>], vector<16xf32>, vector<16xi1>
          %max3A_130 = arith.maximumf %gather3A_129, %gather3A_74 : vector<16xf32>
          tpu.vector_store_idx %arg10[%select_n3A, %broadcast_in_dim3A_128], %max3A_130 masked %and3A_114 : memref<5120x16xf32, #tpu.memory_space<vmem>>[vector<16xi32>, vector<16xi32>], vector<16xf32>, vector<16xi1>
          %broadcast_in_dim3A_131 = arith.constant 4 : i32
          %broadcast_in_dim3A_132 = vector.broadcast %broadcast_in_dim3A_131 : i32 to vector<16xi32>
          %gather3A_133 = tpu.vector_load_idx %arg10[%select_n3A, %broadcast_in_dim3A_132] masked %and3A_114 : memref<5120x16xf32, #tpu.memory_space<vmem>>[vector<16xi32>, vector<16xi32>], vector<16xf32>, vector<16xi1>
          %max3A_134 = arith.maximumf %gather3A_133, %gather3A_77 : vector<16xf32>
          tpu.vector_store_idx %arg10[%select_n3A, %broadcast_in_dim3A_132], %max3A_134 masked %and3A_114 : memref<5120x16xf32, #tpu.memory_space<vmem>>[vector<16xi32>, vector<16xi32>], vector<16xf32>, vector<16xi1>
          %broadcast_in_dim3A_135 = arith.constant 5 : i32
          %broadcast_in_dim3A_136 = vector.broadcast %broadcast_in_dim3A_135 : i32 to vector<16xi32>
          %gather3A_137 = tpu.vector_load_idx %arg10[%select_n3A, %broadcast_in_dim3A_136] masked %and3A_114 : memref<5120x16xf32, #tpu.memory_space<vmem>>[vector<16xi32>, vector<16xi32>], vector<16xf32>, vector<16xi1>
          %max3A_138 = arith.maximumf %gather3A_137, %gather3A_80 : vector<16xf32>
          tpu.vector_store_idx %arg10[%select_n3A, %broadcast_in_dim3A_136], %max3A_138 masked %and3A_114 : memref<5120x16xf32, #tpu.memory_space<vmem>>[vector<16xi32>, vector<16xi32>], vector<16xf32>, vector<16xi1>
          %broadcast_in_dim3A_139 = arith.constant 6 : i32
          %broadcast_in_dim3A_140 = vector.broadcast %broadcast_in_dim3A_139 : i32 to vector<16xi32>
          %gather3A_141 = tpu.vector_load_idx %arg10[%select_n3A, %broadcast_in_dim3A_140] masked %and3A_114 : memref<5120x16xf32, #tpu.memory_space<vmem>>[vector<16xi32>, vector<16xi32>], vector<16xf32>, vector<16xi1>
          %max3A_142 = arith.maximumf %gather3A_141, %gather3A_83 : vector<16xf32>
          tpu.vector_store_idx %arg10[%select_n3A, %broadcast_in_dim3A_140], %max3A_142 masked %and3A_114 : memref<5120x16xf32, #tpu.memory_space<vmem>>[vector<16xi32>, vector<16xi32>], vector<16xf32>, vector<16xi1>
          %not3A = arith.constant dense<true> : vector<16xi1>
          %not3A_143 = arith.xori %and3A_114, %not3A : vector<16xi1>
          %and3A_144 = arith.andi %while3A_85, %not3A_143 : vector<16xi1>
          %add3A_145 = arith.constant 1 : i32
          %add3A_146 = arith.addi %while3A_86, %add3A_145 : i32
          scf.yield %and3A_144, %add3A_146 : vector<16xi1>, i32
        }
      }
      %scan3A_45 = arith.constant 125 : i32
    }
    %scan3A_19 = arith.constant 10 : i32
    %barrier3A_20 = arith.constant 0 : index
    tpu.barrier barrier_id(%barrier3A_20)
    %eq3A = arith.constant 0 : i32
    %eq3A_21 = arith.cmpi eq, %arg0, %eq3A : i32
    %convert_element_type3A = arith.extui %eq3A_21 : i1 to i32
    %cond3A = arith.constant 0 : i32
    %cond3A_22 = arith.cmpi ne, %convert_element_type3A, %cond3A : i32
    scf.if %cond3A_22 {
      %mul3A_27 = arith.constant 640 : i32
      %mul3A_28 = arith.muli %arg1, %mul3A_27 : i32
      %mul3A_29 = arith.constant 640 : i32
      %mul3A_30 = arith.muli %arg1, %mul3A_29 : i32
      "tpu.region"() ({
        %run_scoped3A = tpu.sem_alloc : memref<!tpu.dma_semaphore, #tpu.memory_space<semaphore_mem>>
        %dma_start3A = arith.constant 0 : i32
        %dma_start3A_31 = tpu.memref_slice %arg5[%mul3A_30, %dma_start3A] : memref<10240x16xf32, #tpu.memory_space<hbm>> -> memref<640x16xf32, #tpu.memory_space<hbm>>
        %dma_start3A_32 = arith.constant 0 : i32
        %dma_start3A_33 = tpu.memref_slice %arg13[%mul3A_28, %dma_start3A_32] : memref<10240x16xf32, #tpu.memory_space<vmem_shared>> -> memref<640x16xf32, #tpu.memory_space<vmem_shared>>
        tpu.enqueue_dma source(%dma_start3A_33 : memref<640x16xf32, #tpu.memory_space<vmem_shared>>) target(%dma_start3A_31 : memref<640x16xf32, #tpu.memory_space<hbm>>) target_semaphore(%run_scoped3A : memref<!tpu.dma_semaphore, #tpu.memory_space<semaphore_mem>>)
        %dma_wait3A = arith.constant 0 : i32
        %dma_wait3A_34 = tpu.memref_slice %arg5[%mul3A_30, %dma_wait3A] : memref<10240x16xf32, #tpu.memory_space<hbm>> -> memref<640x16xf32, #tpu.memory_space<hbm>>
        %dma_wait3A_35 = arith.constant 0 : i32
        %dma_wait3A_36 = tpu.memref_slice %arg13[%mul3A_28, %dma_wait3A_35] : memref<10240x16xf32, #tpu.memory_space<vmem_shared>> -> memref<640x16xf32, #tpu.memory_space<vmem_shared>>
        tpu.wait_dma2 semaphore(%run_scoped3A : memref<!tpu.dma_semaphore, #tpu.memory_space<semaphore_mem>>) src(%dma_wait3A_36 : memref<640x16xf32, #tpu.memory_space<vmem_shared>>) dst(%dma_wait3A_34 : memref<640x16xf32, #tpu.memory_space<hbm>>)
        tpu.yield
      }) : () -> ()
    } else {
    }
    %mul3A_23 = arith.constant 5120 : i32
    %mul3A_24 = arith.muli %arg0, %mul3A_23 : i32
    %mul3A_25 = arith.constant 16 : i32
    %mul3A_26 = arith.muli %arg1, %mul3A_25 : i32
    "tpu.region"() ({
      %run_scoped3A = tpu.sem_alloc : memref<!tpu.dma_semaphore, #tpu.memory_space<semaphore_mem>>
      %dma_start3A = tpu.memref_slice %arg6[%mul3A_24, %mul3A_26] : memref<10240x256xf32, #tpu.memory_space<hbm>> -> memref<5120x16xf32, #tpu.memory_space<hbm>>
      %dma_start3A_27 = tpu.memref_slice %arg6[%mul3A_24, %mul3A_26] : memref<10240x256xf32, #tpu.memory_space<hbm>> -> memref<5120x16xf32, #tpu.memory_space<hbm>>
      tpu.enqueue_dma source(%arg10 : memref<5120x16xf32, #tpu.memory_space<vmem>>) target(%dma_start3A_27 : memref<5120x16xf32, #tpu.memory_space<hbm>>) target_semaphore(%run_scoped3A : memref<!tpu.dma_semaphore, #tpu.memory_space<semaphore_mem>>)
      %dma_wait3A = tpu.memref_slice %arg6[%mul3A_24, %mul3A_26] : memref<10240x256xf32, #tpu.memory_space<hbm>> -> memref<5120x16xf32, #tpu.memory_space<hbm>>
      %dma_wait3A_28 = tpu.memref_slice %arg6[%mul3A_24, %mul3A_26] : memref<10240x256xf32, #tpu.memory_space<hbm>> -> memref<5120x16xf32, #tpu.memory_space<hbm>>
      tpu.wait_dma2 semaphore(%run_scoped3A : memref<!tpu.dma_semaphore, #tpu.memory_space<semaphore_mem>>) src(%arg10 : memref<5120x16xf32, #tpu.memory_space<vmem>>) dst(%dma_wait3A_28 : memref<5120x16xf32, #tpu.memory_space<hbm>>)
      tpu.yield
    }) : () -> ()
    return
  }
}

#map = affine_map<(d0, d1) -> (0, 0)>
#map1 = affine_map<(d0, d1) -> (0)>
module attributes {stable_mosaic.version = 14 : i64} {
  func.func @k(%arg0: i32, %arg1: i32, %arg2: memref<10240x16xf32, #tpu.memory_space<hbm>>, %arg3: memref<320000xi32, #tpu.memory_space<hbm>>, %arg4: memref<320000xi32, #tpu.memory_space<hbm>>, %arg5: memref<10240x16xf32, #tpu.memory_space<hbm>>, %arg6: memref<10240x256xf32, #tpu.memory_space<hbm>>, %arg7: memref<2000xi32, #tpu.memory_space<vmem>>, %arg8: memref<2000xi32, #tpu.memory_space<vmem>>, %arg9: memref<2000x16xf32, #tpu.memory_space<vmem>>, %arg10: memref<5120x16xf32, #tpu.memory_space<vmem>>, %arg11: memref<16xi32, #tpu.memory_space<vmem>>, %arg12: memref<16xi32, #tpu.memory_space<vmem>>, %arg13: memref<10240x16xf32, #tpu.memory_space<vmem_shared>>) attributes {dimension_semantics = [#tpu.dimension_semantics<core_parallel>, #tpu.dimension_semantics<subcore_parallel>], iteration_bounds = array<i64: 2, 16>, scalar_prefetch = 0 : i64, scratch_operands = 7 : i64, tpu.core_type = #tpu.core_type<sc_vector_subcore>, window_params = [{transform_indices = #map}, {transform_indices = #map1}, {transform_indices = #map1}, {transform_indices = #map}, {transform_indices = #map}]} {
    %mul3A = arith.constant 5000 : i32
    %mul3A_0 = arith.muli %arg0, %mul3A : i32
    %broadcast_in_dim3A = arith.constant -3.000000e+38 : f32
    %broadcast_in_dim3A_1 = vector.broadcast %broadcast_in_dim3A : f32 to vector<16xf32>
    %scan3A = arith.constant 0 : i32
    %scan3A_2 = arith.constant 5120 : i32
    %scan3A_3 = arith.addi %scan3A, %scan3A_2 : i32
    %scan3A_4 = arith.constant 1 : i32
    scf.for %scan3A_27 = %scan3A to %scan3A_3 step %scan3A_4  : i32 {
      %mul3A_28 = arith.constant 1 : i32
      %mul3A_29 = arith.muli %scan3A_27, %mul3A_28 : i32
      %add3A = arith.constant 0 : i32
      %add3A_30 = arith.addi %add3A, %mul3A_29 : i32
      %swap3A = arith.index_cast %add3A_30 : i32 to index
      %swap3A_31 = arith.constant 0 : index
      %swap3A_32 = tpu.vector_load %arg10[%swap3A, %swap3A_31] {strides = array<i32>} : memref<5120x16xf32, #tpu.memory_space<vmem>>, vector<16xf32>,
      tpu.vector_store %arg10[%swap3A, %swap3A_31], %broadcast_in_dim3A_1 {strides = array<i32>} : memref<5120x16xf32, #tpu.memory_space<vmem>>, vector<16xf32>,
    }
    %scan3A_5 = arith.constant 5120 : i32
    %broadcast_in_dim3A_6 = arith.constant 0.000000e+00 : f32
    %broadcast_in_dim3A_7 = vector.broadcast %broadcast_in_dim3A_6 : f32 to vector<16xf32>
    %scan3A_8 = arith.constant 0 : i32
    %scan3A_9 = arith.constant 640 : i32
    %scan3A_10 = arith.addi %scan3A_8, %scan3A_9 : i32
    %scan3A_11 = arith.constant 1 : i32
    scf.for %scan3A_27 = %scan3A_8 to %scan3A_10 step %scan3A_11  : i32 {
      %mul3A_28 = arith.constant 1 : i32
      %mul3A_29 = arith.muli %scan3A_27, %mul3A_28 : i32
      %add3A = arith.constant 0 : i32
      %add3A_30 = arith.addi %add3A, %mul3A_29 : i32
      %swap3A = arith.index_cast %add3A_30 : i32 to index
      %swap3A_31 = arith.constant 0 : index
      %swap3A_32 = tpu.vector_load %arg9[%swap3A, %swap3A_31] {strides = array<i32>} : memref<2000x16xf32, #tpu.memory_space<vmem>>, vector<16xf32>,
      tpu.vector_store %arg9[%swap3A, %swap3A_31], %broadcast_in_dim3A_7 {strides = array<i32>} : memref<2000x16xf32, #tpu.memory_space<vmem>>, vector<16xf32>,
    }
    %scan3A_12 = arith.constant 640 : i32
    %mul3A_13 = arith.constant 640 : i32
    %mul3A_14 = arith.muli %arg1, %mul3A_13 : i32
    "tpu.region"() ({
      %run_scoped3A = tpu.sem_alloc : memref<!tpu.dma_semaphore, #tpu.memory_space<semaphore_mem>>
      %dma_start3A = arith.constant 0 : i32
      %dma_start3A_27 = arith.constant 0 : i32
      %dma_start3A_28 = tpu.memref_slice %arg9[%dma_start3A, %dma_start3A_27] : memref<2000x16xf32, #tpu.memory_space<vmem>> -> memref<640x16xf32, #tpu.memory_space<vmem>>
      %dma_start3A_29 = arith.constant 0 : i32
      %dma_start3A_30 = tpu.memref_slice %arg13[%mul3A_14, %dma_start3A_29] : memref<10240x16xf32, #tpu.memory_space<vmem_shared>> -> memref<640x16xf32, #tpu.memory_space<vmem_shared>>
      %dma_start3A_31 = arith.constant 0 : i32
      %dma_start3A_32 = tpu.memref_slice %arg13[%mul3A_14, %dma_start3A_31] : memref<10240x16xf32, #tpu.memory_space<vmem_shared>> -> memref<640x16xf32, #tpu.memory_space<vmem_shared>>
      %dma_start3A_33 = arith.constant 0 : i32
      %dma_start3A_34 = arith.constant 0 : i32
      %dma_start3A_35 = tpu.memref_slice %arg9[%dma_start3A_33, %dma_start3A_34] : memref<2000x16xf32, #tpu.memory_space<vmem>> -> memref<640x16xf32, #tpu.memory_space<vmem>>
      tpu.enqueue_dma source(%dma_start3A_35 : memref<640x16xf32, #tpu.memory_space<vmem>>) target(%dma_start3A_32 : memref<640x16xf32, #tpu.memory_space<vmem_shared>>) target_semaphore(%run_scoped3A : memref<!tpu.dma_semaphore, #tpu.memory_space<semaphore_mem>>)
      %dma_wait3A = arith.constant 0 : i32
      %dma_wait3A_36 = arith.constant 0 : i32
      %dma_wait3A_37 = tpu.memref_slice %arg9[%dma_wait3A, %dma_wait3A_36] : memref<2000x16xf32, #tpu.memory_space<vmem>> -> memref<640x16xf32, #tpu.memory_space<vmem>>
      %dma_wait3A_38 = arith.constant 0 : i32
      %dma_wait3A_39 = tpu.memref_slice %arg13[%mul3A_14, %dma_wait3A_38] : memref<10240x16xf32, #tpu.memory_space<vmem_shared>> -> memref<640x16xf32, #tpu.memory_space<vmem_shared>>
      %dma_wait3A_40 = arith.constant 0 : i32
      %dma_wait3A_41 = tpu.memref_slice %arg13[%mul3A_14, %dma_wait3A_40] : memref<10240x16xf32, #tpu.memory_space<vmem_shared>> -> memref<640x16xf32, #tpu.memory_space<vmem_shared>>
      %dma_wait3A_42 = arith.constant 0 : i32
      %dma_wait3A_43 = arith.constant 0 : i32
      %dma_wait3A_44 = tpu.memref_slice %arg9[%dma_wait3A_42, %dma_wait3A_43] : memref<2000x16xf32, #tpu.memory_space<vmem>> -> memref<640x16xf32, #tpu.memory_space<vmem>>
      tpu.wait_dma2 semaphore(%run_scoped3A : memref<!tpu.dma_semaphore, #tpu.memory_space<semaphore_mem>>) src(%dma_wait3A_44 : memref<640x16xf32, #tpu.memory_space<vmem>>) dst(%dma_wait3A_41 : memref<640x16xf32, #tpu.memory_space<vmem_shared>>)
      tpu.yield
    }) : () -> ()
    %barrier3A = arith.constant 0 : index
    tpu.barrier barrier_id(%barrier3A)
    %iota3A = tpu.iota {dimensions = array<i32: 0>} : vector<16xi32>
    %scan3A_15 = arith.constant 0 : i32
    %scan3A_16 = arith.constant 10 : i32
    %scan3A_17 = arith.addi %scan3A_15, %scan3A_16 : i32
    %scan3A_18 = arith.constant 1 : i32
    scf.for %scan3A_27 = %scan3A_15 to %scan3A_17 step %scan3A_18  : i32 {
      %mul3A_28 = arith.constant 1 : i32
      %mul3A_29 = arith.muli %scan3A_27, %mul3A_28 : i32
      %add3A = arith.constant 0 : i32
      %add3A_30 = arith.addi %add3A, %mul3A_29 : i32
      %mul3A_31 = arith.constant 20000 : i32
      %mul3A_32 = arith.muli %arg1, %mul3A_31 : i32
      %mul3A_33 = arith.constant 2000 : i32
      %mul3A_34 = arith.muli %add3A_30, %mul3A_33 : i32
      %add3A_35 = arith.addi %mul3A_32, %mul3A_34 : i32
      "tpu.region"() ({
        %run_scoped3A = tpu.sem_alloc : memref<!tpu.dma_semaphore, #tpu.memory_space<semaphore_mem>>
        %dma_start3A = tpu.memref_slice %arg3[%add3A_35] : memref<320000xi32, #tpu.memory_space<hbm>> -> memref<2000xi32, #tpu.memory_space<hbm>>
        %dma_start3A_46 = tpu.memref_slice %arg3[%add3A_35] : memref<320000xi32, #tpu.memory_space<hbm>> -> memref<2000xi32, #tpu.memory_space<hbm>>
        tpu.enqueue_dma source(%dma_start3A_46 : memref<2000xi32, #tpu.memory_space<hbm>>) target(%arg7 : memref<2000xi32, #tpu.memory_space<vmem>>) target_semaphore(%run_scoped3A : memref<!tpu.dma_semaphore, #tpu.memory_space<semaphore_mem>>)
        %dma_wait3A = tpu.memref_slice %arg3[%add3A_35] : memref<320000xi32, #tpu.memory_space<hbm>> -> memref<2000xi32, #tpu.memory_space<hbm>>
        %dma_wait3A_47 = tpu.memref_slice %arg3[%add3A_35] : memref<320000xi32, #tpu.memory_space<hbm>> -> memref<2000xi32, #tpu.memory_space<hbm>>
        tpu.wait_dma2 semaphore(%run_scoped3A : memref<!tpu.dma_semaphore, #tpu.memory_space<semaphore_mem>>) src(%dma_wait3A_47 : memref<2000xi32, #tpu.memory_space<hbm>>) dst(%arg7 : memref<2000xi32, #tpu.memory_space<vmem>>)
        tpu.yield
      }) : () -> ()
      "tpu.region"() ({
        %run_scoped3A = tpu.sem_alloc : memref<!tpu.dma_semaphore, #tpu.memory_space<semaphore_mem>>
        %dma_start3A = tpu.memref_slice %arg4[%add3A_35] : memref<320000xi32, #tpu.memory_space<hbm>> -> memref<2000xi32, #tpu.memory_space<hbm>>
        %dma_start3A_46 = tpu.memref_slice %arg4[%add3A_35] : memref<320000xi32, #tpu.memory_space<hbm>> -> memref<2000xi32, #tpu.memory_space<hbm>>
        tpu.enqueue_dma source(%dma_start3A_46 : memref<2000xi32, #tpu.memory_space<hbm>>) target(%arg8 : memref<2000xi32, #tpu.memory_space<vmem>>) target_semaphore(%run_scoped3A : memref<!tpu.dma_semaphore, #tpu.memory_space<semaphore_mem>>)
        %dma_wait3A = tpu.memref_slice %arg4[%add3A_35] : memref<320000xi32, #tpu.memory_space<hbm>> -> memref<2000xi32, #tpu.memory_space<hbm>>
        %dma_wait3A_47 = tpu.memref_slice %arg4[%add3A_35] : memref<320000xi32, #tpu.memory_space<hbm>> -> memref<2000xi32, #tpu.memory_space<hbm>>
        tpu.wait_dma2 semaphore(%run_scoped3A : memref<!tpu.dma_semaphore, #tpu.memory_space<semaphore_mem>>) src(%dma_wait3A_47 : memref<2000xi32, #tpu.memory_space<hbm>>) dst(%arg8 : memref<2000xi32, #tpu.memory_space<vmem>>)
        tpu.yield
      }) : () -> ()
      "tpu.region"() ({
        %run_scoped3A = tpu.sem_alloc : memref<!tpu.dma_semaphore, #tpu.memory_space<semaphore_mem>>
        %dma_start3A = arith.constant 0 : i32
        %dma_start3A_46 = arith.constant 0 : i32
        %dma_start3A_47 = tpu.memref_slice %arg2[%dma_start3A, %dma_start3A_46] : memref<10240x16xf32, #tpu.memory_space<hbm>> -> memref<10240x16xf32, #tpu.memory_space<hbm>>
        tpu.enqueue_indirect_dma source(%dma_start3A_47 : memref<10240x16xf32, #tpu.memory_space<hbm>>) target(%arg9 : memref<2000x16xf32, #tpu.memory_space<vmem>>) offsets(%arg7 : memref<2000xi32, #tpu.memory_space<vmem>>) semaphore(%run_scoped3A : memref<!tpu.dma_semaphore, #tpu.memory_space<semaphore_mem>>)
        %dma_wait3A = arith.constant 0 : i32
        %dma_wait3A_48 = arith.constant 0 : i32
        %dma_wait3A_49 = tpu.memref_slice %arg2[%dma_wait3A, %dma_wait3A_48] : memref<10240x16xf32, #tpu.memory_space<hbm>> -> memref<10240x16xf32, #tpu.memory_space<hbm>>
        tpu.wait_indirect_dma semaphore(%run_scoped3A : memref<!tpu.dma_semaphore, #tpu.memory_space<semaphore_mem>>) src(%dma_wait3A_49 : memref<10240x16xf32, #tpu.memory_space<hbm>>) dst(%arg9 : memref<2000x16xf32, #tpu.memory_space<vmem>>)
        tpu.yield
      }) : () -> ()
      %eq3A_36 = arith.constant 0 : i32
      %eq3A_37 = arith.cmpi eq, %arg0, %eq3A_36 : i32
      %convert_element_type3A_38 = arith.extui %eq3A_37 : i1 to i32
      %cond3A_39 = arith.constant 0 : i32
      %cond3A_40 = arith.cmpi ne, %convert_element_type3A_38, %cond3A_39 : i32
      scf.if %cond3A_40 {
        "tpu.region"() ({
          %run_scoped3A = tpu.sem_alloc : memref<!tpu.dma_semaphore, #tpu.memory_space<semaphore_mem>>
          %dma_start3A = arith.constant 0 : i32
          %dma_start3A_46 = arith.constant 0 : i32
          %dma_start3A_47 = tpu.memref_slice %arg13[%dma_start3A, %dma_start3A_46] : memref<10240x16xf32, #tpu.memory_space<vmem_shared>> -> memref<10240x16xf32, #tpu.memory_space<vmem_shared>>
          tpu.enqueue_indirect_dma source(%arg9 : memref<2000x16xf32, #tpu.memory_space<vmem>>) target(%dma_start3A_47 : memref<10240x16xf32, #tpu.memory_space<vmem_shared>>) offsets(%arg8 : memref<2000xi32, #tpu.memory_space<vmem>>) semaphore(%run_scoped3A : memref<!tpu.dma_semaphore, #tpu.memory_space<semaphore_mem>>) {add = true}
          %dma_wait3A = arith.constant 0 : i32
          %dma_wait3A_48 = arith.constant 0 : i32
          %dma_wait3A_49 = tpu.memref_slice %arg13[%dma_wait3A, %dma_wait3A_48] : memref<10240x16xf32, #tpu.memory_space<vmem_shared>> -> memref<10240x16xf32, #tpu.memory_space<vmem_shared>>
          tpu.wait_indirect_dma semaphore(%run_scoped3A : memref<!tpu.dma_semaphore, #tpu.memory_space<semaphore_mem>>) src(%arg9 : memref<2000x16xf32, #tpu.memory_space<vmem>>) dst(%dma_wait3A_49 : memref<10240x16xf32, #tpu.memory_space<vmem_shared>>)
          tpu.yield
        }) : () -> ()
      } else {
      }
      %scan3A_41 = arith.constant 0 : i32
      %scan3A_42 = arith.constant 125 : i32
      %scan3A_43 = arith.addi %scan3A_41, %scan3A_42 : i32
      %scan3A_44 = arith.constant 1 : i32
      scf.for %scan3A_46 = %scan3A_41 to %scan3A_43 step %scan3A_44  : i32 {
        %mul3A_47 = arith.constant 1 : i32
        %mul3A_48 = arith.muli %scan3A_46, %mul3A_47 : i32
        %add3A_49 = arith.constant 0 : i32
        %add3A_50 = arith.addi %add3A_49, %mul3A_48 : i32
        %mul3A_51 = arith.constant 16 : i32
        %mul3A_52 = arith.muli %add3A_50, %mul3A_51 : i32
        %get3A = arith.index_cast %mul3A_52 : i32 to index
        %get3A_53 = tpu.vector_load %arg8[%get3A] {strides = array<i32>} : memref<2000xi32, #tpu.memory_space<vmem>>, vector<16xi32>,
        %sub3A = vector.broadcast %mul3A_0 : i32 to vector<16xi32>
        %sub3A_54 = arith.subi %get3A_53, %sub3A : vector<16xi32>
        %ge3A = arith.constant 0 : i32
        %ge3A_55 = vector.broadcast %ge3A : i32 to vector<16xi32>
        %ge3A_56 = arith.cmpi sge, %sub3A_54, %ge3A_55 : vector<16xi32>
        %lt3A = arith.constant 5000 : i32
        %lt3A_57 = vector.broadcast %lt3A : i32 to vector<16xi32>
        %lt3A_58 = arith.cmpi slt, %sub3A_54, %lt3A_57 : vector<16xi32>
        %and3A = arith.andi %ge3A_56, %lt3A_58 : vector<16xi1>
        %jit3A = arith.constant 0 : i32
        %broadcast_in_dim3A_59 = vector.broadcast %jit3A : i32 to vector<16xi32>
        %select_n3A = arith.select %and3A, %sub3A_54, %broadcast_in_dim3A_59 : vector<16xi1>, vector<16xi32>
        %mul3A_60 = arith.constant 16 : i32
        %mul3A_61 = arith.muli %add3A_50, %mul3A_60 : i32
        %add3A_62 = vector.broadcast %mul3A_61 : i32 to vector<16xi32>
        %add3A_63 = arith.addi %iota3A, %add3A_62 : vector<16xi32>
        %broadcast_in_dim3A_64 = arith.constant 0 : i32
        %broadcast_in_dim3A_65 = vector.broadcast %broadcast_in_dim3A_64 : i32 to vector<16xi32>
        %gather3A = tpu.vector_load_idx %arg9[%add3A_63, %broadcast_in_dim3A_65] : memref<2000x16xf32, #tpu.memory_space<vmem>>[vector<16xi32>, vector<16xi32>], vector<16xf32>,
        %broadcast_in_dim3A_66 = arith.constant 1 : i32
        %broadcast_in_dim3A_67 = vector.broadcast %broadcast_in_dim3A_66 : i32 to vector<16xi32>
        %gather3A_68 = tpu.vector_load_idx %arg9[%add3A_63, %broadcast_in_dim3A_67] : memref<2000x16xf32, #tpu.memory_space<vmem>>[vector<16xi32>, vector<16xi32>], vector<16xf32>,
        %broadcast_in_dim3A_69 = arith.constant 2 : i32
        %broadcast_in_dim3A_70 = vector.broadcast %broadcast_in_dim3A_69 : i32 to vector<16xi32>
        %gather3A_71 = tpu.vector_load_idx %arg9[%add3A_63, %broadcast_in_dim3A_70] : memref<2000x16xf32, #tpu.memory_space<vmem>>[vector<16xi32>, vector<16xi32>], vector<16xf32>,
        %broadcast_in_dim3A_72 = arith.constant 3 : i32
        %broadcast_in_dim3A_73 = vector.broadcast %broadcast_in_dim3A_72 : i32 to vector<16xi32>
        %gather3A_74 = tpu.vector_load_idx %arg9[%add3A_63, %broadcast_in_dim3A_73] : memref<2000x16xf32, #tpu.memory_space<vmem>>[vector<16xi32>, vector<16xi32>], vector<16xf32>,
        %broadcast_in_dim3A_75 = arith.constant 4 : i32
        %broadcast_in_dim3A_76 = vector.broadcast %broadcast_in_dim3A_75 : i32 to vector<16xi32>
        %gather3A_77 = tpu.vector_load_idx %arg9[%add3A_63, %broadcast_in_dim3A_76] : memref<2000x16xf32, #tpu.memory_space<vmem>>[vector<16xi32>, vector<16xi32>], vector<16xf32>,
        %broadcast_in_dim3A_78 = arith.constant 5 : i32
        %broadcast_in_dim3A_79 = vector.broadcast %broadcast_in_dim3A_78 : i32 to vector<16xi32>
        %gather3A_80 = tpu.vector_load_idx %arg9[%add3A_63, %broadcast_in_dim3A_79] : memref<2000x16xf32, #tpu.memory_space<vmem>>[vector<16xi32>, vector<16xi32>], vector<16xf32>,
        %broadcast_in_dim3A_81 = arith.constant 6 : i32
        %broadcast_in_dim3A_82 = vector.broadcast %broadcast_in_dim3A_81 : i32 to vector<16xi32>
        %gather3A_83 = tpu.vector_load_idx %arg9[%add3A_63, %broadcast_in_dim3A_82] : memref<2000x16xf32, #tpu.memory_space<vmem>>[vector<16xi32>, vector<16xi32>], vector<16xf32>,
        %broadcast_in_dim3A_84 = arith.constant 7 : i32
        %broadcast_in_dim3A_85 = vector.broadcast %broadcast_in_dim3A_84 : i32 to vector<16xi32>
        %gather3A_86 = tpu.vector_load_idx %arg9[%add3A_63, %broadcast_in_dim3A_85] : memref<2000x16xf32, #tpu.memory_space<vmem>>[vector<16xi32>, vector<16xi32>], vector<16xf32>,
        %broadcast_in_dim3A_87 = arith.constant 8 : i32
        %broadcast_in_dim3A_88 = vector.broadcast %broadcast_in_dim3A_87 : i32 to vector<16xi32>
        %gather3A_89 = tpu.vector_load_idx %arg9[%add3A_63, %broadcast_in_dim3A_88] : memref<2000x16xf32, #tpu.memory_space<vmem>>[vector<16xi32>, vector<16xi32>], vector<16xf32>,
        %while3A = arith.constant 0 : i32
        %while3A_90:2 = scf.while (%while3A_91 = %and3A, %while3A_92 = %while3A) : (vector<16xi1>, i32) -> (vector<16xi1>, i32) {
          %convert_element_type3A_93 = arith.extui %while3A_91 : vector<16xi1> to vector<16xi32>
          %reduce_max3A = arith.constant true
          %reduce_max3A_94 = vector.broadcast %reduce_max3A : i1 to vector<16xi1>
          %reduce_max3A_95 = arith.constant -2147483648 : i32
          %reduce_max3A_96 = vector.broadcast %reduce_max3A_95 : i32 to vector<16xi32>
          %reduce_max3A_97 = arith.xori %convert_element_type3A_93, %reduce_max3A_96 : vector<16xi32>
          %reduce_max3A_98 = tpu.scan <max>, %reduce_max3A_97 masked %reduce_max3A_94 : vector<16xi32>, vector<16xi1> -> vector<16xi32>
          %reduce_max3A_99 = arith.xori %reduce_max3A_98, %reduce_max3A_96 : vector<16xi32>
          %reduce_max3A_100 = vector.extract %reduce_max3A_99[15] : i32 from vector<16xi32>
          %gt3A = arith.constant 0 : i32
          %gt3A_101 = arith.cmpi sgt, %reduce_max3A_100, %gt3A : i32
          %lt3A_102 = arith.constant 16 : i32
          %lt3A_103 = arith.cmpi slt, %while3A_92, %lt3A_102 : i32
          %and3A_104 = arith.andi %gt3A_101, %lt3A_103 : i1
          scf.condition(%and3A_104) %while3A_91, %while3A_92 : vector<16xi1>, i32
        } do {
        ^bb0(%while3A_91: vector<16xi1>, %while3A_92: i32):
          %masked_sort3A = arith.constant -2147483648 : i32
          %masked_sort3A_93 = vector.broadcast %masked_sort3A : i32 to vector<16xi32>
          %masked_sort3A_94 = arith.xori %select_n3A, %masked_sort3A_93 : vector<16xi32>
          %masked_sort3A_95, %masked_sort3A_96, %masked_sort3A_97 = tpu.sort %masked_sort3A_94, %iota3A masked %while3A_91 : (vector<16xi32>, vector<16xi32>, vector<16xi1>) -> (vector<16xi1>, vector<16xi32>, vector<16xi32>)
          %masked_sort3A_98 = arith.xori %masked_sort3A_96, %masked_sort3A_93 : vector<16xi32>
          %convert_element_type3A_99 = arith.extui %while3A_91 : vector<16xi1> to vector<16xi32>
          %reduce_sum3A = arith.constant true
          %reduce_sum3A_100 = vector.broadcast %reduce_sum3A : i1 to vector<16xi1>
          %reduce_sum3A_101 = tpu.scan <sum>, %convert_element_type3A_99 masked %reduce_sum3A_100 : vector<16xi32>, vector<16xi1> -> vector<16xi32>
          %reduce_sum3A_102 = vector.extract %reduce_sum3A_101[15] : i32 from vector<16xi32>
          %swap3A = arith.constant 0 : index
          %swap3A_103 = tpu.vector_load %arg11[%swap3A] {strides = array<i32>} : memref<16xi32, #tpu.memory_space<vmem>>, vector<16xi32>,
          tpu.vector_store %arg11[%swap3A], %masked_sort3A_98 {strides = array<i32>} : memref<16xi32, #tpu.memory_space<vmem>>, vector<16xi32>,
          %sub3A_104 = arith.constant 1 : i32
          %sub3A_105 = vector.broadcast %sub3A_104 : i32 to vector<16xi32>
          %sub3A_106 = arith.subi %iota3A, %sub3A_105 : vector<16xi32>
          %max3A = arith.constant 0 : i32
          %max3A_107 = vector.broadcast %max3A : i32 to vector<16xi32>
          %max3A_108 = arith.maxsi %sub3A_106, %max3A_107 : vector<16xi32>
          %gather3A_109 = tpu.vector_load_idx %arg11[%max3A_108] : memref<16xi32, #tpu.memory_space<vmem>>[vector<16xi32>], vector<16xi32>,
          %lt3A_110 = vector.broadcast %reduce_sum3A_102 : i32 to vector<16xi32>
          %lt3A_111 = arith.cmpi slt, %iota3A, %lt3A_110 : vector<16xi32>
          %eq3A_112 = arith.constant 0 : i32
          %eq3A_113 = vector.broadcast %eq3A_112 : i32 to vector<16xi32>
          %eq3A_114 = arith.cmpi eq, %iota3A, %eq3A_113 : vector<16xi32>
          %ne3A = arith.cmpi ne, %masked_sort3A_98, %gather3A_109 : vector<16xi32>
          %or3A = arith.ori %eq3A_114, %ne3A : vector<16xi1>
          %and3A_115 = arith.andi %lt3A_111, %or3A : vector<16xi1>
          %convert_element_type3A_116 = arith.extui %and3A_115 : vector<16xi1> to vector<16xi32>
          tpu.vector_store_idx %arg12[%masked_sort3A_97], %convert_element_type3A_116 : memref<16xi32, #tpu.memory_space<vmem>>[vector<16xi32>], vector<16xi32>,
          %gather3A_117 = tpu.vector_load_idx %arg12[%iota3A] : memref<16xi32, #tpu.memory_space<vmem>>[vector<16xi32>], vector<16xi32>,
          %gt3A = arith.constant 0 : i32
          %gt3A_118 = vector.broadcast %gt3A : i32 to vector<16xi32>
          %gt3A_119 = arith.cmpi sgt, %gather3A_117, %gt3A_118 : vector<16xi32>
          %and3A_120 = arith.andi %while3A_91, %gt3A_119 : vector<16xi1>
          %broadcast_in_dim3A_121 = arith.constant 0 : i32
          %broadcast_in_dim3A_122 = vector.broadcast %broadcast_in_dim3A_121 : i32 to vector<16xi32>
          %gather3A_123 = tpu.vector_load_idx %arg10[%select_n3A, %broadcast_in_dim3A_122] masked %and3A_120 : memref<5120x16xf32, #tpu.memory_space<vmem>>[vector<16xi32>, vector<16xi32>], vector<16xf32>, vector<16xi1>
          %max3A_124 = arith.maximumf %gather3A_123, %gather3A : vector<16xf32>
          tpu.vector_store_idx %arg10[%select_n3A, %broadcast_in_dim3A_122], %max3A_124 masked %and3A_120 : memref<5120x16xf32, #tpu.memory_space<vmem>>[vector<16xi32>, vector<16xi32>], vector<16xf32>, vector<16xi1>
          %broadcast_in_dim3A_125 = arith.constant 1 : i32
          %broadcast_in_dim3A_126 = vector.broadcast %broadcast_in_dim3A_125 : i32 to vector<16xi32>
          %gather3A_127 = tpu.vector_load_idx %arg10[%select_n3A, %broadcast_in_dim3A_126] masked %and3A_120 : memref<5120x16xf32, #tpu.memory_space<vmem>>[vector<16xi32>, vector<16xi32>], vector<16xf32>, vector<16xi1>
          %max3A_128 = arith.maximumf %gather3A_127, %gather3A_68 : vector<16xf32>
          tpu.vector_store_idx %arg10[%select_n3A, %broadcast_in_dim3A_126], %max3A_128 masked %and3A_120 : memref<5120x16xf32, #tpu.memory_space<vmem>>[vector<16xi32>, vector<16xi32>], vector<16xf32>, vector<16xi1>
          %broadcast_in_dim3A_129 = arith.constant 2 : i32
          %broadcast_in_dim3A_130 = vector.broadcast %broadcast_in_dim3A_129 : i32 to vector<16xi32>
          %gather3A_131 = tpu.vector_load_idx %arg10[%select_n3A, %broadcast_in_dim3A_130] masked %and3A_120 : memref<5120x16xf32, #tpu.memory_space<vmem>>[vector<16xi32>, vector<16xi32>], vector<16xf32>, vector<16xi1>
          %max3A_132 = arith.maximumf %gather3A_131, %gather3A_71 : vector<16xf32>
          tpu.vector_store_idx %arg10[%select_n3A, %broadcast_in_dim3A_130], %max3A_132 masked %and3A_120 : memref<5120x16xf32, #tpu.memory_space<vmem>>[vector<16xi32>, vector<16xi32>], vector<16xf32>, vector<16xi1>
          %broadcast_in_dim3A_133 = arith.constant 3 : i32
          %broadcast_in_dim3A_134 = vector.broadcast %broadcast_in_dim3A_133 : i32 to vector<16xi32>
          %gather3A_135 = tpu.vector_load_idx %arg10[%select_n3A, %broadcast_in_dim3A_134] masked %and3A_120 : memref<5120x16xf32, #tpu.memory_space<vmem>>[vector<16xi32>, vector<16xi32>], vector<16xf32>, vector<16xi1>
          %max3A_136 = arith.maximumf %gather3A_135, %gather3A_74 : vector<16xf32>
          tpu.vector_store_idx %arg10[%select_n3A, %broadcast_in_dim3A_134], %max3A_136 masked %and3A_120 : memref<5120x16xf32, #tpu.memory_space<vmem>>[vector<16xi32>, vector<16xi32>], vector<16xf32>, vector<16xi1>
          %broadcast_in_dim3A_137 = arith.constant 4 : i32
          %broadcast_in_dim3A_138 = vector.broadcast %broadcast_in_dim3A_137 : i32 to vector<16xi32>
          %gather3A_139 = tpu.vector_load_idx %arg10[%select_n3A, %broadcast_in_dim3A_138] masked %and3A_120 : memref<5120x16xf32, #tpu.memory_space<vmem>>[vector<16xi32>, vector<16xi32>], vector<16xf32>, vector<16xi1>
          %max3A_140 = arith.maximumf %gather3A_139, %gather3A_77 : vector<16xf32>
          tpu.vector_store_idx %arg10[%select_n3A, %broadcast_in_dim3A_138], %max3A_140 masked %and3A_120 : memref<5120x16xf32, #tpu.memory_space<vmem>>[vector<16xi32>, vector<16xi32>], vector<16xf32>, vector<16xi1>
          %broadcast_in_dim3A_141 = arith.constant 5 : i32
          %broadcast_in_dim3A_142 = vector.broadcast %broadcast_in_dim3A_141 : i32 to vector<16xi32>
          %gather3A_143 = tpu.vector_load_idx %arg10[%select_n3A, %broadcast_in_dim3A_142] masked %and3A_120 : memref<5120x16xf32, #tpu.memory_space<vmem>>[vector<16xi32>, vector<16xi32>], vector<16xf32>, vector<16xi1>
          %max3A_144 = arith.maximumf %gather3A_143, %gather3A_80 : vector<16xf32>
          tpu.vector_store_idx %arg10[%select_n3A, %broadcast_in_dim3A_142], %max3A_144 masked %and3A_120 : memref<5120x16xf32, #tpu.memory_space<vmem>>[vector<16xi32>, vector<16xi32>], vector<16xf32>, vector<16xi1>
          %broadcast_in_dim3A_145 = arith.constant 6 : i32
          %broadcast_in_dim3A_146 = vector.broadcast %broadcast_in_dim3A_145 : i32 to vector<16xi32>
          %gather3A_147 = tpu.vector_load_idx %arg10[%select_n3A, %broadcast_in_dim3A_146] masked %and3A_120 : memref<5120x16xf32, #tpu.memory_space<vmem>>[vector<16xi32>, vector<16xi32>], vector<16xf32>, vector<16xi1>
          %max3A_148 = arith.maximumf %gather3A_147, %gather3A_83 : vector<16xf32>
          tpu.vector_store_idx %arg10[%select_n3A, %broadcast_in_dim3A_146], %max3A_148 masked %and3A_120 : memref<5120x16xf32, #tpu.memory_space<vmem>>[vector<16xi32>, vector<16xi32>], vector<16xf32>, vector<16xi1>
          %broadcast_in_dim3A_149 = arith.constant 7 : i32
          %broadcast_in_dim3A_150 = vector.broadcast %broadcast_in_dim3A_149 : i32 to vector<16xi32>
          %gather3A_151 = tpu.vector_load_idx %arg10[%select_n3A, %broadcast_in_dim3A_150] masked %and3A_120 : memref<5120x16xf32, #tpu.memory_space<vmem>>[vector<16xi32>, vector<16xi32>], vector<16xf32>, vector<16xi1>
          %max3A_152 = arith.maximumf %gather3A_151, %gather3A_86 : vector<16xf32>
          tpu.vector_store_idx %arg10[%select_n3A, %broadcast_in_dim3A_150], %max3A_152 masked %and3A_120 : memref<5120x16xf32, #tpu.memory_space<vmem>>[vector<16xi32>, vector<16xi32>], vector<16xf32>, vector<16xi1>
          %broadcast_in_dim3A_153 = arith.constant 8 : i32
          %broadcast_in_dim3A_154 = vector.broadcast %broadcast_in_dim3A_153 : i32 to vector<16xi32>
          %gather3A_155 = tpu.vector_load_idx %arg10[%select_n3A, %broadcast_in_dim3A_154] masked %and3A_120 : memref<5120x16xf32, #tpu.memory_space<vmem>>[vector<16xi32>, vector<16xi32>], vector<16xf32>, vector<16xi1>
          %max3A_156 = arith.maximumf %gather3A_155, %gather3A_89 : vector<16xf32>
          tpu.vector_store_idx %arg10[%select_n3A, %broadcast_in_dim3A_154], %max3A_156 masked %and3A_120 : memref<5120x16xf32, #tpu.memory_space<vmem>>[vector<16xi32>, vector<16xi32>], vector<16xf32>, vector<16xi1>
          %not3A = arith.constant dense<true> : vector<16xi1>
          %not3A_157 = arith.xori %and3A_120, %not3A : vector<16xi1>
          %and3A_158 = arith.andi %while3A_91, %not3A_157 : vector<16xi1>
          %add3A_159 = arith.constant 1 : i32
          %add3A_160 = arith.addi %while3A_92, %add3A_159 : i32
          scf.yield %and3A_158, %add3A_160 : vector<16xi1>, i32
        }
      }
      %scan3A_45 = arith.constant 125 : i32
    }
    %scan3A_19 = arith.constant 10 : i32
    %barrier3A_20 = arith.constant 0 : index
    tpu.barrier barrier_id(%barrier3A_20)
    %eq3A = arith.constant 0 : i32
    %eq3A_21 = arith.cmpi eq, %arg0, %eq3A : i32
    %convert_element_type3A = arith.extui %eq3A_21 : i1 to i32
    %cond3A = arith.constant 0 : i32
    %cond3A_22 = arith.cmpi ne, %convert_element_type3A, %cond3A : i32
    scf.if %cond3A_22 {
      %mul3A_27 = arith.constant 640 : i32
      %mul3A_28 = arith.muli %arg1, %mul3A_27 : i32
      %mul3A_29 = arith.constant 640 : i32
      %mul3A_30 = arith.muli %arg1, %mul3A_29 : i32
      "tpu.region"() ({
        %run_scoped3A = tpu.sem_alloc : memref<!tpu.dma_semaphore, #tpu.memory_space<semaphore_mem>>
        %dma_start3A = arith.constant 0 : i32
        %dma_start3A_31 = tpu.memref_slice %arg5[%mul3A_30, %dma_start3A] : memref<10240x16xf32, #tpu.memory_space<hbm>> -> memref<640x16xf32, #tpu.memory_space<hbm>>
        %dma_start3A_32 = arith.constant 0 : i32
        %dma_start3A_33 = tpu.memref_slice %arg13[%mul3A_28, %dma_start3A_32] : memref<10240x16xf32, #tpu.memory_space<vmem_shared>> -> memref<640x16xf32, #tpu.memory_space<vmem_shared>>
        tpu.enqueue_dma source(%dma_start3A_33 : memref<640x16xf32, #tpu.memory_space<vmem_shared>>) target(%dma_start3A_31 : memref<640x16xf32, #tpu.memory_space<hbm>>) target_semaphore(%run_scoped3A : memref<!tpu.dma_semaphore, #tpu.memory_space<semaphore_mem>>)
        %dma_wait3A = arith.constant 0 : i32
        %dma_wait3A_34 = tpu.memref_slice %arg5[%mul3A_30, %dma_wait3A] : memref<10240x16xf32, #tpu.memory_space<hbm>> -> memref<640x16xf32, #tpu.memory_space<hbm>>
        %dma_wait3A_35 = arith.constant 0 : i32
        %dma_wait3A_36 = tpu.memref_slice %arg13[%mul3A_28, %dma_wait3A_35] : memref<10240x16xf32, #tpu.memory_space<vmem_shared>> -> memref<640x16xf32, #tpu.memory_space<vmem_shared>>
        tpu.wait_dma2 semaphore(%run_scoped3A : memref<!tpu.dma_semaphore, #tpu.memory_space<semaphore_mem>>) src(%dma_wait3A_36 : memref<640x16xf32, #tpu.memory_space<vmem_shared>>) dst(%dma_wait3A_34 : memref<640x16xf32, #tpu.memory_space<hbm>>)
        tpu.yield
      }) : () -> ()
    } else {
    }
    %mul3A_23 = arith.constant 5120 : i32
    %mul3A_24 = arith.muli %arg0, %mul3A_23 : i32
    %mul3A_25 = arith.constant 16 : i32
    %mul3A_26 = arith.muli %arg1, %mul3A_25 : i32
    "tpu.region"() ({
      %run_scoped3A = tpu.sem_alloc : memref<!tpu.dma_semaphore, #tpu.memory_space<semaphore_mem>>
      %dma_start3A = tpu.memref_slice %arg6[%mul3A_24, %mul3A_26] : memref<10240x256xf32, #tpu.memory_space<hbm>> -> memref<5120x16xf32, #tpu.memory_space<hbm>>
      %dma_start3A_27 = tpu.memref_slice %arg6[%mul3A_24, %mul3A_26] : memref<10240x256xf32, #tpu.memory_space<hbm>> -> memref<5120x16xf32, #tpu.memory_space<hbm>>
      tpu.enqueue_dma source(%arg10 : memref<5120x16xf32, #tpu.memory_space<vmem>>) target(%dma_start3A_27 : memref<5120x16xf32, #tpu.memory_space<hbm>>) target_semaphore(%run_scoped3A : memref<!tpu.dma_semaphore, #tpu.memory_space<semaphore_mem>>)
      %dma_wait3A = tpu.memref_slice %arg6[%mul3A_24, %mul3A_26] : memref<10240x256xf32, #tpu.memory_space<hbm>> -> memref<5120x16xf32, #tpu.memory_space<hbm>>
      %dma_wait3A_28 = tpu.memref_slice %arg6[%mul3A_24, %mul3A_26] : memref<10240x256xf32, #tpu.memory_space<hbm>> -> memref<5120x16xf32, #tpu.memory_space<hbm>>
      tpu.wait_dma2 semaphore(%run_scoped3A : memref<!tpu.dma_semaphore, #tpu.memory_space<semaphore_mem>>) src(%arg10 : memref<5120x16xf32, #tpu.memory_space<vmem>>) dst(%dma_wait3A_28 : memref<5120x16xf32, #tpu.memory_space<hbm>>)
      tpu.yield
    }) : () -> ()
    return
  }
}

module attributes {stable_mosaic.version = 14 : i64} {
  func.func @body(%arg0: memref<10240x128xf32, #tpu.memory_space<vmem>>, %arg1: memref<128x32xf32, #tpu.memory_space<vmem>>, %arg2: memref<10240x32xf32, #tpu.memory_space<vmem>>) attributes {dimension_semantics = [], scalar_prefetch = 0 : i64, scratch_operands = 0 : i64, tpu.core_type = #tpu.core_type<tc>} {
    %get3A = arith.constant 0 : index
    %get3A_0 = arith.constant 0 : index
    %get3A_1 = vector.load %arg0[%get3A, %get3A_0] : memref<10240x128xf32, #tpu.memory_space<vmem>>, vector<10240x128xf32>
    %get3A_2 = arith.constant 0 : index
    %get3A_3 = arith.constant 0 : index
    %get3A_4 = vector.load %arg1[%get3A_2, %get3A_3] : memref<128x32xf32, #tpu.memory_space<vmem>>, vector<128x32xf32>
    %dot_general3A = arith.constant dense<0.000000e+00> : vector<10240x32xf32>
    %dot_general3A_5 = tpu.matmul %get3A_1, %get3A_4, %dot_general3A {dimension_numbers = #tpu.dot_dimension_numbers<[1], [0], [0], [1], [0, 0, 1, 1], [], []>, transpose_lhs_hint = false} : vector<10240x128xf32>, vector<128x32xf32>, vector<10240x32xf32> -> vector<10240x32xf32>
    %iota3A = tpu.iota {dimensions = array<i32: 1>} : vector<10240x32xi32>
    %eq3A = arith.constant 28 : i32
    %eq3A_6 = vector.broadcast %eq3A : i32 to vector<10240x32xi32>
    %eq3A_7 = arith.cmpi eq, %iota3A, %eq3A_6 : vector<10240x32xi32>
    %jit3A = arith.constant 1.000000e+00 : f32
    %broadcast_in_dim3A = vector.broadcast %jit3A : f32 to vector<10240x32xf32>
    %select_n3A = arith.select %eq3A_7, %broadcast_in_dim3A, %dot_general3A_5 : vector<10240x32xi1>, vector<10240x32xf32>
    %swap3A = arith.constant 0 : index
    %swap3A_8 = arith.constant 0 : index
    %swap3A_9 = vector.load %arg2[%swap3A, %swap3A_8] : memref<10240x32xf32, #tpu.memory_space<vmem>>, vector<10240x32xf32>
    tpu.vector_store %arg2[%swap3A, %swap3A_8], %select_n3A {strides = array<i32>} : memref<10240x32xf32, #tpu.memory_space<vmem>>, vector<10240x32xf32>,
    return
  }
}

module attributes {stable_mosaic.version = 14 : i64} {
  func.func @body(%arg0: i32, %arg1: memref<1024x256xf32, #tpu.memory_space<vmem>>, %arg2: memref<1024x16xf32, #tpu.memory_space<vmem>>) attributes {dimension_semantics = [#tpu.dimension_semantics<arbitrary>], iteration_bounds = array<i64: 10>, scalar_prefetch = 0 : i64, scratch_operands = 0 : i64, tpu.core_type = #tpu.core_type<tc>, window_params = [{transform_indices = @transform_0, window_bounds = array<i64: 1024, 256>}, {transform_indices = @transform_1, window_bounds = array<i64: 1024, 16>}]} {
    %get3A = arith.constant 0 : index
    %get3A_0 = arith.constant 0 : index
    %get3A_1 = vector.load %arg1[%get3A, %get3A_0] : memref<1024x256xf32, #tpu.memory_space<vmem>>, vector<1024x16xf32>
    %get3A_2 = arith.constant 0 : index
    %get3A_3 = arith.constant 16 : index
    %get3A_4 = vector.load %arg1[%get3A_2, %get3A_3] : memref<1024x256xf32, #tpu.memory_space<vmem>>, vector<1024x16xf32>
    %max3A = arith.maximumf %get3A_1, %get3A_4 : vector<1024x16xf32>
    %get3A_5 = arith.constant 0 : index
    %get3A_6 = arith.constant 32 : index
    %get3A_7 = vector.load %arg1[%get3A_5, %get3A_6] : memref<1024x256xf32, #tpu.memory_space<vmem>>, vector<1024x16xf32>
    %max3A_8 = arith.maximumf %max3A, %get3A_7 : vector<1024x16xf32>
    %get3A_9 = arith.constant 0 : index
    %get3A_10 = arith.constant 48 : index
    %get3A_11 = vector.load %arg1[%get3A_9, %get3A_10] : memref<1024x256xf32, #tpu.memory_space<vmem>>, vector<1024x16xf32>
    %max3A_12 = arith.maximumf %max3A_8, %get3A_11 : vector<1024x16xf32>
    %get3A_13 = arith.constant 0 : index
    %get3A_14 = arith.constant 64 : index
    %get3A_15 = vector.load %arg1[%get3A_13, %get3A_14] : memref<1024x256xf32, #tpu.memory_space<vmem>>, vector<1024x16xf32>
    %max3A_16 = arith.maximumf %max3A_12, %get3A_15 : vector<1024x16xf32>
    %get3A_17 = arith.constant 0 : index
    %get3A_18 = arith.constant 80 : index
    %get3A_19 = vector.load %arg1[%get3A_17, %get3A_18] : memref<1024x256xf32, #tpu.memory_space<vmem>>, vector<1024x16xf32>
    %max3A_20 = arith.maximumf %max3A_16, %get3A_19 : vector<1024x16xf32>
    %get3A_21 = arith.constant 0 : index
    %get3A_22 = arith.constant 96 : index
    %get3A_23 = vector.load %arg1[%get3A_21, %get3A_22] : memref<1024x256xf32, #tpu.memory_space<vmem>>, vector<1024x16xf32>
    %max3A_24 = arith.maximumf %max3A_20, %get3A_23 : vector<1024x16xf32>
    %get3A_25 = arith.constant 0 : index
    %get3A_26 = arith.constant 112 : index
    %get3A_27 = vector.load %arg1[%get3A_25, %get3A_26] : memref<1024x256xf32, #tpu.memory_space<vmem>>, vector<1024x16xf32>
    %max3A_28 = arith.maximumf %max3A_24, %get3A_27 : vector<1024x16xf32>
    %get3A_29 = arith.constant 0 : index
    %get3A_30 = arith.constant 128 : index
    %get3A_31 = vector.load %arg1[%get3A_29, %get3A_30] : memref<1024x256xf32, #tpu.memory_space<vmem>>, vector<1024x16xf32>
    %max3A_32 = arith.maximumf %max3A_28, %get3A_31 : vector<1024x16xf32>
    %get3A_33 = arith.constant 0 : index
    %get3A_34 = arith.constant 144 : index
    %get3A_35 = vector.load %arg1[%get3A_33, %get3A_34] : memref<1024x256xf32, #tpu.memory_space<vmem>>, vector<1024x16xf32>
    %max3A_36 = arith.maximumf %max3A_32, %get3A_35 : vector<1024x16xf32>
    %get3A_37 = arith.constant 0 : index
    %get3A_38 = arith.constant 160 : index
    %get3A_39 = vector.load %arg1[%get3A_37, %get3A_38] : memref<1024x256xf32, #tpu.memory_space<vmem>>, vector<1024x16xf32>
    %max3A_40 = arith.maximumf %max3A_36, %get3A_39 : vector<1024x16xf32>
    %get3A_41 = arith.constant 0 : index
    %get3A_42 = arith.constant 176 : index
    %get3A_43 = vector.load %arg1[%get3A_41, %get3A_42] : memref<1024x256xf32, #tpu.memory_space<vmem>>, vector<1024x16xf32>
    %max3A_44 = arith.maximumf %max3A_40, %get3A_43 : vector<1024x16xf32>
    %get3A_45 = arith.constant 0 : index
    %get3A_46 = arith.constant 192 : index
    %get3A_47 = vector.load %arg1[%get3A_45, %get3A_46] : memref<1024x256xf32, #tpu.memory_space<vmem>>, vector<1024x16xf32>
    %max3A_48 = arith.maximumf %max3A_44, %get3A_47 : vector<1024x16xf32>
    %get3A_49 = arith.constant 0 : index
    %get3A_50 = arith.constant 208 : index
    %get3A_51 = vector.load %arg1[%get3A_49, %get3A_50] : memref<1024x256xf32, #tpu.memory_space<vmem>>, vector<1024x16xf32>
    %max3A_52 = arith.maximumf %max3A_48, %get3A_51 : vector<1024x16xf32>
    %get3A_53 = arith.constant 0 : index
    %get3A_54 = arith.constant 224 : index
    %get3A_55 = vector.load %arg1[%get3A_53, %get3A_54] : memref<1024x256xf32, #tpu.memory_space<vmem>>, vector<1024x16xf32>
    %max3A_56 = arith.maximumf %max3A_52, %get3A_55 : vector<1024x16xf32>
    %get3A_57 = arith.constant 0 : index
    %get3A_58 = arith.constant 240 : index
    %get3A_59 = vector.load %arg1[%get3A_57, %get3A_58] : memref<1024x256xf32, #tpu.memory_space<vmem>>, vector<1024x16xf32>
    %max3A_60 = arith.maximumf %max3A_56, %get3A_59 : vector<1024x16xf32>
    %swap3A = arith.constant 0 : index
    %swap3A_61 = arith.constant 0 : index
    %swap3A_62 = vector.load %arg2[%swap3A, %swap3A_61] : memref<1024x16xf32, #tpu.memory_space<vmem>>, vector<1024x16xf32>
    tpu.vector_store %arg2[%swap3A, %swap3A_61], %max3A_60 {strides = array<i32>} : memref<1024x16xf32, #tpu.memory_space<vmem>>, vector<1024x16xf32>,
    return
  }
  func.func @transform_0(%arg0: i32) -> (i32, i32) {
    %c0_i32 = arith.constant 0 : i32
    %c0_i32_0 = arith.constant 0 : i32
    return %arg0, %c0_i32 : i32, i32
  }
  func.func @transform_1(%arg0: i32) -> (i32, i32) {
    %c0_i32 = arith.constant 0 : i32
    %c0_i32_0 = arith.constant 0 : i32
    return %arg0, %c0_i32 : i32, i32
  }
}

module attributes {stable_mosaic.version = 14 : i64} {
  func.func @body(%arg0: memref<10240x48xf32, #tpu.memory_space<vmem>>, %arg1: memref<1x16xf32, #tpu.memory_space<vmem>>, %arg2: memref<1x36xf32, #tpu.memory_space<vmem>>, %arg3: memref<1x36xf32, #tpu.memory_space<vmem>>, %arg4: memref<36x32xf32, #tpu.memory_space<vmem>>, %arg5: memref<10240x32xf32, #tpu.memory_space<vmem>>) attributes {dimension_semantics = [], scalar_prefetch = 0 : i64, scratch_operands = 0 : i64, tpu.core_type = #tpu.core_type<tc>} {
    %iota3A = tpu.iota {dimensions = array<i32: 0>} : vector<10240x1xi32>
    %lt3A = arith.constant 10000 : i32
    %lt3A_0 = vector.broadcast %lt3A : i32 to vector<10240x1xi32>
    %lt3A_1 = arith.cmpi slt, %iota3A, %lt3A_0 : vector<10240x1xi32>
    %get3A = arith.constant 0 : index
    %get3A_2 = arith.constant 0 : index
    %get3A_3 = vector.load %arg0[%get3A, %get3A_2] : memref<10240x48xf32, #tpu.memory_space<vmem>>, vector<10240x48xf32>
    %get3A_4 = arith.constant 0 : index
    %get3A_5 = arith.constant 0 : index
    %get3A_6 = vector.load %arg1[%get3A_4, %get3A_5] : memref<1x16xf32, #tpu.memory_space<vmem>>, vector<1x16xf32>
    %slice3A = vector.extract_strided_slice %get3A_3 {offsets = [0, 0], sizes = [10240, 16], strides = [1, 1]} : vector<10240x48xf32> to vector<10240x16xf32>
    %slice3A_7 = vector.extract_strided_slice %get3A_3 {offsets = [0, 16], sizes = [10240, 16], strides = [1, 1]} : vector<10240x48xf32> to vector<10240x16xf32>
    %slice3A_8 = vector.extract_strided_slice %get3A_3 {offsets = [0, 32], sizes = [10240, 16], strides = [1, 1]} : vector<10240x48xf32> to vector<10240x16xf32>
    %slice3A_9 = vector.extract_strided_slice %slice3A_7 {offsets = [0, 12], sizes = [10240, 1], strides = [1, 1]} : vector<10240x16xf32> to vector<10240x1xf32>
    %slice3A_10 = vector.extract_strided_slice %slice3A {offsets = [0, 0], sizes = [10240, 12], strides = [1, 1]} : vector<10240x16xf32> to vector<10240x12xf32>
    %slice3A_11 = vector.extract_strided_slice %get3A_6 {offsets = [0, 0], sizes = [1, 12], strides = [1, 1]} : vector<1x16xf32> to vector<1x12xf32>
    %add3A = vector.broadcast %slice3A_11 : vector<1x12xf32> to vector<10240x12xf32>
    %add3A_12 = arith.addf %slice3A_10, %add3A : vector<10240x12xf32>
    %slice3A_13 = vector.extract_strided_slice %slice3A_7 {offsets = [0, 0], sizes = [10240, 12], strides = [1, 1]} : vector<10240x16xf32> to vector<10240x12xf32>
    %mul3A = vector.broadcast %slice3A_9 : vector<10240x1xf32> to vector<10240x12xf32>
    %mul3A_14 = arith.mulf %mul3A, %add3A_12 : vector<10240x12xf32>
    %add3A_15 = arith.addf %slice3A_13, %mul3A_14 : vector<10240x12xf32>
    %max3A = arith.constant 1.000000e+00 : f32
    %max3A_16 = vector.broadcast %max3A : f32 to vector<10240x1xf32>
    %max3A_17 = arith.maximumf %slice3A_9, %max3A_16 : vector<10240x1xf32>
    %div3A = vector.broadcast %max3A_17 : vector<10240x1xf32> to vector<10240x12xf32>
    %div3A_18 = arith.divf %add3A_15, %div3A : vector<10240x12xf32>
    %gt3A = arith.constant 0.000000e+00 : f32
    %gt3A_19 = vector.broadcast %gt3A : f32 to vector<10240x1xf32>
    %gt3A_20 = arith.cmpf ogt, %slice3A_9, %gt3A_19 : vector<10240x1xf32>
    %slice3A_21 = vector.extract_strided_slice %slice3A_8 {offsets = [0, 0], sizes = [10240, 12], strides = [1, 1]} : vector<10240x16xf32> to vector<10240x12xf32>
    %add3A_22 = arith.addf %add3A_12, %slice3A_21 : vector<10240x12xf32>
    %jit3A = arith.constant 0.000000e+00 : f32
    %broadcast_in_dim3A = vector.shape_cast %gt3A_20 : vector<10240x1xi1> to vector<10240x1xi1>
    %broadcast_in_dim3A_23 = vector.broadcast %broadcast_in_dim3A : vector<10240x1xi1> to vector<10240x12xi1>
    %broadcast_in_dim3A_24 = vector.broadcast %jit3A : f32 to vector<10240x12xf32>
    %select_n3A = arith.select %broadcast_in_dim3A_23, %add3A_22, %broadcast_in_dim3A_24 : vector<10240x12xi1>, vector<10240x12xf32>
    %concatenate3A = tpu.concatenate %add3A_15, %div3A_18, %select_n3A in 1 : vector<10240x12xf32>, vector<10240x12xf32>, vector<10240x12xf32> -> vector<10240x36xf32>
    %get3A_25 = arith.constant 0 : index
    %get3A_26 = arith.constant 0 : index
    %get3A_27 = vector.load %arg2[%get3A_25, %get3A_26] : memref<1x36xf32, #tpu.memory_space<vmem>>, vector<1x36xf32>
    %get3A_28 = arith.constant 0 : index
    %get3A_29 = arith.constant 0 : index
    %get3A_30 = vector.load %arg3[%get3A_28, %get3A_29] : memref<1x36xf32, #tpu.memory_space<vmem>>, vector<1x36xf32>
    %jit3A_31 = arith.constant 0.000000e+00 : f32
    %broadcast_in_dim3A_32 = vector.shape_cast %lt3A_1 : vector<10240x1xi1> to vector<10240x1xi1>
    %broadcast_in_dim3A_33 = vector.broadcast %broadcast_in_dim3A_32 : vector<10240x1xi1> to vector<10240x36xi1>
    %broadcast_in_dim3A_34 = vector.broadcast %jit3A_31 : f32 to vector<10240x36xf32>
    %select_n3A_35 = arith.select %broadcast_in_dim3A_33, %concatenate3A, %broadcast_in_dim3A_34 : vector<10240x36xi1>, vector<10240x36xf32>
    %reduce_sum3A = arith.constant dense<0.000000e+00> : vector<36xf32>
    %reduce_sum3A_36 = vector.multi_reduction <add>, %select_n3A_35, %reduce_sum3A [0] : vector<10240x36xf32> to vector<36xf32>
    %broadcast_in_dim3A_37 = vector.shape_cast %reduce_sum3A_36 : vector<36xf32> to vector<1x36xf32>
    %div3A_38 = arith.constant 1.000000e+04 : f32
    %div3A_39 = vector.broadcast %div3A_38 : f32 to vector<1x36xf32>
    %div3A_40 = arith.divf %broadcast_in_dim3A_37, %div3A_39 : vector<1x36xf32>
    %sub3A = vector.broadcast %div3A_40 : vector<1x36xf32> to vector<10240x36xf32>
    %sub3A_41 = arith.subf %concatenate3A, %sub3A : vector<10240x36xf32>
    %integer_pow3A = arith.mulf %sub3A_41, %sub3A_41 : vector<10240x36xf32>
    %jit3A_42 = arith.constant 0.000000e+00 : f32
    %broadcast_in_dim3A_43 = vector.shape_cast %lt3A_1 : vector<10240x1xi1> to vector<10240x1xi1>
    %broadcast_in_dim3A_44 = vector.broadcast %broadcast_in_dim3A_43 : vector<10240x1xi1> to vector<10240x36xi1>
    %broadcast_in_dim3A_45 = vector.broadcast %jit3A_42 : f32 to vector<10240x36xf32>
    %select_n3A_46 = arith.select %broadcast_in_dim3A_44, %integer_pow3A, %broadcast_in_dim3A_45 : vector<10240x36xi1>, vector<10240x36xf32>
    %reduce_sum3A_47 = arith.constant dense<0.000000e+00> : vector<36xf32>
    %reduce_sum3A_48 = vector.multi_reduction <add>, %select_n3A_46, %reduce_sum3A_47 [0] : vector<10240x36xf32> to vector<36xf32>
    %broadcast_in_dim3A_49 = vector.shape_cast %reduce_sum3A_48 : vector<36xf32> to vector<1x36xf32>
    %div3A_50 = arith.constant 1.000000e+04 : f32
    %div3A_51 = vector.broadcast %div3A_50 : f32 to vector<1x36xf32>
    %div3A_52 = arith.divf %broadcast_in_dim3A_49, %div3A_51 : vector<1x36xf32>
    %sub3A_53 = vector.broadcast %div3A_40 : vector<1x36xf32> to vector<10240x36xf32>
    %sub3A_54 = arith.subf %concatenate3A, %sub3A_53 : vector<10240x36xf32>
    %add3A_55 = arith.constant 9.99999974E-6 : f32
    %add3A_56 = vector.broadcast %add3A_55 : f32 to vector<1x36xf32>
    %add3A_57 = arith.addf %div3A_52, %add3A_56 : vector<1x36xf32>
    %rsqrt3A = math.rsqrt %add3A_57 : vector<1x36xf32>
    %mul3A_58 = vector.broadcast %rsqrt3A : vector<1x36xf32> to vector<10240x36xf32>
    %mul3A_59 = arith.mulf %sub3A_54, %mul3A_58 : vector<10240x36xf32>
    %mul3A_60 = vector.broadcast %get3A_27 : vector<1x36xf32> to vector<10240x36xf32>
    %mul3A_61 = arith.mulf %mul3A_59, %mul3A_60 : vector<10240x36xf32>
    %add3A_62 = vector.broadcast %get3A_30 : vector<1x36xf32> to vector<10240x36xf32>
    %add3A_63 = arith.addf %mul3A_61, %add3A_62 : vector<10240x36xf32>
    %gt3A_64 = arith.constant 0.000000e+00 : f32
    %gt3A_65 = vector.broadcast %gt3A_64 : f32 to vector<10240x36xf32>
    %gt3A_66 = arith.cmpf ogt, %add3A_63, %gt3A_65 : vector<10240x36xf32>
    %mul3A_67 = arith.constant 0.00999999977 : f32
    %mul3A_68 = vector.broadcast %mul3A_67 : f32 to vector<10240x36xf32>
    %mul3A_69 = arith.mulf %mul3A_68, %add3A_63 : vector<10240x36xf32>
    %select_n3A_70 = arith.select %gt3A_66, %add3A_63, %mul3A_69 : vector<10240x36xi1>, vector<10240x36xf32>
    %jit3A_71 = arith.constant 0.000000e+00 : f32
    %broadcast_in_dim3A_72 = vector.shape_cast %lt3A_1 : vector<10240x1xi1> to vector<10240x1xi1>
    %broadcast_in_dim3A_73 = vector.broadcast %broadcast_in_dim3A_72 : vector<10240x1xi1> to vector<10240x36xi1>
    %broadcast_in_dim3A_74 = vector.broadcast %jit3A_71 : f32 to vector<10240x36xf32>
    %select_n3A_75 = arith.select %broadcast_in_dim3A_73, %select_n3A_70, %broadcast_in_dim3A_74 : vector<10240x36xi1>, vector<10240x36xf32>
    %get3A_76 = arith.constant 0 : index
    %get3A_77 = arith.constant 0 : index
    %get3A_78 = vector.load %arg4[%get3A_76, %get3A_77] : memref<36x32xf32, #tpu.memory_space<vmem>>, vector<36x32xf32>
    %dot_general3A = arith.constant dense<0.000000e+00> : vector<10240x32xf32>
    %dot_general3A_79 = tpu.matmul %select_n3A_75, %get3A_78, %dot_general3A {dimension_numbers = #tpu.dot_dimension_numbers<[1], [0], [0], [1], [0, 0, 1, 1], [], []>, transpose_lhs_hint = false} : vector<10240x36xf32>, vector<36x32xf32>, vector<10240x32xf32> -> vector<10240x32xf32>
    %iota3A_80 = tpu.iota {dimensions = array<i32: 1>} : vector<10240x32xi32>
    %eq3A = arith.constant 25 : i32
    %eq3A_81 = vector.broadcast %eq3A : i32 to vector<10240x32xi32>
    %eq3A_82 = arith.cmpi eq, %iota3A_80, %eq3A_81 : vector<10240x32xi32>
    %jit3A_83 = arith.constant 1.000000e+00 : f32
    %broadcast_in_dim3A_84 = vector.broadcast %jit3A_83 : f32 to vector<10240x32xf32>
    %select_n3A_85 = arith.select %eq3A_82, %broadcast_in_dim3A_84, %dot_general3A_79 : vector<10240x32xi1>, vector<10240x32xf32>
    %swap3A = arith.constant 0 : index
    %swap3A_86 = arith.constant 0 : index
    %swap3A_87 = vector.load %arg5[%swap3A, %swap3A_86] : memref<10240x32xf32, #tpu.memory_space<vmem>>, vector<10240x32xf32>
    tpu.vector_store %arg5[%swap3A, %swap3A_86], %select_n3A_85 {strides = array<i32>} : memref<10240x32xf32, #tpu.memory_space<vmem>>, vector<10240x32xf32>,
    return
  }
}

module attributes {stable_mosaic.version = 14 : i64} {
  func.func @body(%arg0: memref<10240x48xf32, #tpu.memory_space<vmem>>, %arg1: memref<1x16xf32, #tpu.memory_space<vmem>>, %arg2: memref<1x27xf32, #tpu.memory_space<vmem>>, %arg3: memref<1x27xf32, #tpu.memory_space<vmem>>, %arg4: memref<27x32xf32, #tpu.memory_space<vmem>>, %arg5: memref<10240x32xf32, #tpu.memory_space<vmem>>) attributes {dimension_semantics = [], scalar_prefetch = 0 : i64, scratch_operands = 0 : i64, tpu.core_type = #tpu.core_type<tc>} {
    %iota3A = tpu.iota {dimensions = array<i32: 0>} : vector<10240x1xi32>
    %lt3A = arith.constant 10000 : i32
    %lt3A_0 = vector.broadcast %lt3A : i32 to vector<10240x1xi32>
    %lt3A_1 = arith.cmpi slt, %iota3A, %lt3A_0 : vector<10240x1xi32>
    %get3A = arith.constant 0 : index
    %get3A_2 = arith.constant 0 : index
    %get3A_3 = vector.load %arg0[%get3A, %get3A_2] : memref<10240x48xf32, #tpu.memory_space<vmem>>, vector<10240x48xf32>
    %get3A_4 = arith.constant 0 : index
    %get3A_5 = arith.constant 0 : index
    %get3A_6 = vector.load %arg1[%get3A_4, %get3A_5] : memref<1x16xf32, #tpu.memory_space<vmem>>, vector<1x16xf32>
    %slice3A = vector.extract_strided_slice %get3A_3 {offsets = [0, 0], sizes = [10240, 16], strides = [1, 1]} : vector<10240x48xf32> to vector<10240x16xf32>
    %slice3A_7 = vector.extract_strided_slice %get3A_3 {offsets = [0, 16], sizes = [10240, 16], strides = [1, 1]} : vector<10240x48xf32> to vector<10240x16xf32>
    %slice3A_8 = vector.extract_strided_slice %get3A_3 {offsets = [0, 32], sizes = [10240, 16], strides = [1, 1]} : vector<10240x48xf32> to vector<10240x16xf32>
    %slice3A_9 = vector.extract_strided_slice %slice3A_7 {offsets = [0, 9], sizes = [10240, 1], strides = [1, 1]} : vector<10240x16xf32> to vector<10240x1xf32>
    %slice3A_10 = vector.extract_strided_slice %slice3A {offsets = [0, 0], sizes = [10240, 9], strides = [1, 1]} : vector<10240x16xf32> to vector<10240x9xf32>
    %slice3A_11 = vector.extract_strided_slice %get3A_6 {offsets = [0, 0], sizes = [1, 9], strides = [1, 1]} : vector<1x16xf32> to vector<1x9xf32>
    %add3A = vector.broadcast %slice3A_11 : vector<1x9xf32> to vector<10240x9xf32>
    %add3A_12 = arith.addf %slice3A_10, %add3A : vector<10240x9xf32>
    %slice3A_13 = vector.extract_strided_slice %slice3A_7 {offsets = [0, 0], sizes = [10240, 9], strides = [1, 1]} : vector<10240x16xf32> to vector<10240x9xf32>
    %mul3A = vector.broadcast %slice3A_9 : vector<10240x1xf32> to vector<10240x9xf32>
    %mul3A_14 = arith.mulf %mul3A, %add3A_12 : vector<10240x9xf32>
    %add3A_15 = arith.addf %slice3A_13, %mul3A_14 : vector<10240x9xf32>
    %max3A = arith.constant 1.000000e+00 : f32
    %max3A_16 = vector.broadcast %max3A : f32 to vector<10240x1xf32>
    %max3A_17 = arith.maximumf %slice3A_9, %max3A_16 : vector<10240x1xf32>
    %div3A = vector.broadcast %max3A_17 : vector<10240x1xf32> to vector<10240x9xf32>
    %div3A_18 = arith.divf %add3A_15, %div3A : vector<10240x9xf32>
    %gt3A = arith.constant 0.000000e+00 : f32
    %gt3A_19 = vector.broadcast %gt3A : f32 to vector<10240x1xf32>
    %gt3A_20 = arith.cmpf ogt, %slice3A_9, %gt3A_19 : vector<10240x1xf32>
    %slice3A_21 = vector.extract_strided_slice %slice3A_8 {offsets = [0, 0], sizes = [10240, 9], strides = [1, 1]} : vector<10240x16xf32> to vector<10240x9xf32>
    %add3A_22 = arith.addf %add3A_12, %slice3A_21 : vector<10240x9xf32>
    %jit3A = arith.constant 0.000000e+00 : f32
    %broadcast_in_dim3A = vector.shape_cast %gt3A_20 : vector<10240x1xi1> to vector<10240x1xi1>
    %broadcast_in_dim3A_23 = vector.broadcast %broadcast_in_dim3A : vector<10240x1xi1> to vector<10240x9xi1>
    %broadcast_in_dim3A_24 = vector.broadcast %jit3A : f32 to vector<10240x9xf32>
    %select_n3A = arith.select %broadcast_in_dim3A_23, %add3A_22, %broadcast_in_dim3A_24 : vector<10240x9xi1>, vector<10240x9xf32>
    %concatenate3A = tpu.concatenate %add3A_15, %div3A_18, %select_n3A in 1 : vector<10240x9xf32>, vector<10240x9xf32>, vector<10240x9xf32> -> vector<10240x27xf32>
    %get3A_25 = arith.constant 0 : index
    %get3A_26 = arith.constant 0 : index
    %get3A_27 = vector.load %arg2[%get3A_25, %get3A_26] : memref<1x27xf32, #tpu.memory_space<vmem>>, vector<1x27xf32>
    %get3A_28 = arith.constant 0 : index
    %get3A_29 = arith.constant 0 : index
    %get3A_30 = vector.load %arg3[%get3A_28, %get3A_29] : memref<1x27xf32, #tpu.memory_space<vmem>>, vector<1x27xf32>
    %jit3A_31 = arith.constant 0.000000e+00 : f32
    %broadcast_in_dim3A_32 = vector.shape_cast %lt3A_1 : vector<10240x1xi1> to vector<10240x1xi1>
    %broadcast_in_dim3A_33 = vector.broadcast %broadcast_in_dim3A_32 : vector<10240x1xi1> to vector<10240x27xi1>
    %broadcast_in_dim3A_34 = vector.broadcast %jit3A_31 : f32 to vector<10240x27xf32>
    %select_n3A_35 = arith.select %broadcast_in_dim3A_33, %concatenate3A, %broadcast_in_dim3A_34 : vector<10240x27xi1>, vector<10240x27xf32>
    %reduce_sum3A = arith.constant dense<0.000000e+00> : vector<27xf32>
    %reduce_sum3A_36 = vector.multi_reduction <add>, %select_n3A_35, %reduce_sum3A [0] : vector<10240x27xf32> to vector<27xf32>
    %broadcast_in_dim3A_37 = vector.shape_cast %reduce_sum3A_36 : vector<27xf32> to vector<1x27xf32>
    %div3A_38 = arith.constant 1.000000e+04 : f32
    %div3A_39 = vector.broadcast %div3A_38 : f32 to vector<1x27xf32>
    %div3A_40 = arith.divf %broadcast_in_dim3A_37, %div3A_39 : vector<1x27xf32>
    %sub3A = vector.broadcast %div3A_40 : vector<1x27xf32> to vector<10240x27xf32>
    %sub3A_41 = arith.subf %concatenate3A, %sub3A : vector<10240x27xf32>
    %integer_pow3A = arith.mulf %sub3A_41, %sub3A_41 : vector<10240x27xf32>
    %jit3A_42 = arith.constant 0.000000e+00 : f32
    %broadcast_in_dim3A_43 = vector.shape_cast %lt3A_1 : vector<10240x1xi1> to vector<10240x1xi1>
    %broadcast_in_dim3A_44 = vector.broadcast %broadcast_in_dim3A_43 : vector<10240x1xi1> to vector<10240x27xi1>
    %broadcast_in_dim3A_45 = vector.broadcast %jit3A_42 : f32 to vector<10240x27xf32>
    %select_n3A_46 = arith.select %broadcast_in_dim3A_44, %integer_pow3A, %broadcast_in_dim3A_45 : vector<10240x27xi1>, vector<10240x27xf32>
    %reduce_sum3A_47 = arith.constant dense<0.000000e+00> : vector<27xf32>
    %reduce_sum3A_48 = vector.multi_reduction <add>, %select_n3A_46, %reduce_sum3A_47 [0] : vector<10240x27xf32> to vector<27xf32>
    %broadcast_in_dim3A_49 = vector.shape_cast %reduce_sum3A_48 : vector<27xf32> to vector<1x27xf32>
    %div3A_50 = arith.constant 1.000000e+04 : f32
    %div3A_51 = vector.broadcast %div3A_50 : f32 to vector<1x27xf32>
    %div3A_52 = arith.divf %broadcast_in_dim3A_49, %div3A_51 : vector<1x27xf32>
    %sub3A_53 = vector.broadcast %div3A_40 : vector<1x27xf32> to vector<10240x27xf32>
    %sub3A_54 = arith.subf %concatenate3A, %sub3A_53 : vector<10240x27xf32>
    %add3A_55 = arith.constant 9.99999974E-6 : f32
    %add3A_56 = vector.broadcast %add3A_55 : f32 to vector<1x27xf32>
    %add3A_57 = arith.addf %div3A_52, %add3A_56 : vector<1x27xf32>
    %rsqrt3A = math.rsqrt %add3A_57 : vector<1x27xf32>
    %mul3A_58 = vector.broadcast %rsqrt3A : vector<1x27xf32> to vector<10240x27xf32>
    %mul3A_59 = arith.mulf %sub3A_54, %mul3A_58 : vector<10240x27xf32>
    %mul3A_60 = vector.broadcast %get3A_27 : vector<1x27xf32> to vector<10240x27xf32>
    %mul3A_61 = arith.mulf %mul3A_59, %mul3A_60 : vector<10240x27xf32>
    %add3A_62 = vector.broadcast %get3A_30 : vector<1x27xf32> to vector<10240x27xf32>
    %add3A_63 = arith.addf %mul3A_61, %add3A_62 : vector<10240x27xf32>
    %gt3A_64 = arith.constant 0.000000e+00 : f32
    %gt3A_65 = vector.broadcast %gt3A_64 : f32 to vector<10240x27xf32>
    %gt3A_66 = arith.cmpf ogt, %add3A_63, %gt3A_65 : vector<10240x27xf32>
    %mul3A_67 = arith.constant 0.00999999977 : f32
    %mul3A_68 = vector.broadcast %mul3A_67 : f32 to vector<10240x27xf32>
    %mul3A_69 = arith.mulf %mul3A_68, %add3A_63 : vector<10240x27xf32>
    %select_n3A_70 = arith.select %gt3A_66, %add3A_63, %mul3A_69 : vector<10240x27xi1>, vector<10240x27xf32>
    %jit3A_71 = arith.constant 0.000000e+00 : f32
    %broadcast_in_dim3A_72 = vector.shape_cast %lt3A_1 : vector<10240x1xi1> to vector<10240x1xi1>
    %broadcast_in_dim3A_73 = vector.broadcast %broadcast_in_dim3A_72 : vector<10240x1xi1> to vector<10240x27xi1>
    %broadcast_in_dim3A_74 = vector.broadcast %jit3A_71 : f32 to vector<10240x27xf32>
    %select_n3A_75 = arith.select %broadcast_in_dim3A_73, %select_n3A_70, %broadcast_in_dim3A_74 : vector<10240x27xi1>, vector<10240x27xf32>
    %get3A_76 = arith.constant 0 : index
    %get3A_77 = arith.constant 0 : index
    %get3A_78 = vector.load %arg4[%get3A_76, %get3A_77] : memref<27x32xf32, #tpu.memory_space<vmem>>, vector<27x32xf32>
    %dot_general3A = arith.constant dense<0.000000e+00> : vector<10240x32xf32>
    %dot_general3A_79 = tpu.matmul %select_n3A_75, %get3A_78, %dot_general3A {dimension_numbers = #tpu.dot_dimension_numbers<[1], [0], [0], [1], [0, 0, 1, 1], [], []>, transpose_lhs_hint = false} : vector<10240x27xf32>, vector<27x32xf32>, vector<10240x32xf32> -> vector<10240x32xf32>
    %iota3A_80 = tpu.iota {dimensions = array<i32: 1>} : vector<10240x32xi32>
    %eq3A = arith.constant 23 : i32
    %eq3A_81 = vector.broadcast %eq3A : i32 to vector<10240x32xi32>
    %eq3A_82 = arith.cmpi eq, %iota3A_80, %eq3A_81 : vector<10240x32xi32>
    %jit3A_83 = arith.constant 1.000000e+00 : f32
    %broadcast_in_dim3A_84 = vector.broadcast %jit3A_83 : f32 to vector<10240x32xf32>
    %select_n3A_85 = arith.select %eq3A_82, %broadcast_in_dim3A_84, %dot_general3A_79 : vector<10240x32xi1>, vector<10240x32xf32>
    %swap3A = arith.constant 0 : index
    %swap3A_86 = arith.constant 0 : index
    %swap3A_87 = vector.load %arg5[%swap3A, %swap3A_86] : memref<10240x32xf32, #tpu.memory_space<vmem>>, vector<10240x32xf32>
    tpu.vector_store %arg5[%swap3A, %swap3A_86], %select_n3A_85 {strides = array<i32>} : memref<10240x32xf32, #tpu.memory_space<vmem>>, vector<10240x32xf32>,
    return
  }
}

module attributes {stable_mosaic.version = 14 : i64} {
  func.func @body(%arg0: memref<10240x48xf32, #tpu.memory_space<vmem>>, %arg1: memref<1x16xf32, #tpu.memory_space<vmem>>, %arg2: memref<1x21xf32, #tpu.memory_space<vmem>>, %arg3: memref<1x21xf32, #tpu.memory_space<vmem>>, %arg4: memref<21x30xf32, #tpu.memory_space<vmem>>, %arg5: memref<1x30xf32, #tpu.memory_space<vmem>>, %arg6: memref<30x10xf32, #tpu.memory_space<vmem>>, %arg7: memref<1x10xf32, #tpu.memory_space<vmem>>, %arg8: memref<1x10xf32, #tpu.memory_space<vmem>>, %arg9: memref<1x10xf32, #tpu.memory_space<vmem>>, %arg10: memref<10x1xf32, #tpu.memory_space<vmem>>, %arg11: memref<1x1xf32, #tpu.memory_space<vmem>>, %arg12: memref<10240x8xf32, #tpu.memory_space<vmem>>) attributes {dimension_semantics = [], scalar_prefetch = 0 : i64, scratch_operands = 0 : i64, tpu.core_type = #tpu.core_type<tc>} {
    %iota3A = tpu.iota {dimensions = array<i32: 0>} : vector<10240x1xi32>
    %lt3A = arith.constant 10000 : i32
    %lt3A_0 = vector.broadcast %lt3A : i32 to vector<10240x1xi32>
    %lt3A_1 = arith.cmpi slt, %iota3A, %lt3A_0 : vector<10240x1xi32>
    %get3A = arith.constant 0 : index
    %get3A_2 = arith.constant 0 : index
    %get3A_3 = vector.load %arg0[%get3A, %get3A_2] : memref<10240x48xf32, #tpu.memory_space<vmem>>, vector<10240x48xf32>
    %get3A_4 = arith.constant 0 : index
    %get3A_5 = arith.constant 0 : index
    %get3A_6 = vector.load %arg1[%get3A_4, %get3A_5] : memref<1x16xf32, #tpu.memory_space<vmem>>, vector<1x16xf32>
    %slice3A = vector.extract_strided_slice %get3A_3 {offsets = [0, 0], sizes = [10240, 16], strides = [1, 1]} : vector<10240x48xf32> to vector<10240x16xf32>
    %slice3A_7 = vector.extract_strided_slice %get3A_3 {offsets = [0, 16], sizes = [10240, 16], strides = [1, 1]} : vector<10240x48xf32> to vector<10240x16xf32>
    %slice3A_8 = vector.extract_strided_slice %get3A_3 {offsets = [0, 32], sizes = [10240, 16], strides = [1, 1]} : vector<10240x48xf32> to vector<10240x16xf32>
    %slice3A_9 = vector.extract_strided_slice %slice3A_7 {offsets = [0, 7], sizes = [10240, 1], strides = [1, 1]} : vector<10240x16xf32> to vector<10240x1xf32>
    %slice3A_10 = vector.extract_strided_slice %slice3A {offsets = [0, 0], sizes = [10240, 7], strides = [1, 1]} : vector<10240x16xf32> to vector<10240x7xf32>
    %slice3A_11 = vector.extract_strided_slice %get3A_6 {offsets = [0, 0], sizes = [1, 7], strides = [1, 1]} : vector<1x16xf32> to vector<1x7xf32>
    %add3A = vector.broadcast %slice3A_11 : vector<1x7xf32> to vector<10240x7xf32>
    %add3A_12 = arith.addf %slice3A_10, %add3A : vector<10240x7xf32>
    %slice3A_13 = vector.extract_strided_slice %slice3A_7 {offsets = [0, 0], sizes = [10240, 7], strides = [1, 1]} : vector<10240x16xf32> to vector<10240x7xf32>
    %mul3A = vector.broadcast %slice3A_9 : vector<10240x1xf32> to vector<10240x7xf32>
    %mul3A_14 = arith.mulf %mul3A, %add3A_12 : vector<10240x7xf32>
    %add3A_15 = arith.addf %slice3A_13, %mul3A_14 : vector<10240x7xf32>
    %max3A = arith.constant 1.000000e+00 : f32
    %max3A_16 = vector.broadcast %max3A : f32 to vector<10240x1xf32>
    %max3A_17 = arith.maximumf %slice3A_9, %max3A_16 : vector<10240x1xf32>
    %div3A = vector.broadcast %max3A_17 : vector<10240x1xf32> to vector<10240x7xf32>
    %div3A_18 = arith.divf %add3A_15, %div3A : vector<10240x7xf32>
    %gt3A = arith.constant 0.000000e+00 : f32
    %gt3A_19 = vector.broadcast %gt3A : f32 to vector<10240x1xf32>
    %gt3A_20 = arith.cmpf ogt, %slice3A_9, %gt3A_19 : vector<10240x1xf32>
    %slice3A_21 = vector.extract_strided_slice %slice3A_8 {offsets = [0, 0], sizes = [10240, 7], strides = [1, 1]} : vector<10240x16xf32> to vector<10240x7xf32>
    %add3A_22 = arith.addf %add3A_12, %slice3A_21 : vector<10240x7xf32>
    %jit3A = arith.constant 0.000000e+00 : f32
    %broadcast_in_dim3A = vector.shape_cast %gt3A_20 : vector<10240x1xi1> to vector<10240x1xi1>
    %broadcast_in_dim3A_23 = vector.broadcast %broadcast_in_dim3A : vector<10240x1xi1> to vector<10240x7xi1>
    %broadcast_in_dim3A_24 = vector.broadcast %jit3A : f32 to vector<10240x7xf32>
    %select_n3A = arith.select %broadcast_in_dim3A_23, %add3A_22, %broadcast_in_dim3A_24 : vector<10240x7xi1>, vector<10240x7xf32>
    %concatenate3A = tpu.concatenate %add3A_15, %div3A_18, %select_n3A in 1 : vector<10240x7xf32>, vector<10240x7xf32>, vector<10240x7xf32> -> vector<10240x21xf32>
    %get3A_25 = arith.constant 0 : index
    %get3A_26 = arith.constant 0 : index
    %get3A_27 = vector.load %arg2[%get3A_25, %get3A_26] : memref<1x21xf32, #tpu.memory_space<vmem>>, vector<1x21xf32>
    %get3A_28 = arith.constant 0 : index
    %get3A_29 = arith.constant 0 : index
    %get3A_30 = vector.load %arg3[%get3A_28, %get3A_29] : memref<1x21xf32, #tpu.memory_space<vmem>>, vector<1x21xf32>
    %jit3A_31 = arith.constant 0.000000e+00 : f32
    %broadcast_in_dim3A_32 = vector.shape_cast %lt3A_1 : vector<10240x1xi1> to vector<10240x1xi1>
    %broadcast_in_dim3A_33 = vector.broadcast %broadcast_in_dim3A_32 : vector<10240x1xi1> to vector<10240x21xi1>
    %broadcast_in_dim3A_34 = vector.broadcast %jit3A_31 : f32 to vector<10240x21xf32>
    %select_n3A_35 = arith.select %broadcast_in_dim3A_33, %concatenate3A, %broadcast_in_dim3A_34 : vector<10240x21xi1>, vector<10240x21xf32>
    %reduce_sum3A = arith.constant dense<0.000000e+00> : vector<21xf32>
    %reduce_sum3A_36 = vector.multi_reduction <add>, %select_n3A_35, %reduce_sum3A [0] : vector<10240x21xf32> to vector<21xf32>
    %broadcast_in_dim3A_37 = vector.shape_cast %reduce_sum3A_36 : vector<21xf32> to vector<1x21xf32>
    %div3A_38 = arith.constant 1.000000e+04 : f32
    %div3A_39 = vector.broadcast %div3A_38 : f32 to vector<1x21xf32>
    %div3A_40 = arith.divf %broadcast_in_dim3A_37, %div3A_39 : vector<1x21xf32>
    %sub3A = vector.broadcast %div3A_40 : vector<1x21xf32> to vector<10240x21xf32>
    %sub3A_41 = arith.subf %concatenate3A, %sub3A : vector<10240x21xf32>
    %integer_pow3A = arith.mulf %sub3A_41, %sub3A_41 : vector<10240x21xf32>
    %jit3A_42 = arith.constant 0.000000e+00 : f32
    %broadcast_in_dim3A_43 = vector.shape_cast %lt3A_1 : vector<10240x1xi1> to vector<10240x1xi1>
    %broadcast_in_dim3A_44 = vector.broadcast %broadcast_in_dim3A_43 : vector<10240x1xi1> to vector<10240x21xi1>
    %broadcast_in_dim3A_45 = vector.broadcast %jit3A_42 : f32 to vector<10240x21xf32>
    %select_n3A_46 = arith.select %broadcast_in_dim3A_44, %integer_pow3A, %broadcast_in_dim3A_45 : vector<10240x21xi1>, vector<10240x21xf32>
    %reduce_sum3A_47 = arith.constant dense<0.000000e+00> : vector<21xf32>
    %reduce_sum3A_48 = vector.multi_reduction <add>, %select_n3A_46, %reduce_sum3A_47 [0] : vector<10240x21xf32> to vector<21xf32>
    %broadcast_in_dim3A_49 = vector.shape_cast %reduce_sum3A_48 : vector<21xf32> to vector<1x21xf32>
    %div3A_50 = arith.constant 1.000000e+04 : f32
    %div3A_51 = vector.broadcast %div3A_50 : f32 to vector<1x21xf32>
    %div3A_52 = arith.divf %broadcast_in_dim3A_49, %div3A_51 : vector<1x21xf32>
    %sub3A_53 = vector.broadcast %div3A_40 : vector<1x21xf32> to vector<10240x21xf32>
    %sub3A_54 = arith.subf %concatenate3A, %sub3A_53 : vector<10240x21xf32>
    %add3A_55 = arith.constant 9.99999974E-6 : f32
    %add3A_56 = vector.broadcast %add3A_55 : f32 to vector<1x21xf32>
    %add3A_57 = arith.addf %div3A_52, %add3A_56 : vector<1x21xf32>
    %rsqrt3A = math.rsqrt %add3A_57 : vector<1x21xf32>
    %mul3A_58 = vector.broadcast %rsqrt3A : vector<1x21xf32> to vector<10240x21xf32>
    %mul3A_59 = arith.mulf %sub3A_54, %mul3A_58 : vector<10240x21xf32>
    %mul3A_60 = vector.broadcast %get3A_27 : vector<1x21xf32> to vector<10240x21xf32>
    %mul3A_61 = arith.mulf %mul3A_59, %mul3A_60 : vector<10240x21xf32>
    %add3A_62 = vector.broadcast %get3A_30 : vector<1x21xf32> to vector<10240x21xf32>
    %add3A_63 = arith.addf %mul3A_61, %add3A_62 : vector<10240x21xf32>
    %gt3A_64 = arith.constant 0.000000e+00 : f32
    %gt3A_65 = vector.broadcast %gt3A_64 : f32 to vector<10240x21xf32>
    %gt3A_66 = arith.cmpf ogt, %add3A_63, %gt3A_65 : vector<10240x21xf32>
    %mul3A_67 = arith.constant 0.00999999977 : f32
    %mul3A_68 = vector.broadcast %mul3A_67 : f32 to vector<10240x21xf32>
    %mul3A_69 = arith.mulf %mul3A_68, %add3A_63 : vector<10240x21xf32>
    %select_n3A_70 = arith.select %gt3A_66, %add3A_63, %mul3A_69 : vector<10240x21xi1>, vector<10240x21xf32>
    %jit3A_71 = arith.constant 0.000000e+00 : f32
    %broadcast_in_dim3A_72 = vector.shape_cast %lt3A_1 : vector<10240x1xi1> to vector<10240x1xi1>
    %broadcast_in_dim3A_73 = vector.broadcast %broadcast_in_dim3A_72 : vector<10240x1xi1> to vector<10240x21xi1>
    %broadcast_in_dim3A_74 = vector.broadcast %jit3A_71 : f32 to vector<10240x21xf32>
    %select_n3A_75 = arith.select %broadcast_in_dim3A_73, %select_n3A_70, %broadcast_in_dim3A_74 : vector<10240x21xi1>, vector<10240x21xf32>
    %get3A_76 = arith.constant 0 : index
    %get3A_77 = arith.constant 0 : index
    %get3A_78 = vector.load %arg4[%get3A_76, %get3A_77] : memref<21x30xf32, #tpu.memory_space<vmem>>, vector<21x30xf32>
    %dot_general3A = arith.constant dense<0.000000e+00> : vector<10240x30xf32>
    %dot_general3A_79 = tpu.matmul %select_n3A_75, %get3A_78, %dot_general3A {dimension_numbers = #tpu.dot_dimension_numbers<[1], [0], [0], [1], [0, 0, 1, 1], [], []>, transpose_lhs_hint = false} : vector<10240x21xf32>, vector<21x30xf32>, vector<10240x30xf32> -> vector<10240x30xf32>
    %get3A_80 = arith.constant 0 : index
    %get3A_81 = arith.constant 0 : index
    %get3A_82 = vector.load %arg5[%get3A_80, %get3A_81] : memref<1x30xf32, #tpu.memory_space<vmem>>, vector<1x30xf32>
    %add3A_83 = vector.broadcast %get3A_82 : vector<1x30xf32> to vector<10240x30xf32>
    %add3A_84 = arith.addf %dot_general3A_79, %add3A_83 : vector<10240x30xf32>
    %gt3A_85 = arith.constant 0.000000e+00 : f32
    %gt3A_86 = vector.broadcast %gt3A_85 : f32 to vector<10240x30xf32>
    %gt3A_87 = arith.cmpf ogt, %add3A_84, %gt3A_86 : vector<10240x30xf32>
    %mul3A_88 = arith.constant 0.00999999977 : f32
    %mul3A_89 = vector.broadcast %mul3A_88 : f32 to vector<10240x30xf32>
    %mul3A_90 = arith.mulf %mul3A_89, %add3A_84 : vector<10240x30xf32>
    %select_n3A_91 = arith.select %gt3A_87, %add3A_84, %mul3A_90 : vector<10240x30xi1>, vector<10240x30xf32>
    %get3A_92 = arith.constant 0 : index
    %get3A_93 = arith.constant 0 : index
    %get3A_94 = vector.load %arg6[%get3A_92, %get3A_93] : memref<30x10xf32, #tpu.memory_space<vmem>>, vector<30x10xf32>
    %dot_general3A_95 = arith.constant dense<0.000000e+00> : vector<10240x10xf32>
    %dot_general3A_96 = tpu.matmul %select_n3A_91, %get3A_94, %dot_general3A_95 {dimension_numbers = #tpu.dot_dimension_numbers<[1], [0], [0], [1], [0, 0, 1, 1], [], []>, transpose_lhs_hint = false} : vector<10240x30xf32>, vector<30x10xf32>, vector<10240x10xf32> -> vector<10240x10xf32>
    %get3A_97 = arith.constant 0 : index
    %get3A_98 = arith.constant 0 : index
    %get3A_99 = vector.load %arg7[%get3A_97, %get3A_98] : memref<1x10xf32, #tpu.memory_space<vmem>>, vector<1x10xf32>
    %add3A_100 = vector.broadcast %get3A_99 : vector<1x10xf32> to vector<10240x10xf32>
    %add3A_101 = arith.addf %dot_general3A_96, %add3A_100 : vector<10240x10xf32>
    %get3A_102 = arith.constant 0 : index
    %get3A_103 = arith.constant 0 : index
    %get3A_104 = vector.load %arg8[%get3A_102, %get3A_103] : memref<1x10xf32, #tpu.memory_space<vmem>>, vector<1x10xf32>
    %get3A_105 = arith.constant 0 : index
    %get3A_106 = arith.constant 0 : index
    %get3A_107 = vector.load %arg9[%get3A_105, %get3A_106] : memref<1x10xf32, #tpu.memory_space<vmem>>, vector<1x10xf32>
    %jit3A_108 = arith.constant 0.000000e+00 : f32
    %broadcast_in_dim3A_109 = vector.shape_cast %lt3A_1 : vector<10240x1xi1> to vector<10240x1xi1>
    %broadcast_in_dim3A_110 = vector.broadcast %broadcast_in_dim3A_109 : vector<10240x1xi1> to vector<10240x10xi1>
    %broadcast_in_dim3A_111 = vector.broadcast %jit3A_108 : f32 to vector<10240x10xf32>
    %select_n3A_112 = arith.select %broadcast_in_dim3A_110, %add3A_101, %broadcast_in_dim3A_111 : vector<10240x10xi1>, vector<10240x10xf32>
    %reduce_sum3A_113 = arith.constant dense<0.000000e+00> : vector<10xf32>
    %reduce_sum3A_114 = vector.multi_reduction <add>, %select_n3A_112, %reduce_sum3A_113 [0] : vector<10240x10xf32> to vector<10xf32>
    %broadcast_in_dim3A_115 = vector.shape_cast %reduce_sum3A_114 : vector<10xf32> to vector<1x10xf32>
    %div3A_116 = arith.constant 1.000000e+04 : f32
    %div3A_117 = vector.broadcast %div3A_116 : f32 to vector<1x10xf32>
    %div3A_118 = arith.divf %broadcast_in_dim3A_115, %div3A_117 : vector<1x10xf32>
    %sub3A_119 = vector.broadcast %div3A_118 : vector<1x10xf32> to vector<10240x10xf32>
    %sub3A_120 = arith.subf %add3A_101, %sub3A_119 : vector<10240x10xf32>
    %integer_pow3A_121 = arith.mulf %sub3A_120, %sub3A_120 : vector<10240x10xf32>
    %jit3A_122 = arith.constant 0.000000e+00 : f32
    %broadcast_in_dim3A_123 = vector.shape_cast %lt3A_1 : vector<10240x1xi1> to vector<10240x1xi1>
    %broadcast_in_dim3A_124 = vector.broadcast %broadcast_in_dim3A_123 : vector<10240x1xi1> to vector<10240x10xi1>
    %broadcast_in_dim3A_125 = vector.broadcast %jit3A_122 : f32 to vector<10240x10xf32>
    %select_n3A_126 = arith.select %broadcast_in_dim3A_124, %integer_pow3A_121, %broadcast_in_dim3A_125 : vector<10240x10xi1>, vector<10240x10xf32>
    %reduce_sum3A_127 = arith.constant dense<0.000000e+00> : vector<10xf32>
    %reduce_sum3A_128 = vector.multi_reduction <add>, %select_n3A_126, %reduce_sum3A_127 [0] : vector<10240x10xf32> to vector<10xf32>
    %broadcast_in_dim3A_129 = vector.shape_cast %reduce_sum3A_128 : vector<10xf32> to vector<1x10xf32>
    %div3A_130 = arith.constant 1.000000e+04 : f32
    %div3A_131 = vector.broadcast %div3A_130 : f32 to vector<1x10xf32>
    %div3A_132 = arith.divf %broadcast_in_dim3A_129, %div3A_131 : vector<1x10xf32>
    %sub3A_133 = vector.broadcast %div3A_118 : vector<1x10xf32> to vector<10240x10xf32>
    %sub3A_134 = arith.subf %add3A_101, %sub3A_133 : vector<10240x10xf32>
    %add3A_135 = arith.constant 9.99999974E-6 : f32
    %add3A_136 = vector.broadcast %add3A_135 : f32 to vector<1x10xf32>
    %add3A_137 = arith.addf %div3A_132, %add3A_136 : vector<1x10xf32>
    %rsqrt3A_138 = math.rsqrt %add3A_137 : vector<1x10xf32>
    %mul3A_139 = vector.broadcast %rsqrt3A_138 : vector<1x10xf32> to vector<10240x10xf32>
    %mul3A_140 = arith.mulf %sub3A_134, %mul3A_139 : vector<10240x10xf32>
    %mul3A_141 = vector.broadcast %get3A_104 : vector<1x10xf32> to vector<10240x10xf32>
    %mul3A_142 = arith.mulf %mul3A_140, %mul3A_141 : vector<10240x10xf32>
    %add3A_143 = vector.broadcast %get3A_107 : vector<1x10xf32> to vector<10240x10xf32>
    %add3A_144 = arith.addf %mul3A_142, %add3A_143 : vector<10240x10xf32>
    %gt3A_145 = arith.constant 0.000000e+00 : f32
    %gt3A_146 = vector.broadcast %gt3A_145 : f32 to vector<10240x10xf32>
    %gt3A_147 = arith.cmpf ogt, %add3A_144, %gt3A_146 : vector<10240x10xf32>
    %mul3A_148 = arith.constant 0.00999999977 : f32
    %mul3A_149 = vector.broadcast %mul3A_148 : f32 to vector<10240x10xf32>
    %mul3A_150 = arith.mulf %mul3A_149, %add3A_144 : vector<10240x10xf32>
    %select_n3A_151 = arith.select %gt3A_147, %add3A_144, %mul3A_150 : vector<10240x10xi1>, vector<10240x10xf32>
    %jit3A_152 = arith.constant 0.000000e+00 : f32
    %broadcast_in_dim3A_153 = vector.shape_cast %lt3A_1 : vector<10240x1xi1> to vector<10240x1xi1>
    %broadcast_in_dim3A_154 = vector.broadcast %broadcast_in_dim3A_153 : vector<10240x1xi1> to vector<10240x10xi1>
    %broadcast_in_dim3A_155 = vector.broadcast %jit3A_152 : f32 to vector<10240x10xf32>
    %select_n3A_156 = arith.select %broadcast_in_dim3A_154, %select_n3A_151, %broadcast_in_dim3A_155 : vector<10240x10xi1>, vector<10240x10xf32>
    %get3A_157 = arith.constant 0 : index
    %get3A_158 = arith.constant 0 : index
    %get3A_159 = vector.load %arg10[%get3A_157, %get3A_158] : memref<10x1xf32, #tpu.memory_space<vmem>>, vector<10x1xf32>
    %dot_general3A_160 = arith.constant dense<0.000000e+00> : vector<10240x1xf32>
    %dot_general3A_161 = tpu.matmul %select_n3A_156, %get3A_159, %dot_general3A_160 {dimension_numbers = #tpu.dot_dimension_numbers<[1], [0], [0], [1], [0, 0, 1, 1], [], []>, transpose_lhs_hint = false} : vector<10240x10xf32>, vector<10x1xf32>, vector<10240x1xf32> -> vector<10240x1xf32>
    %get3A_162 = arith.constant 0 : index
    %get3A_163 = arith.constant 0 : index
    %get3A_164 = vector.load %arg11[%get3A_162, %get3A_163] : memref<1x1xf32, #tpu.memory_space<vmem>>, vector<1x1xf32>
    %add3A_165 = vector.broadcast %get3A_164 : vector<1x1xf32> to vector<10240x1xf32>
    %add3A_166 = arith.addf %dot_general3A_161, %add3A_165 : vector<10240x1xf32>
    %broadcast_in_dim3A_167 = arith.constant 0.000000e+00 : f32
    %broadcast_in_dim3A_168 = vector.broadcast %broadcast_in_dim3A_167 : f32 to vector<10240x7xf32>
    %concatenate3A_169 = tpu.concatenate %add3A_166, %broadcast_in_dim3A_168 in 1 : vector<10240x1xf32>, vector<10240x7xf32> -> vector<10240x8xf32>
    %swap3A = arith.constant 0 : index
    %swap3A_170 = arith.constant 0 : index
    %swap3A_171 = vector.load %arg12[%swap3A, %swap3A_170] : memref<10240x8xf32, #tpu.memory_space<vmem>>, vector<10240x8xf32>
    tpu.vector_store %arg12[%swap3A, %swap3A_170], %concatenate3A_169 {strides = array<i32>} : memref<10240x8xf32, #tpu.memory_space<vmem>>, vector<10240x8xf32>,
    return
  }
}

</mosaic_0001>

<sc_bundles>
// kernel: kernel.12.cloned.1.call-start
scs
__scs_entry_jumppad:
0x0: {  	(pc) =	sbr.rel $0x88, $3  }
0x1: {  	(tag) =	ssettag $0x0;
	lr =	simm.s32 $0x1  }
0x2: {  	[smem:$0x3F8B] =	sst lr;
	_ =	strace $0xD0000000  }
0x3: {  	_ = 	snop  }
0x4: {  	_ = 	snop  }
0x5: {  	_ = 	snop  }
0x6: {  	_ = 	snop  }
0x7: {  	_ = 	snop  }
__scs_overlays_trampoline_lowered:
0x8: {  	[smem:$0x3F9A] =	sst s0  }
0x9: {  	[smem:$0x3F9B] =	sst s1  }
0xa: {  	[smem:$0x3F9C] =	sst s2  }
0xb: {  	[smem:$0x3F9D] =	sst s3  }
0xc: {  	[smem:$0x3F9E] =	sst s4  }
0xd: {  	[smem:$0x3F9F] =	sst s5  }
0xe: {  	[smem:$0x3FA0] =	sst s6  }
0xf: {  	[smem:$0x3FA1] =	sst s7  }
0x10: {  	[smem:$0x3FA2] =	sst s8  }
0x11: {  	[smem:$0x3FA3] =	sst s9;
	s0 =	simm.s32 @!p0 $0x0  }
0x12: {  	s1 =	sld [smem:$0x3F89];
	s0 =	simm.s32 @p0 $0x1  }
0x13: {  	[smem:$0x3FA4] =	sst s0;
	s0 =	simm.s32 @!p1 $0x0  }
0x14: {  	s2 =	sld [smem:$0x3F88];
	s0 =	simm.s32 @p1 $0x1  }
0x15: {  	[smem:$0x3FA5] =	sst s0;
	s0 =	simm.s32 @!p2 $0x0  }
0x16: {  	s3 =	sld [smem:$0x3FDB];
	s0 =	simm.s32 @p2 $0x1  }
0x17: {  	s4 =	simm.s32 $0x1BF5;
	[smem:$0x3FA7] =	sst s0  }
0x18: {  	s0 =	sld [smem:$0x3F8A];
	_ =	swait.ge [sflag:s4], $0x0  }
0x19: {  	s7 =	sld [smem:$0x3F8B]  }
0x1a: {  	s8 =	sadd.s32 $0xFFFFE003, lr  }
0x1b: {  	s9 =	sadd.s32 $0xFFFFFEF7, lr;
	s5 =	simm.s32 $0xFFFFFFFF;
	p2 =	slt.u32 s8, $0xFFFFF086  }
0x1c: {  	p1 =	slt.u32 s9, $0xF7A;
	s5 =	simm.s32 @!p2 $0x0  }
0x1d: {  	s5 =	simm.s32 @p1 $0x1;
	p0 =	seq.s32 s7, s2  }
0x1e: {  	s7 =	smul.u32 @!p0 $0xF7A, s2;
	p2 =	seq.s32 @!p0 s5, $0x0  }
0x1f: {  	s9 =	smul.u32 $0xF7A, s1;
	s8 =	simm.s32 @!p0 $0x1BF5;
	p2 =	por !p2, p0  }
0x20: {  	[sflag:s8] =	ssyncset.s32 @!p0 $0xFFFFF086;
	s6 =	sadd.s32 @!p0 s3, s7;
	s7 =	simm.s32 @!p0 $0x108  }
0x21: {  	s3 =	sadd.s32 s3, s9;
	s6 =	sadd.s32 @!p0 $0x88, s6;
	s7 =	simm.s32 @p2 $0x1082  }
0x22: {  	[simem:s7], [sflag:s8] =	dma.local @!p0 [hbm:s6], $0xF7A  }
0x23: {  	s9 =	sor.u32 $0xD0000000, s2;
	s6 =	simm.s32 $0x108;
	_ =	swait.ge @!p0 [sflag:s8], $0x0  }
0x24: {  	s3 =	sadd.s32 $0x88, s3;
	s6 =	simm.s32 @!p1 $0x1082;
	[sflag:s4] =	ssyncset.s32 $0xFFFFF086  }
0x25: {  	[simem:s6], [sflag:s4] =	dma.local [hbm:s3], $0xF7A  }
0x26: {  	[smem:$0x3F8B] =	sst s1;
	(tag) =	ssettag s2;
	_ =	strace s9  }
0x27: {  	s1 =	sld [smem:$0x3F9B]  }
0x28: {  	s2 =	sld [smem:$0x3F9C]  }
0x29: {  	s4 =	sld [smem:$0x3F9E]  }
0x2a: {  	p0 =	seq.s32 s5, $0x0;
	s5 =	sld [smem:$0x3F9F]  }
0x2b: {  	s6 =	sld [smem:$0x3FA0]  }
0x2c: {  	s7 =	sld [smem:$0x3FA1]  }
0x2d: {  	s3 =	simm.s32 $0x108;
	s8 =	sld [smem:$0x3FA2]  }
0x2e: {  	s3 =	simm.s32 @!p0 $0x1082;
	s9 =	sld [smem:$0x3FA3]  }
0x2f: {  	lr =	sadd.s32 s0, s3;
	s0 =	sld [smem:$0x3F9A]  }
0x30: {  	s3 =	sld [smem:$0x3F9D]  }
0x31: {  	[smem:$0x3FA6] =	sst s10  }
0x32: {  	s10 =	sld [smem:$0x3FA4];
	_ =	sdelay $0x3  }
0x33: {  	p0 =	seq.s32 s10, $0x1;
	s10 =	sld [smem:$0x3FA6];
	_ =	sdelay $0x3  }
0x34: {  	[smem:$0x3FA6] =	sst s10  }
0x35: {  	s10 =	sld [smem:$0x3FA5];
	_ =	sdelay $0x3  }
0x36: {  	p1 =	seq.s32 s10, $0x1;
	s10 =	sld [smem:$0x3FA6];
	_ =	sdelay $0x3  }
0x37: {  	[smem:$0x3FA6] =	sst s10  }
0x38: {  	s10 =	sld [smem:$0x3FA7]  }
0x39: {  	_ = 	snop;
	(pc) =	sbr.ind lr, $3  }
0x3a: {  	_ = 	snop  }
0x3b: {  	_ = 	snop  }
0x3c: {  	p2 =	seq.s32 s10, $0x1;
	s10 =	sld [smem:$0x3FA6]  }
0x3d: {  	_ =	shalt  }
0x3e: {  	_ =	shalt  }
0x3f: {  	_ =	shalt  }
0x40: {  	_ =	shalt  }
0x41: {  	_ =	shalt  }
0x42: {  	_ =	shalt  }
0x43: {  	_ =	shalt  }
0x44: {  	_ =	shalt  }
0x45: {  	_ =	shalt  }
0x46: {  	_ =	shalt  }
0x47: {  	_ =	shalt  }
0x48: {  	_ =	shalt  }
0x49: {  	_ =	shalt  }
0x4a: {  	_ =	shalt  }
0x4b: {  	_ =	shalt  }
0x4c: {  	_ =	shalt  }
0x4d: {  	_ =	shalt  }
0x4e: {  	_ =	shalt  }
0x4f: {  	_ =	shalt  }
0x50: {  	_ =	shalt  }
0x51: {  	_ =	shalt  }
0x52: {  	_ =	shalt  }
0x53: {  	_ =	shalt  }
0x54: {  	_ =	shalt  }
0x55: {  	_ =	shalt  }
0x56: {  	_ =	shalt  }
0x57: {  	_ =	shalt  }
0x58: {  	_ =	shalt  }
0x59: {  	_ =	shalt  }
0x5a: {  	_ =	shalt  }
0x5b: {  	_ =	shalt  }
0x5c: {  	_ =	shalt  }
0x5d: {  	_ =	shalt  }
0x5e: {  	_ =	shalt  }
0x5f: {  	_ =	shalt  }
0x60: {  	_ =	shalt  }
0x61: {  	_ =	shalt  }
0x62: {  	_ =	shalt  }
0x63: {  	_ =	shalt  }
0x64: {  	_ =	shalt  }
0x65: {  	_ =	shalt  }
0x66: {  	_ =	shalt  }
0x67: {  	_ =	shalt  }
0x68: {  	_ =	shalt  }
0x69: {  	_ =	shalt  }
0x6a: {  	_ =	shalt  }
0x6b: {  	_ =	shalt  }
0x6c: {  	_ =	shalt  }
0x6d: {  	_ =	shalt  }
0x6e: {  	_ =	shalt  }
0x6f: {  	_ =	shalt  }
0x70: {  	_ =	shalt  }
0x71: {  	_ =	shalt  }
0x72: {  	_ =	shalt  }
0x73: {  	_ =	shalt  }
0x74: {  	_ =	shalt  }
0x75: {  	_ =	shalt  }
0x76: {  	_ =	shalt  }
0x77: {  	_ =	shalt  }
0x78: {  	_ =	shalt  }
0x79: {  	_ =	shalt  }
0x7a: {  	_ =	shalt  }
0x7b: {  	_ =	shalt  }
0x7c: {  	_ =	shalt  }
0x7d: {  	_ =	shalt  }
0x7e: {  	_ =	shalt  }
0x7f: {  	_ =	shalt  }
0x80: {  	_ =	shalt  }
0x81: {  	_ =	shalt  }
0x82: {  	_ =	shalt  }
0x83: {  	_ =	shalt  }
0x84: {  	_ =	shalt  }
0x85: {  	_ =	shalt  }
0x86: {  	_ =	shalt  }
0x87: {  	_ =	shalt  }
.Lfunc_end0:
.L_simem_size_0:
called_computation_lowered:
.L_overlay_start_0:
0x88: {  	s2 =	sld [smem:$0x3FD9]  }
0x89: {  	s3 =	sld [smem:$0x3FFE];
	_ =	sdelay $0x1  }
0x8a: {  	s1 =	srdreg.scid  }
0x8b: {  	s0 =	sand.u32 $0x1, s1  }
0x8c: {  	s16 =	sshll.u32 s0, $0xA;
	s2 =	sadd.s32 s3, s2  }
0x8d: {  	s2 =	sadd.s32 s2, s16  }
0x8e: {  	[smem:$0x3FB2] =	sst s2  }
0x8f: {  	_ = 	snop  }
0x90: {  	(tm) =	ssettm $0x1  }
0x91: {  	s17 =	sld [smem:$0x3FFB];
	_ =	sdelay $0x3  }
0x92: {  	_ =	strace s17  }
0x93: {  	s2 =	sld [smem:$0x3FFC];
	_ =	sdelay $0x3  }
0x94: {  	_ =	strace s2  }
0x95: {  	s2 =	sld [smem:$0x3FFD];
	_ =	sdelay $0x3  }
0x96: {  	_ =	strace s2  }
0x97: {  	_ =	strace $0x8FFFFFFF  }
0x98: {  	s18 =	sld [smem:$0x3FDB];
	_ =	sdelay $0x1  }
0x99: {  	s19 =	simm.s32 $_scs_section_size  }
0x9a: {  	s4 =	simm.s32 $_size__tile_overlayer_lowered;
	s5 =	simm.s32 $_tile_overlayer_lowered  }
0x9b: {  	s22 =	simm.s32 $0x1BFF;
	s21 =	sshll.u32 s5, $0x1;
	s2 =	sadd.s32 s19, s18  }
0x9c: {  	s6 =	simm.s32 $0x0;
	s20 =	sshll.u32 s4, $0x1;
	s4 =	sadd.s32 s21, s2  }
0x9d: {  	[timem:s6], [sflag:s22] =	dma.local [hbm:s4], s20  }
0x9e: {  	_ =	swait.ge [sflag:s22], s20  }
0x9f: {  	s3 =	ssub.s32 $0x0, s20;
	[sflag:s22] =	ssyncset.done $0x0  }
0xa0: {  	[sflag:s22] =	ssyncadd.s32 s3;
	_ =	sdelay $0x1  }
0xa1: {  	s23 =	simm.s32 $0x1B8B  }
0xa2: {  	_ =	swait.ge [sflag:s23], $0x1  }
0xa3: {  	[sflag:s23] =	ssyncset.done $0x0  }
0xa4: {  	s25 =	simm.s32 $0x1B8E;
	s24 =	sld [smem:$0x3FFE];
	[sflag:s23] =	ssyncadd.s32 $0xFFFFFFFF  }
0xa5: {  	s26 =	simm.s32 $execute0_lowered;
	[smem:$0x3FD2] =	sst s25  }
0xa6: {  	s4 =	sshll.u32 s26, $0x1;
	_ =	strace $0x80000046;
	[dreg:$0x1] =	wrdreg $0xFFFFFFFF  }
0xa7: {  	s28 =	simm.s32 $_size_execute0_lowered;
	s2 =	sadd.s32 s2, s4;
	[dreg:$0x0] =	wrdreg $0x0  }
0xa8: {  	s4 =	sshll.u32 s28, $0x1;
	[dreg:$0x2] =	wrdreg s2  }
0xa9: {  	[dreg:$0x3] =	wrdreg s4  }
0xaa: {  	[dreg:$0x4] =	wrdreg $0xC0  }
0xab: {  	_ =	task [dreg:s6], $0x5FFFF  }
0xac: {  	[dreg:$0x1] =	wrdreg $0xFFFFFFFF  }
0xad: {  	[dreg:$0x0] =	wrdreg $0x60  }
0xae: {  	[dreg:$0x2] =	wrdreg s24  }
0xaf: {  	[dreg:$0x3] =	wrdreg $0x1CCC00  }
0xb0: {  	[dreg:$0x4] =	wrdreg $0x9  }
0xb1: {  	_ =	task.clear_ibuf [dreg:s6], $0x5FFFF;
	_ =	strace $0x90000046  }
0xb2: {  	s29 =	simm.s32 $0x9;
	_ =	strace $0x80000048  }
0xb3: {  	_ =	swait.ge [sflag:s29], $0x1  }
0xb4: {  	[sflag:s29] =	ssyncadd.s32 $0xFFFFFFFF  }
0xb5: {  	_ =	strace $0x90000048  }
0xb6: {  	_ =	sfence  }
0xb7: {  	s30 =	sld [smem:$0x0];
	_ =	sdelay $0x2  }
0xb8: {  	s31 =	sshll.u32 s1, $0xD;
	s1 =	sshrl.u32 s1, $0x2  }
0xb9: {  	s3 =	sand.u32 $0x4000, s31;
	s1 =	sadd.s32 s1, s30  }
0xba: {  	s0 =	sor.u32 s3, s0;
	s1 =	sshll.u32 s1, $0x11  }
0xbb: {  	s0 =	sor.u32 s1, s0  }
0xbc: {  	s0 =	sadd.s32 $0x8F2B, s0  }
0xbd: {  	[sflag:s0] =	ssyncadd.remote.s32 $0x1  }
0xbe: {  	_ =	sfence.sel $0xFFFF  }
0xbf: {  	[dreg:$0x0] =	wrdreg $0xFFFFFFFF;
	(pc) =	sbr.abs _section_cstart, $3  }
0xc0: {  	[dreg:$0x1] =	wrdreg $0xFFFFFFFF  }
0xc1: {  	_ =	task.clear_ibuf [dreg:s6], $0x2FFFF;
	_ =	strace $0x9FFFFFFF  }
0xc2: {  	(tm) =	ssettm $0x7FFFFFFF  }
0xc3: {  	_ =	shalt  }
tec
execute0_lowered:
.L_overlay_start_1:
0x0: {  	(tag) =	ssettag $0x1  }
0x1: {  	s7 =	rddreg [dreg:$0x0]  }
0x2: {  	s2 =	rddreg [dreg:$0x1]  }
0x3: {  	s0 =	rddreg [dreg:$0x2];
	s3 =	simm.s32 $0x0  }
0x4: {  	s1 =	stileid.u32;
	s4 =	srdreg.scid;
	s15 =	simm.s32 $0x1CCA0  }
0x5: {  	s16 =	simm.s32 $0x1CCB0;
	s17 =	simm.s32 $0x8CA0;
	s18 =	simm.s32 $0x10  }
0x6: {  	s19 =	simm.s32 $0x100;
	s20 =	simm.s32 $0x0;
	[smem:$0x7FF] =	sst s3  }
0x7: {  	s8 =	smul.u32 $0x2800, s1;
	s14 =	sand.u32 $0x1, s4;
	s4 =	sadd.s32 $0x4E00, s7  }
0x8: {  	s5 =	sadd.s32 $0x13C00, s7;
	s6 =	sadd.s32 $0x9E00, s7;
	s10 =	sshll.u32 s1, $0x4  }
0x9: {  	v0 =	vimm.s32 $0xEDCBA987;
	_ =	strace $0x80000047;
	s9 =	smul.u32 $0x140000, s14;
	s30 =	ssub.s32 $0x2, s14  }
0xa: {  	v1 =	vimm.s32 $0x65432100;
	v2 =	vunpack.c.l.s4.s8 v0;
	s31 =	smul.u32 $0xFFFFEC78, s14;
	p0 =	sne.s32 s14, $0x0;
	s14 =	simm.s32 $0x7D0  }
.Ltmp0:
0xb: {  	v3 =	vunpack.c.l.s4.s8 v1;
	s11 =	sshrl.u32 s8, $0x3;
	s9 =	sor.u32 s10, s9;
	(pc) =	sbr.rel .LBB2_1-.Ltmp0, $4  }
0xc: {  	vm0 =	vmmov $0x1;
	s12 =	sshrl.u32 s30, $0x1;
	v5 =	vunpack.c.0.s8.s32 v2;
	s11 =	sadd.s32 s11, s7;
	s9 =	sshrl.u32 s9, $0x3  }
0xd: {  	v1 =	vimm.f32 $-3.000000010e+38;
	v2 =	vlaneseq.u32;
	v6 =	vunpack.c.0.s8.s32 v3;
	s12 =	ssub.s32 s30, s12;
	s13 =	sadd.s32 s9, s7;
	s7 =	sadd.s32 s8, s2  }
0xe: {  	v3 =	vimm.f32 $0.0e+00;
	v0 =	vmov s31;
	v7 =	vand.u32 $0xF, v5;
	s8 =	smul.u32 $0x4E20, s1;
	s9 =	sadd.s32 $0x6DA00, s11;
	s11 =	smax.u32 s12, $0x1  }
0xf: {  	v4 =	vmul.u32 $0x10, v2;
	v5 =	vimm.s32 $0x0;
	s12 =	simm.s32 $0xFA0;
	v6 =	vcombine.low v6, v7;
	s10 =	sadd.s32 $0x1DA00, s13;
	s13 =	simm.s32 $0x1  }
.LBB2_12:
0x10: {  	s21 =	sshll.u32 @!p0 s1, $0x6  }
0x11: {  	[bflag:$0x0] =	sbarrier.arrive $0xFFFF;
	s22 =	sshrl.u32 @!p0 s7, $0x3;
	s21 =	sor.u32 @!p0 $0x1C01, s21  }
0x12: {  	[hbm:s9], [sflag:s21] =	dma.local @!p0 [spmem:s22], $0x500  }
0x13: {  	s21 =	simm.s32 @!p0 $0x1  }
0x14: {  	s20 =	sadd.s32 $0x1, s20;
	_ =	swait.ge @!p0 [sflag:s21], $0x500  }
0x15: {  	p1 =	sne.s32 s20, s11;
	[sflag:s21] =	ssyncset.done @!p0 $0x0  }
.Ltmp1:
0x16: {  	[sflag:s21] =	ssyncadd.s32 @!p0 $0xFFFFFB00;
	(pc) =	sbr.rel @!p1 .LBB2_13-.Ltmp1, $4  }
0x17: {  	[hbm4b:s10+s18] =	stream.strided.scatter [tilespmem:s17], [sflag:$0x1], $0x14000, s19, s18, $0x38;
	[tilespmem:$0x1F4C0] =	vst v63  }
0x18: {  	_ =	swait.ge [sflag:s13], $0x14000  }
0x19: {  	[sflag:s13] =	ssyncset.done $0x0  }
0x1a: {  	[sflag:s13] =	ssyncadd.s32 $0xFFFEC000  }
.LBB2_1:
0x1b: {  	s21 =	simm.s32 $0x0  }
.LBB2_2:
0x1c: {  	p1 =	sne.s32 s21, $0x4FFC0  }
.Ltmp2:
0x1d: {  	_ = 	snop;
	(pc) =	sbr.rel @p1 .LBB2_2-.Ltmp2, $3  }
0x1e: {  	_ =	sdelay $0x1  }
0x1f: {  	s22 =	sshra.s32 s21, $0x2  }
0x20: {  	s21 =	sadd.s32 $0x40, s21;
	[tilespmem:s22+$0x8CA0] =	vst v1  }
0x21: {  	s21 =	simm.s32 $0x40;
	s22 =	simm.s32 $0x0  }
.LBB2_4:
0x22: {  	p1 =	sne.s32 s21, $0x9FC0;
	[tilespmem:s22+$0xFA0] =	vst v3;
	s22 =	smov.u32 s21;
	s21 =	sadd.s32 $0x40, s21  }
.Ltmp3:
0x23: {  	(pc) =	sbr.rel @p1 .LBB2_4-.Ltmp3, $2  }
0x24: {  	_ =	sdelay $0x2  }
0x25: {  	s22 =	sshra.s32 s22, $0x2  }
0x26: {  	[tilespmem:s22+$0xFA0] =	vst v3  }
0x27: {  	[spmem:s7] =	stream.linear.scatter [tilespmem:s12], [sflag:$0x1], $0x2800, $0x38;
	[tilespmem:$0x1F4C0] =	vst v63  }
.Ltmp4:
0x28: {  	_ =	swait.ge [sflag:s13], $0x2800;
	(pc) =	sbr.rel .LBB2_6-.Ltmp4, $4  }
0x29: {  	[sflag:s13] =	ssyncset.done $0x0  }
0x2a: {  	[sflag:s13] =	ssyncadd.s32 $0xFFFFD800  }
0x2b: {  	[bflag:$0x0] =	sbarrier.arrive $0xFFFF  }
0x2c: {  	s21 =	simm.s32 $0x0  }
.LBB2_11:
0x2d: {  	s21 =	sadd.s32 $0x1, s21  }
0x2e: {  	p1 =	sne.s32 s21, $0xA  }
.Ltmp5:
0x2f: {  	_ = 	snop;
	(pc) =	sbr.rel @!p1 .LBB2_12-.Ltmp5, $1  }
0x30: {  	_ =	sdelay $0x3  }
.LBB2_6:
0x31: {  	s22 =	smul.u32 $0x7D0, s21;
	_ =	sdelay $0x1  }
0x32: {  	s22 =	sadd.s32 s8, s22  }
0x33: {  	s22 =	sshrl.u32 s22, $0x3  }
0x34: {  	s23 =	sadd.s32 s5, s22  }
0x35: {  	[tilespmem:s3], [sflag:$0x1] =	stream.linear.gather [hbm4b:s23+s3], $0x7D0, $0x38;
	[tilespmem:$0x1F4C0] =	vst v63  }
0x36: {  	_ =	swait.ge [sflag:s13], $0x7D0  }
0x37: {  	[sflag:s13] =	ssyncset.done $0x0  }
0x38: {  	s22 =	sadd.s32 s6, s22;
	[sflag:s13] =	ssyncadd.s32 $0xFFFFF830  }
0x39: {  	[tilespmem:s14], [sflag:$0x1] =	stream.linear.gather [hbm4b:s22+s3], $0x7D0, $0x38;
	[tilespmem:$0x1F4C0] =	vst v63  }
0x3a: {  	_ =	swait.ge [sflag:s13], $0x7D0  }
0x3b: {  	[sflag:s13] =	ssyncset.done $0x0  }
0x3c: {  	[sflag:s13] =	ssyncadd.s32 $0xFFFFF830  }
0x3d: {  	[tilespmem:s12], [sflag:$0x1] =	stream.indirect.gather [hbm4b:s4+s14], $0x10, s3, s14, $0xb8;
	[tilespmem:$0x1F4C0] =	vst v63  }
0x3e: {  	_ =	swait.ge [sflag:s13], $0x7D00  }
0x3f: {  	[sflag:s13] =	ssyncset.done $0x0  }
0x40: {  	s23 =	simm.s32 @!p0 $0xFA0;
	s22 =	simm.s32 @!p0 $0x7D0;
	[sflag:s13] =	ssyncadd.s32 $0xFFFF8300  }
0x41: {  	[spmem:s2] =	stream.indirect.scatter.add.f32 @!p0 [tilespmem:s23], [sflag:$0x1], $0x10, s22, s22, $0xb8;
	[tilespmem:$0x1F4C0] =	vst v63  }
.Ltmp6:
0x42: {  	_ = 	snop;
	(pc) =	sbr.rel .LBB2_7-.Ltmp6, $4  }
0x43: {  	s22 =	simm.s32 @!p0 $0x1  }
0x44: {  	_ =	swait.ge @!p0 [sflag:s22], $0x7D00  }
0x45: {  	[sflag:s22] =	ssyncset.done @!p0 $0x0  }
0x46: {  	[sflag:s22] =	ssyncadd.s32 @!p0 $0xFFFF8300;
	s22 =	simm.s32 $0x0  }
.LBB2_10:
0x47: {  	s22 =	sadd.s32 $0x1, s22  }
0x48: {  	p1 =	sne.s32 s22, $0x7D  }
.Ltmp7:
0x49: {  	_ = 	snop;
	(pc) =	sbr.rel @!p1 .LBB2_11-.Ltmp7, $1  }
0x4a: {  	_ =	sdelay $0x3  }
.LBB2_7:
0x4b: {  	s23 =	sshll.u32 s22, $0x4  }
0x4c: {  	v7 =	vld [tilespmem:s23+$0x7D0];
	_ =	sdelay $0x4  }
0x4d: {  	v19 =	vadd.s32 v0, v7  }
0x4e: {  	vm1 =	vlt.u32 v19, $0x1388  }
0x4f: {  	v23 =	vsel vm1, $0x1, v5  }
0x50: {  	v7 =	vor.u32 $0x80000000, v23  }
0x51: {  	(xrf0) =	vmax.scan.msk.u32 $0xffff, v7;
	_ =	sdelay $0x5  }
0x52: {  	v8, _, _ =	vpop (xrf0)  }
0x53: {  	(v2sf) =	vpush v8, $0xF;
	_ =	sdelay $0x2  }
0x54: {  	v7 =	vmov s23  }
0x55: {  	v7 =	vshll.u32 v7, $0x4  }
0x56: {  	v14 =	vor.u32 v4, v7  }
0x57: {  	v9 =	vor.u32 $0x2, v14  }
0x58: {  	v10 =	vor.u32 $0x3, v14  }
0x59: {  	v11 =	vor.u32 $0x4, v14  }
0x5a: {  	v12 =	vor.u32 $0x5, v14  }
0x5b: {  	v13 =	vor.u32 $0x6, v14;
	v7 =	vld.idx.msk [tilespmem:v14+s12+$0x0], $0xffff  }
0x5c: {  	v15 =	vor.u32 $0x7, v14;
	v9 =	vld.idx.msk [tilespmem:v9+s12+$0x0], $0xffff  }
0x5d: {  	v16 =	vor.u32 $0x8, v14;
	v10 =	vld.idx.msk [tilespmem:v10+s12+$0x0], $0xffff  }
0x5e: {  	v17 =	vor.u32 $0x9, v14;
	v11 =	vld.idx.msk [tilespmem:v11+s12+$0x0], $0xffff  }
0x5f: {  	v18 =	vor.u32 $0xA, v14;
	v12 =	vld.idx.msk [tilespmem:v12+s12+$0x0], $0xffff  }
0x60: {  	v20 =	vor.u32 $0xB, v14;
	v13 =	vld.idx.msk [tilespmem:v13+s12+$0x0], $0xffff;
	s31 =	spop (v2sf)  }
0x61: {  	v8 =	vor.u32 $0x1, v14;
	v14 =	vld.idx.msk [tilespmem:v15+s12+$0x0], $0xffff;
	p1 =	slt.u32 s31, $0x80000001  }
.Ltmp8:
0x62: {  	v15 =	vld.idx.msk [tilespmem:v16+s12+$0x0], $0xffff;
	(pc) =	sbr.rel @p1 .LBB2_10-.Ltmp8, $4  }
0x63: {  	v16 =	vld.idx.msk [tilespmem:v17+s12+$0x0], $0xffff  }
0x64: {  	v17 =	vld.idx.msk [tilespmem:v18+s12+$0x0], $0xffff  }
0x65: {  	v18 =	vld.idx.msk [tilespmem:v20+s12+$0x0], $0xffff  }
0x66: {  	v8 =	vld.idx.msk [tilespmem:v8+s12+$0x0], $0xffff  }
0x67: {  	vm2 =	vlt.u32 v19, $0x1388  }
0x68: {  	v20 =	vnsel vm2, $0x0, v19  }
0x69: {  	v19 =	vshll.u32 v20, $0x4  }
0x6a: {  	v20 =	vxor.u32 $0x80000000, v20;
	v21 =	vor.u32 $0x1, v19;
	v22 =	vor.u32 $0x2, v19  }
0x6b: {  	v24 =	vor.u32 $0x3, v19;
	v25 =	vor.u32 $0x4, v19;
	v26 =	vor.u32 $0x5, v19  }
0x6c: {  	v27 =	vor.u32 $0x6, v19;
	v28 =	vor.u32 $0x7, v19;
	v29 =	vor.u32 $0x8, v19  }
0x6d: {  	s23 =	simm.s32 $0x0;
	v30 =	vor.u32 $0x9, v19;
	v31 =	vor.u32 $0xA, v19;
	v32 =	vor.u32 $0xB, v19  }
.LBB2_9:
0x6e: {  	(xrf1) =	vsort.ascd.msk.u32 vm1, v20, v2;
	_ =	sdelay $0xd  }
0x6f: {  	(xrf0) =	vadd.scan.msk.s32 $0xffff, v23;
	v33, v34, _ =	vpop (xrf1)  }
0x70: {  	v23 =	vxor.u32 $0x80000000, v33  }
0x71: {  	[tilespmem:$0x1CCA0] =	vst v23  }
0x72: {  	v61 =	vld.idx.msk [tilespmem:v6+s15+$0x0], $0xffff;
	_ =	sdelay $0x2  }
0x73: {  	v35, _, _ =	vpop (xrf0)  }
0x74: {  	v35 =	vbroadcast v35, $0xF  }
0x75: {  	vm2 =	vne.s32 v23, v61  }
0x76: {  	vm3 =	vgt.s32 v35, v2;
	vm2 =	vmor vm2, vm0  }
0x77: {  	vm2 =	vmand vm3, vm2  }
0x78: {  	v23 =	vsel vm2, $0x1, v5  }
0x79: {  	[tilespmem:v34+s16+$0x0] =	vst.idx.msk $0xffff, v23  }
0x7a: {  	v23 =	vld.idx.msk [tilespmem:v2+s16+$0x0], $0xffff;
	_ =	sdelay $0x4  }
0x7b: {  	vm2 =	vgt.s32 v23, $0x0  }
0x7c: {  	vm2 =	vmand vm1, vm2;
	_ =	sdelay $0x5  }
0x7d: {  	v23 =	vld.idx.msk [tilespmem:v19+s17+$0x0], vm2;
	_ =	sdelay $0x4  }
0x7e: {  	v23 =	vmax.f32 v23, v7  }
0x7f: {  	[tilespmem:v19+s17+$0x0] =	vst.idx.msk vm2, v23  }
0x80: {  	v23 =	vld.idx.msk [tilespmem:v21+s17+$0x0], vm2;
	_ =	sdelay $0x4  }
0x81: {  	v23 =	vmax.f32 v23, v8  }
0x82: {  	[tilespmem:v21+s17+$0x0] =	vst.idx.msk vm2, v23  }
0x83: {  	v23 =	vld.idx.msk [tilespmem:v22+s17+$0x0], vm2;
	_ =	sdelay $0x4  }
0x84: {  	v23 =	vmax.f32 v23, v9  }
0x85: {  	[tilespmem:v22+s17+$0x0] =	vst.idx.msk vm2, v23  }
0x86: {  	v23 =	vld.idx.msk [tilespmem:v24+s17+$0x0], vm2;
	_ =	sdelay $0x4  }
0x87: {  	v23 =	vmax.f32 v23, v10  }
0x88: {  	[tilespmem:v24+s17+$0x0] =	vst.idx.msk vm2, v23  }
0x89: {  	v23 =	vld.idx.msk [tilespmem:v25+s17+$0x0], vm2;
	_ =	sdelay $0x4  }
0x8a: {  	v23 =	vmax.f32 v23, v11  }
0x8b: {  	[tilespmem:v25+s17+$0x0] =	vst.idx.msk vm2, v23  }
0x8c: {  	v23 =	vld.idx.msk [tilespmem:v26+s17+$0x0], vm2;
	_ =	sdelay $0x4  }
0x8d: {  	v23 =	vmax.f32 v23, v12  }
0x8e: {  	[tilespmem:v26+s17+$0x0] =	vst.idx.msk vm2, v23  }
0x8f: {  	v23 =	vld.idx.msk [tilespmem:v27+s17+$0x0], vm2;
	_ =	sdelay $0x4  }
0x90: {  	v23 =	vmax.f32 v23, v13  }
0x91: {  	[tilespmem:v27+s17+$0x0] =	vst.idx.msk vm2, v23  }
0x92: {  	v23 =	vld.idx.msk [tilespmem:v28+s17+$0x0], vm2;
	_ =	sdelay $0x4  }
0x93: {  	vm1 =	vmxor vm1, vm2;
	v23 =	vmax.f32 v23, v14  }
0x94: {  	[tilespmem:v28+s17+$0x0] =	vst.idx.msk vm2, v23;
	v23 =	vsel vm1, $0x1, v5  }
0x95: {  	v63 =	vor.u32 $0x80000000, v23  }
0x96: {  	(xrf0) =	vmax.scan.msk.u32 $0xffff, v63;
	_ =	sdelay $0x1  }
0x97: {  	v62 =	vld.idx.msk [tilespmem:v29+s17+$0x0], vm2;
	_ =	sdelay $0x3  }
0x98: {  	v34, _, _ =	vpop (xrf0)  }
0x99: {  	v33 =	vmax.f32 v62, v15;
	(v2sf) =	vpush v34, $0xF  }
0x9a: {  	[tilespmem:v29+s17+$0x0] =	vst.idx.msk vm2, v33  }
0x9b: {  	v33 =	vld.idx.msk [tilespmem:v30+s17+$0x0], vm2;
	_ =	sdelay $0x4  }
0x9c: {  	v33 =	vmax.f32 v33, v16  }
0x9d: {  	[tilespmem:v30+s17+$0x0] =	vst.idx.msk vm2, v33  }
0x9e: {  	v33 =	vld.idx.msk [tilespmem:v31+s17+$0x0], vm2;
	_ =	sdelay $0x4  }
0x9f: {  	v33 =	vmax.f32 v33, v17  }
0xa0: {  	p1 =	sgt.u32 s23, $0xE;
	[tilespmem:v31+s17+$0x0] =	vst.idx.msk vm2, v33;
	s24 =	spop (v2sf)  }
0xa1: {  	v33 =	vld.idx.msk [tilespmem:v32+s17+$0x0], vm2;
	p2 =	sgt.u32 @!p1 s24, $0x80000000  }
0xa2: {  	p1 =	por p1, !p2  }
.Ltmp9:
0xa3: {  	_ = 	snop;
	(pc) =	sbr.rel @!p1 .LBB2_9-.Ltmp9, $3  }
0xa4: {  	_ =	sdelay $0x1  }
0xa5: {  	v33 =	vmax.f32 v33, v18  }
0xa6: {  	s23 =	sadd.s32 $0x1, s23;
	[tilespmem:v32+s17+$0x0] =	vst.idx.msk vm2, v33  }
.Ltmp10:
0xa7: {  	_ = 	snop;
	(pc) =	sbr.rel .LBB2_10-.Ltmp10, $1  }
0xa8: {  	_ =	sdelay $0x3  }
.LBB2_13:
0xa9: {  	_ =	sfence.sel $0x180000  }
0xaa: {  	[bflag:$0x0] =	sbarrier.arrive $0xFFFF  }
0xab: {  	p0 =	sne.s32 s1, $0x0;
	_ =	strace $0x90000047  }
0xac: {  	s0 =	sadd.s32 @!p0 $0x100000, s0;
	[bflag:$0x2] =	sbarrier.arrive $0xFFFF  }
0xad: {  	[sflag:s0] =	ssyncadd.tile.s32 @!p0 $0x1;
	_ =	shalt  }
.Lfunc_end2:
_tile_overlayer_lowered:
.L_overlay_start_2:
0xae: {  	(tag) =	ssettag $0x2  }
0xaf: {  	s0 =	rddreg [dreg:$0x0];
	s2 =	stileid.u32  }
0xb0: {  	s1 =	rddreg [dreg:$0x1];
	p0 =	sne.s32 s2, $0x0  }
0xb1: {  	s3 =	rddreg [dreg:$0x2];
	[bflag:$0x3] =	sbarrier.arrive $0xFFFF;
	s2 =	simm.s32 @!p0 $0x1C01  }
0xb2: {  	[timem:s3], [sflag:s2] =	dma.local @!p0 [hbm:s0], s1  }
0xb3: {  	s0 =	simm.s32 @!p0 $0x1  }
0xb4: {  	_ =	swait.ge @!p0 [sflag:s0], s1  }
0xb5: {  	s1 =	ssub.s32 @!p0 $0x0, s1;
	[sflag:s0] =	ssyncset.done @!p0 $0x0  }
0xb6: {  	[sflag:s0] =	ssyncadd.s32 @!p0 s1  }
0xb7: {  	[bflag:$0x3] =	sbarrier.arrive $0xFFFF  }
0xb8: {  	_ =	shalt  }

// kernel: kernel.15.cloned.1.call-start
scs
__scs_entry_jumppad:
0x0: {  	(pc) =	sbr.rel $0x88, $3  }
0x1: {  	(tag) =	ssettag $0x0;
	lr =	simm.s32 $0x1  }
0x2: {  	[smem:$0x3F8B] =	sst lr;
	_ =	strace $0xD0000000  }
0x3: {  	_ = 	snop  }
0x4: {  	_ = 	snop  }
0x5: {  	_ = 	snop  }
0x6: {  	_ = 	snop  }
0x7: {  	_ = 	snop  }
__scs_overlays_trampoline_lowered:
0x8: {  	[smem:$0x3F9A] =	sst s0  }
0x9: {  	[smem:$0x3F9B] =	sst s1  }
0xa: {  	[smem:$0x3F9C] =	sst s2  }
0xb: {  	[smem:$0x3F9D] =	sst s3  }
0xc: {  	[smem:$0x3F9E] =	sst s4  }
0xd: {  	[smem:$0x3F9F] =	sst s5  }
0xe: {  	[smem:$0x3FA0] =	sst s6  }
0xf: {  	[smem:$0x3FA1] =	sst s7  }
0x10: {  	[smem:$0x3FA2] =	sst s8  }
0x11: {  	[smem:$0x3FA3] =	sst s9;
	s0 =	simm.s32 @!p0 $0x0  }
0x12: {  	s1 =	sld [smem:$0x3F89];
	s0 =	simm.s32 @p0 $0x1  }
0x13: {  	[smem:$0x3FA4] =	sst s0;
	s0 =	simm.s32 @!p1 $0x0  }
0x14: {  	s2 =	sld [smem:$0x3F88];
	s0 =	simm.s32 @p1 $0x1  }
0x15: {  	[smem:$0x3FA5] =	sst s0;
	s0 =	simm.s32 @!p2 $0x0  }
0x16: {  	s3 =	sld [smem:$0x3FDB];
	s0 =	simm.s32 @p2 $0x1  }
0x17: {  	s4 =	simm.s32 $0x1BF5;
	[smem:$0x3FA7] =	sst s0  }
0x18: {  	s0 =	sld [smem:$0x3F8A];
	_ =	swait.ge [sflag:s4], $0x0  }
0x19: {  	s7 =	sld [smem:$0x3F8B]  }
0x1a: {  	s8 =	sadd.s32 $0xFFFFE003, lr  }
0x1b: {  	s9 =	sadd.s32 $0xFFFFFEF7, lr;
	s5 =	simm.s32 $0xFFFFFFFF;
	p2 =	slt.u32 s8, $0xFFFFF086  }
0x1c: {  	p1 =	slt.u32 s9, $0xF7A;
	s5 =	simm.s32 @!p2 $0x0  }
0x1d: {  	s5 =	simm.s32 @p1 $0x1;
	p0 =	seq.s32 s7, s2  }
0x1e: {  	s7 =	smul.u32 @!p0 $0xF7A, s2;
	p2 =	seq.s32 @!p0 s5, $0x0  }
0x1f: {  	s9 =	smul.u32 $0xF7A, s1;
	s8 =	simm.s32 @!p0 $0x1BF5;
	p2 =	por !p2, p0  }
0x20: {  	[sflag:s8] =	ssyncset.s32 @!p0 $0xFFFFF086;
	s6 =	sadd.s32 @!p0 s3, s7;
	s7 =	simm.s32 @!p0 $0x108  }
0x21: {  	s3 =	sadd.s32 s3, s9;
	s6 =	sadd.s32 @!p0 $0x88, s6;
	s7 =	simm.s32 @p2 $0x1082  }
0x22: {  	[simem:s7], [sflag:s8] =	dma.local @!p0 [hbm:s6], $0xF7A  }
0x23: {  	s9 =	sor.u32 $0xD0000000, s2;
	s6 =	simm.s32 $0x108;
	_ =	swait.ge @!p0 [sflag:s8], $0x0  }
0x24: {  	s3 =	sadd.s32 $0x88, s3;
	s6 =	simm.s32 @!p1 $0x1082;
	[sflag:s4] =	ssyncset.s32 $0xFFFFF086  }
0x25: {  	[simem:s6], [sflag:s4] =	dma.local [hbm:s3], $0xF7A  }
0x26: {  	[smem:$0x3F8B] =	sst s1;
	(tag) =	ssettag s2;
	_ =	strace s9  }
0x27: {  	s1 =	sld [smem:$0x3F9B]  }
0x28: {  	s2 =	sld [smem:$0x3F9C]  }
0x29: {  	s4 =	sld [smem:$0x3F9E]  }
0x2a: {  	p0 =	seq.s32 s5, $0x0;
	s5 =	sld [smem:$0x3F9F]  }
0x2b: {  	s6 =	sld [smem:$0x3FA0]  }
0x2c: {  	s7 =	sld [smem:$0x3FA1]  }
0x2d: {  	s3 =	simm.s32 $0x108;
	s8 =	sld [smem:$0x3FA2]  }
0x2e: {  	s3 =	simm.s32 @!p0 $0x1082;
	s9 =	sld [smem:$0x3FA3]  }
0x2f: {  	lr =	sadd.s32 s0, s3;
	s0 =	sld [smem:$0x3F9A]  }
0x30: {  	s3 =	sld [smem:$0x3F9D]  }
0x31: {  	[smem:$0x3FA6] =	sst s10  }
0x32: {  	s10 =	sld [smem:$0x3FA4];
	_ =	sdelay $0x3  }
0x33: {  	p0 =	seq.s32 s10, $0x1;
	s10 =	sld [smem:$0x3FA6];
	_ =	sdelay $0x3  }
0x34: {  	[smem:$0x3FA6] =	sst s10  }
0x35: {  	s10 =	sld [smem:$0x3FA5];
	_ =	sdelay $0x3  }
0x36: {  	p1 =	seq.s32 s10, $0x1;
	s10 =	sld [smem:$0x3FA6];
	_ =	sdelay $0x3  }
0x37: {  	[smem:$0x3FA6] =	sst s10  }
0x38: {  	s10 =	sld [smem:$0x3FA7]  }
0x39: {  	_ = 	snop;
	(pc) =	sbr.ind lr, $3  }
0x3a: {  	_ = 	snop  }
0x3b: {  	_ = 	snop  }
0x3c: {  	p2 =	seq.s32 s10, $0x1;
	s10 =	sld [smem:$0x3FA6]  }
0x3d: {  	_ =	shalt  }
0x3e: {  	_ =	shalt  }
0x3f: {  	_ =	shalt  }
0x40: {  	_ =	shalt  }
0x41: {  	_ =	shalt  }
0x42: {  	_ =	shalt  }
0x43: {  	_ =	shalt  }
0x44: {  	_ =	shalt  }
0x45: {  	_ =	shalt  }
0x46: {  	_ =	shalt  }
0x47: {  	_ =	shalt  }
0x48: {  	_ =	shalt  }
0x49: {  	_ =	shalt  }
0x4a: {  	_ =	shalt  }
0x4b: {  	_ =	shalt  }
0x4c: {  	_ =	shalt  }
0x4d: {  	_ =	shalt  }
0x4e: {  	_ =	shalt  }
0x4f: {  	_ =	shalt  }
0x50: {  	_ =	shalt  }
0x51: {  	_ =	shalt  }
0x52: {  	_ =	shalt  }
0x53: {  	_ =	shalt  }
0x54: {  	_ =	shalt  }
0x55: {  	_ =	shalt  }
0x56: {  	_ =	shalt  }
0x57: {  	_ =	shalt  }
0x58: {  	_ =	shalt  }
0x59: {  	_ =	shalt  }
0x5a: {  	_ =	shalt  }
0x5b: {  	_ =	shalt  }
0x5c: {  	_ =	shalt  }
0x5d: {  	_ =	shalt  }
0x5e: {  	_ =	shalt  }
0x5f: {  	_ =	shalt  }
0x60: {  	_ =	shalt  }
0x61: {  	_ =	shalt  }
0x62: {  	_ =	shalt  }
0x63: {  	_ =	shalt  }
0x64: {  	_ =	shalt  }
0x65: {  	_ =	shalt  }
0x66: {  	_ =	shalt  }
0x67: {  	_ =	shalt  }
0x68: {  	_ =	shalt  }
0x69: {  	_ =	shalt  }
0x6a: {  	_ =	shalt  }
0x6b: {  	_ =	shalt  }
0x6c: {  	_ =	shalt  }
0x6d: {  	_ =	shalt  }
0x6e: {  	_ =	shalt  }
0x6f: {  	_ =	shalt  }
0x70: {  	_ =	shalt  }
0x71: {  	_ =	shalt  }
0x72: {  	_ =	shalt  }
0x73: {  	_ =	shalt  }
0x74: {  	_ =	shalt  }
0x75: {  	_ =	shalt  }
0x76: {  	_ =	shalt  }
0x77: {  	_ =	shalt  }
0x78: {  	_ =	shalt  }
0x79: {  	_ =	shalt  }
0x7a: {  	_ =	shalt  }
0x7b: {  	_ =	shalt  }
0x7c: {  	_ =	shalt  }
0x7d: {  	_ =	shalt  }
0x7e: {  	_ =	shalt  }
0x7f: {  	_ =	shalt  }
0x80: {  	_ =	shalt  }
0x81: {  	_ =	shalt  }
0x82: {  	_ =	shalt  }
0x83: {  	_ =	shalt  }
0x84: {  	_ =	shalt  }
0x85: {  	_ =	shalt  }
0x86: {  	_ =	shalt  }
0x87: {  	_ =	shalt  }
.Lfunc_end0:
.L_simem_size_0:
called_computation.1_lowered:
.L_overlay_start_0:
0x88: {  	s2 =	sld [smem:$0x3FD9]  }
0x89: {  	s3 =	sld [smem:$0x3FFE];
	_ =	sdelay $0x1  }
0x8a: {  	s1 =	srdreg.scid  }
0x8b: {  	s0 =	sand.u32 $0x1, s1  }
0x8c: {  	s16 =	sshll.u32 s0, $0xA;
	s2 =	sadd.s32 s3, s2  }
0x8d: {  	s2 =	sadd.s32 s2, s16  }
0x8e: {  	[smem:$0x3FB2] =	sst s2  }
0x8f: {  	_ = 	snop  }
0x90: {  	(tm) =	ssettm $0x1  }
0x91: {  	s17 =	sld [smem:$0x3FFB];
	_ =	sdelay $0x3  }
0x92: {  	_ =	strace s17  }
0x93: {  	s2 =	sld [smem:$0x3FFC];
	_ =	sdelay $0x3  }
0x94: {  	_ =	strace s2  }
0x95: {  	s2 =	sld [smem:$0x3FFD];
	_ =	sdelay $0x3  }
0x96: {  	_ =	strace s2  }
0x97: {  	_ =	strace $0x8FFFFFFF  }
0x98: {  	s18 =	sld [smem:$0x3FDB];
	_ =	sdelay $0x1  }
0x99: {  	s19 =	simm.s32 $_scs_section_size  }
0x9a: {  	s4 =	simm.s32 $_size__tile_overlayer_lowered;
	s5 =	simm.s32 $_tile_overlayer_lowered  }
0x9b: {  	s22 =	simm.s32 $0x1BFF;
	s21 =	sshll.u32 s5, $0x1;
	s2 =	sadd.s32 s19, s18  }
0x9c: {  	s6 =	simm.s32 $0x0;
	s20 =	sshll.u32 s4, $0x1;
	s4 =	sadd.s32 s21, s2  }
0x9d: {  	[timem:s6], [sflag:s22] =	dma.local [hbm:s4], s20  }
0x9e: {  	_ =	swait.ge [sflag:s22], s20  }
0x9f: {  	s3 =	ssub.s32 $0x0, s20;
	[sflag:s22] =	ssyncset.done $0x0  }
0xa0: {  	[sflag:s22] =	ssyncadd.s32 s3;
	_ =	sdelay $0x1  }
0xa1: {  	s23 =	simm.s32 $0x1B8B  }
0xa2: {  	_ =	swait.ge [sflag:s23], $0x1  }
0xa3: {  	[sflag:s23] =	ssyncset.done $0x0  }
0xa4: {  	s25 =	simm.s32 $0x1B8E;
	s24 =	sld [smem:$0x3FFE];
	[sflag:s23] =	ssyncadd.s32 $0xFFFFFFFF  }
0xa5: {  	s26 =	simm.s32 $execute0_lowered;
	[smem:$0x3FD2] =	sst s25  }
0xa6: {  	s4 =	sshll.u32 s26, $0x1;
	_ =	strace $0x80000049;
	[dreg:$0x1] =	wrdreg $0xFFFFFFFF  }
0xa7: {  	s28 =	simm.s32 $_size_execute0_lowered;
	s2 =	sadd.s32 s2, s4;
	[dreg:$0x0] =	wrdreg $0x0  }
0xa8: {  	s4 =	sshll.u32 s28, $0x1;
	[dreg:$0x2] =	wrdreg s2  }
0xa9: {  	[dreg:$0x3] =	wrdreg s4  }
0xaa: {  	[dreg:$0x4] =	wrdreg $0xC0  }
0xab: {  	_ =	task [dreg:s6], $0x5FFFF  }
0xac: {  	[dreg:$0x1] =	wrdreg $0xFFFFFFFF  }
0xad: {  	[dreg:$0x0] =	wrdreg $0x60  }
0xae: {  	[dreg:$0x2] =	wrdreg s24  }
0xaf: {  	[dreg:$0x3] =	wrdreg $0x1CCC00  }
0xb0: {  	[dreg:$0x4] =	wrdreg $0x9  }
0xb1: {  	_ =	task.clear_ibuf [dreg:s6], $0x5FFFF;
	_ =	strace $0x90000049  }
0xb2: {  	s29 =	simm.s32 $0x9;
	_ =	strace $0x8000004B  }
0xb3: {  	_ =	swait.ge [sflag:s29], $0x1  }
0xb4: {  	[sflag:s29] =	ssyncadd.s32 $0xFFFFFFFF  }
0xb5: {  	_ =	strace $0x9000004B  }
0xb6: {  	_ =	sfence  }
0xb7: {  	s30 =	sld [smem:$0x0];
	_ =	sdelay $0x2  }
0xb8: {  	s31 =	sshll.u32 s1, $0xD;
	s1 =	sshrl.u32 s1, $0x2  }
0xb9: {  	s3 =	sand.u32 $0x4000, s31;
	s1 =	sadd.s32 s1, s30  }
0xba: {  	s0 =	sor.u32 s3, s0;
	s1 =	sshll.u32 s1, $0x11  }
0xbb: {  	s0 =	sor.u32 s1, s0  }
0xbc: {  	s0 =	sadd.s32 $0x8F2B, s0  }
0xbd: {  	[sflag:s0] =	ssyncadd.remote.s32 $0x1  }
0xbe: {  	_ =	sfence.sel $0xFFFF  }
0xbf: {  	[dreg:$0x0] =	wrdreg $0xFFFFFFFF;
	(pc) =	sbr.abs _section_cstart, $3  }
0xc0: {  	[dreg:$0x1] =	wrdreg $0xFFFFFFFF  }
0xc1: {  	_ =	task.clear_ibuf [dreg:s6], $0x2FFFF;
	_ =	strace $0x9FFFFFFF  }
0xc2: {  	(tm) =	ssettm $0x7FFFFFFF  }
0xc3: {  	_ =	shalt  }
tec
execute0_lowered:
.L_overlay_start_1:
0x0: {  	(tag) =	ssettag $0x1  }
0x1: {  	s7 =	rddreg [dreg:$0x0]  }
0x2: {  	s2 =	rddreg [dreg:$0x1]  }
0x3: {  	s0 =	rddreg [dreg:$0x2];
	s3 =	simm.s32 $0x0  }
0x4: {  	s1 =	stileid.u32;
	s4 =	srdreg.scid;
	s15 =	simm.s32 $0x1CCA0  }
0x5: {  	s16 =	simm.s32 $0x1CCB0;
	s17 =	simm.s32 $0x8CA0;
	s18 =	simm.s32 $0x10  }
0x6: {  	s19 =	simm.s32 $0x100;
	s20 =	simm.s32 $0x0;
	[smem:$0x7FF] =	sst s3  }
0x7: {  	s8 =	smul.u32 $0x2800, s1;
	s14 =	sand.u32 $0x1, s4;
	s4 =	sadd.s32 $0x4E00, s7  }
0x8: {  	s5 =	sadd.s32 $0x13C00, s7;
	s6 =	sadd.s32 $0x9E00, s7;
	s10 =	sshll.u32 s1, $0x4  }
0x9: {  	v0 =	vimm.s32 $0xEDCBA987;
	_ =	strace $0x8000004A;
	s9 =	smul.u32 $0x140000, s14;
	s30 =	ssub.s32 $0x2, s14  }
0xa: {  	v1 =	vimm.s32 $0x65432100;
	v2 =	vunpack.c.l.s4.s8 v0;
	s31 =	smul.u32 $0xFFFFEC78, s14;
	p0 =	sne.s32 s14, $0x0;
	s14 =	simm.s32 $0x7D0  }
.Ltmp0:
0xb: {  	v3 =	vunpack.c.l.s4.s8 v1;
	s11 =	sshrl.u32 s8, $0x3;
	s9 =	sor.u32 s10, s9;
	(pc) =	sbr.rel .LBB2_1-.Ltmp0, $4  }
0xc: {  	vm0 =	vmmov $0x1;
	s12 =	sshrl.u32 s30, $0x1;
	v5 =	vunpack.c.0.s8.s32 v2;
	s11 =	sadd.s32 s11, s7;
	s9 =	sshrl.u32 s9, $0x3  }
0xd: {  	v1 =	vimm.f32 $-3.000000010e+38;
	v2 =	vlaneseq.u32;
	v6 =	vunpack.c.0.s8.s32 v3;
	s12 =	ssub.s32 s30, s12;
	s13 =	sadd.s32 s9, s7;
	s7 =	sadd.s32 s8, s2  }
0xe: {  	v3 =	vimm.f32 $0.0e+00;
	v0 =	vmov s31;
	v7 =	vand.u32 $0xF, v5;
	s8 =	smul.u32 $0x4E20, s1;
	s9 =	sadd.s32 $0x6DA00, s11;
	s11 =	smax.u32 s12, $0x1  }
0xf: {  	v4 =	vmul.u32 $0x10, v2;
	v5 =	vimm.s32 $0x0;
	s12 =	simm.s32 $0xFA0;
	v6 =	vcombine.low v6, v7;
	s10 =	sadd.s32 $0x1DA00, s13;
	s13 =	simm.s32 $0x1  }
.LBB2_12:
0x10: {  	s21 =	sshll.u32 @!p0 s1, $0x6  }
0x11: {  	[bflag:$0x0] =	sbarrier.arrive $0xFFFF;
	s22 =	sshrl.u32 @!p0 s7, $0x3;
	s21 =	sor.u32 @!p0 $0x1C01, s21  }
0x12: {  	[hbm:s9], [sflag:s21] =	dma.local @!p0 [spmem:s22], $0x500  }
0x13: {  	s21 =	simm.s32 @!p0 $0x1  }
0x14: {  	s20 =	sadd.s32 $0x1, s20;
	_ =	swait.ge @!p0 [sflag:s21], $0x500  }
0x15: {  	p1 =	sne.s32 s20, s11;
	[sflag:s21] =	ssyncset.done @!p0 $0x0  }
.Ltmp1:
0x16: {  	[sflag:s21] =	ssyncadd.s32 @!p0 $0xFFFFFB00;
	(pc) =	sbr.rel @!p1 .LBB2_13-.Ltmp1, $4  }
0x17: {  	[hbm4b:s10+s18] =	stream.strided.scatter [tilespmem:s17], [sflag:$0x1], $0x14000, s19, s18, $0x38;
	[tilespmem:$0x1F4C0] =	vst v63  }
0x18: {  	_ =	swait.ge [sflag:s13], $0x14000  }
0x19: {  	[sflag:s13] =	ssyncset.done $0x0  }
0x1a: {  	[sflag:s13] =	ssyncadd.s32 $0xFFFEC000  }
.LBB2_1:
0x1b: {  	s21 =	simm.s32 $0x0  }
.LBB2_2:
0x1c: {  	p1 =	sne.s32 s21, $0x4FFC0  }
.Ltmp2:
0x1d: {  	_ = 	snop;
	(pc) =	sbr.rel @p1 .LBB2_2-.Ltmp2, $3  }
0x1e: {  	_ =	sdelay $0x1  }
0x1f: {  	s22 =	sshra.s32 s21, $0x2  }
0x20: {  	s21 =	sadd.s32 $0x40, s21;
	[tilespmem:s22+$0x8CA0] =	vst v1  }
0x21: {  	s21 =	simm.s32 $0x40;
	s22 =	simm.s32 $0x0  }
.LBB2_4:
0x22: {  	p1 =	sne.s32 s21, $0x9FC0;
	[tilespmem:s22+$0xFA0] =	vst v3;
	s22 =	smov.u32 s21;
	s21 =	sadd.s32 $0x40, s21  }
.Ltmp3:
0x23: {  	(pc) =	sbr.rel @p1 .LBB2_4-.Ltmp3, $2  }
0x24: {  	_ =	sdelay $0x2  }
0x25: {  	s22 =	sshra.s32 s22, $0x2  }
0x26: {  	[tilespmem:s22+$0xFA0] =	vst v3  }
0x27: {  	[spmem:s7] =	stream.linear.scatter [tilespmem:s12], [sflag:$0x1], $0x2800, $0x38;
	[tilespmem:$0x1F4C0] =	vst v63  }
.Ltmp4:
0x28: {  	_ =	swait.ge [sflag:s13], $0x2800;
	(pc) =	sbr.rel .LBB2_6-.Ltmp4, $4  }
0x29: {  	[sflag:s13] =	ssyncset.done $0x0  }
0x2a: {  	[sflag:s13] =	ssyncadd.s32 $0xFFFFD800  }
0x2b: {  	[bflag:$0x0] =	sbarrier.arrive $0xFFFF  }
0x2c: {  	s21 =	simm.s32 $0x0  }
.LBB2_11:
0x2d: {  	s21 =	sadd.s32 $0x1, s21  }
0x2e: {  	p1 =	sne.s32 s21, $0xA  }
.Ltmp5:
0x2f: {  	_ = 	snop;
	(pc) =	sbr.rel @!p1 .LBB2_12-.Ltmp5, $1  }
0x30: {  	_ =	sdelay $0x3  }
.LBB2_6:
0x31: {  	s22 =	smul.u32 $0x7D0, s21;
	_ =	sdelay $0x1  }
0x32: {  	s22 =	sadd.s32 s8, s22  }
0x33: {  	s22 =	sshrl.u32 s22, $0x3  }
0x34: {  	s23 =	sadd.s32 s5, s22  }
0x35: {  	[tilespmem:s3], [sflag:$0x1] =	stream.linear.gather [hbm4b:s23+s3], $0x7D0, $0x38;
	[tilespmem:$0x1F4C0] =	vst v63  }
0x36: {  	_ =	swait.ge [sflag:s13], $0x7D0  }
0x37: {  	[sflag:s13] =	ssyncset.done $0x0  }
0x38: {  	s22 =	sadd.s32 s6, s22;
	[sflag:s13] =	ssyncadd.s32 $0xFFFFF830  }
0x39: {  	[tilespmem:s14], [sflag:$0x1] =	stream.linear.gather [hbm4b:s22+s3], $0x7D0, $0x38;
	[tilespmem:$0x1F4C0] =	vst v63  }
0x3a: {  	_ =	swait.ge [sflag:s13], $0x7D0  }
0x3b: {  	[sflag:s13] =	ssyncset.done $0x0  }
0x3c: {  	[sflag:s13] =	ssyncadd.s32 $0xFFFFF830  }
0x3d: {  	[tilespmem:s12], [sflag:$0x1] =	stream.indirect.gather [hbm4b:s4+s14], $0x10, s3, s14, $0xb8;
	[tilespmem:$0x1F4C0] =	vst v63  }
0x3e: {  	_ =	swait.ge [sflag:s13], $0x7D00  }
0x3f: {  	[sflag:s13] =	ssyncset.done $0x0  }
0x40: {  	s23 =	simm.s32 @!p0 $0xFA0;
	s22 =	simm.s32 @!p0 $0x7D0;
	[sflag:s13] =	ssyncadd.s32 $0xFFFF8300  }
0x41: {  	[spmem:s2] =	stream.indirect.scatter.add.f32 @!p0 [tilespmem:s23], [sflag:$0x1], $0x10, s22, s22, $0xb8;
	[tilespmem:$0x1F4C0] =	vst v63  }
.Ltmp6:
0x42: {  	_ = 	snop;
	(pc) =	sbr.rel .LBB2_7-.Ltmp6, $4  }
0x43: {  	s22 =	simm.s32 @!p0 $0x1  }
0x44: {  	_ =	swait.ge @!p0 [sflag:s22], $0x7D00  }
0x45: {  	[sflag:s22] =	ssyncset.done @!p0 $0x0  }
0x46: {  	[sflag:s22] =	ssyncadd.s32 @!p0 $0xFFFF8300;
	s22 =	simm.s32 $0x0  }
.LBB2_10:
0x47: {  	s22 =	sadd.s32 $0x1, s22  }
0x48: {  	p1 =	sne.s32 s22, $0x7D  }
.Ltmp7:
0x49: {  	_ = 	snop;
	(pc) =	sbr.rel @!p1 .LBB2_11-.Ltmp7, $1  }
0x4a: {  	_ =	sdelay $0x3  }
.LBB2_7:
0x4b: {  	s23 =	sshll.u32 s22, $0x4  }
0x4c: {  	v7 =	vld [tilespmem:s23+$0x7D0];
	_ =	sdelay $0x4  }
0x4d: {  	v16 =	vadd.s32 v0, v7  }
0x4e: {  	vm1 =	vlt.u32 v16, $0x1388  }
0x4f: {  	v17 =	vsel vm1, $0x1, v5  }
0x50: {  	v7 =	vor.u32 $0x80000000, v17  }
0x51: {  	(xrf0) =	vmax.scan.msk.u32 $0xffff, v7;
	_ =	sdelay $0x5  }
0x52: {  	v7, _, _ =	vpop (xrf0)  }
0x53: {  	(v2sf) =	vpush v7, $0xF;
	_ =	sdelay $0x5  }
0x54: {  	v7 =	vmov s23  }
0x55: {  	v7 =	vshll.u32 v7, $0x4  }
0x56: {  	v11 =	vor.u32 v4, v7  }
0x57: {  	v8 =	vor.u32 $0x1, v11  }
0x58: {  	v9 =	vor.u32 $0x2, v11  }
0x59: {  	v10 =	vor.u32 $0x3, v11  }
0x5a: {  	v12 =	vor.u32 $0x4, v11  }
0x5b: {  	v13 =	vor.u32 $0x5, v11;
	v7 =	vld.idx.msk [tilespmem:v11+s12+$0x0], $0xffff  }
0x5c: {  	v14 =	vor.u32 $0x6, v11;
	v8 =	vld.idx.msk [tilespmem:v8+s12+$0x0], $0xffff  }
0x5d: {  	v15 =	vor.u32 $0x7, v11;
	v9 =	vld.idx.msk [tilespmem:v9+s12+$0x0], $0xffff;
	s31 =	spop (v2sf)  }
0x5e: {  	v18 =	vor.u32 $0x8, v11;
	v10 =	vld.idx.msk [tilespmem:v10+s12+$0x0], $0xffff;
	p1 =	slt.u32 s31, $0x80000001  }
.Ltmp8:
0x5f: {  	v11 =	vld.idx.msk [tilespmem:v12+s12+$0x0], $0xffff;
	(pc) =	sbr.rel @p1 .LBB2_10-.Ltmp8, $4  }
0x60: {  	v12 =	vld.idx.msk [tilespmem:v13+s12+$0x0], $0xffff  }
0x61: {  	v13 =	vld.idx.msk [tilespmem:v14+s12+$0x0], $0xffff  }
0x62: {  	v14 =	vld.idx.msk [tilespmem:v15+s12+$0x0], $0xffff  }
0x63: {  	v15 =	vld.idx.msk [tilespmem:v18+s12+$0x0], $0xffff  }
0x64: {  	vm2 =	vlt.u32 v16, $0x1388  }
0x65: {  	v18 =	vnsel vm2, $0x0, v16  }
0x66: {  	v16 =	vshll.u32 v18, $0x4  }
0x67: {  	v18 =	vxor.u32 $0x80000000, v18;
	v19 =	vor.u32 $0x1, v16;
	v20 =	vor.u32 $0x2, v16  }
0x68: {  	v21 =	vor.u32 $0x3, v16;
	v22 =	vor.u32 $0x4, v16;
	v23 =	vor.u32 $0x5, v16  }
0x69: {  	s23 =	simm.s32 $0x0;
	v24 =	vor.u32 $0x6, v16;
	v25 =	vor.u32 $0x7, v16;
	v26 =	vor.u32 $0x8, v16  }
.LBB2_9:
0x6a: {  	(xrf1) =	vsort.ascd.msk.u32 vm1, v18, v2;
	_ =	sdelay $0xd  }
0x6b: {  	(xrf0) =	vadd.scan.msk.s32 $0xffff, v17;
	v27, v28, _ =	vpop (xrf1)  }
0x6c: {  	v17 =	vxor.u32 $0x80000000, v27  }
0x6d: {  	[tilespmem:$0x1CCA0] =	vst v17  }
0x6e: {  	v27 =	vld.idx.msk [tilespmem:v6+s15+$0x0], $0xffff;
	_ =	sdelay $0x2  }
0x6f: {  	v29, _, _ =	vpop (xrf0)  }
0x70: {  	v29 =	vbroadcast v29, $0xF  }
0x71: {  	vm2 =	vne.s32 v17, v27  }
0x72: {  	vm3 =	vgt.s32 v29, v2;
	vm2 =	vmor vm2, vm0  }
0x73: {  	vm2 =	vmand vm3, vm2  }
0x74: {  	v17 =	vsel vm2, $0x1, v5  }
0x75: {  	[tilespmem:v28+s16+$0x0] =	vst.idx.msk $0xffff, v17  }
0x76: {  	v17 =	vld.idx.msk [tilespmem:v2+s16+$0x0], $0xffff;
	_ =	sdelay $0x4  }
0x77: {  	vm2 =	vgt.s32 v17, $0x0  }
0x78: {  	vm2 =	vmand vm1, vm2;
	_ =	sdelay $0x5  }
0x79: {  	v17 =	vld.idx.msk [tilespmem:v16+s17+$0x0], vm2;
	_ =	sdelay $0x4  }
0x7a: {  	v17 =	vmax.f32 v17, v7  }
0x7b: {  	[tilespmem:v16+s17+$0x0] =	vst.idx.msk vm2, v17  }
0x7c: {  	v17 =	vld.idx.msk [tilespmem:v19+s17+$0x0], vm2;
	_ =	sdelay $0x4  }
0x7d: {  	v17 =	vmax.f32 v17, v8  }
0x7e: {  	[tilespmem:v19+s17+$0x0] =	vst.idx.msk vm2, v17  }
0x7f: {  	v17 =	vld.idx.msk [tilespmem:v20+s17+$0x0], vm2;
	_ =	sdelay $0x4  }
0x80: {  	v17 =	vmax.f32 v17, v9  }
0x81: {  	[tilespmem:v20+s17+$0x0] =	vst.idx.msk vm2, v17  }
0x82: {  	v17 =	vld.idx.msk [tilespmem:v21+s17+$0x0], vm2;
	_ =	sdelay $0x4  }
0x83: {  	v17 =	vmax.f32 v17, v10  }
0x84: {  	[tilespmem:v21+s17+$0x0] =	vst.idx.msk vm2, v17  }
0x85: {  	v17 =	vld.idx.msk [tilespmem:v22+s17+$0x0], vm2;
	_ =	sdelay $0x4  }
0x86: {  	vm1 =	vmxor vm1, vm2;
	v17 =	vmax.f32 v17, v11  }
0x87: {  	[tilespmem:v22+s17+$0x0] =	vst.idx.msk vm2, v17;
	v17 =	vsel vm1, $0x1, v5  }
0x88: {  	v63 =	vor.u32 $0x80000000, v17  }
0x89: {  	(xrf0) =	vmax.scan.msk.u32 $0xffff, v63;
	_ =	sdelay $0x1  }
0x8a: {  	v27 =	vld.idx.msk [tilespmem:v23+s17+$0x0], vm2;
	_ =	sdelay $0x3  }
0x8b: {  	v28, _, _ =	vpop (xrf0)  }
0x8c: {  	v27 =	vmax.f32 v27, v12;
	(v2sf) =	vpush v28, $0xF  }
0x8d: {  	[tilespmem:v23+s17+$0x0] =	vst.idx.msk vm2, v27  }
0x8e: {  	v27 =	vld.idx.msk [tilespmem:v24+s17+$0x0], vm2;
	_ =	sdelay $0x4  }
0x8f: {  	v27 =	vmax.f32 v27, v13  }
0x90: {  	[tilespmem:v24+s17+$0x0] =	vst.idx.msk vm2, v27  }
0x91: {  	v27 =	vld.idx.msk [tilespmem:v25+s17+$0x0], vm2;
	_ =	sdelay $0x4  }
0x92: {  	v27 =	vmax.f32 v27, v14  }
0x93: {  	p1 =	sgt.u32 s23, $0xE;
	[tilespmem:v25+s17+$0x0] =	vst.idx.msk vm2, v27;
	s24 =	spop (v2sf)  }
0x94: {  	v27 =	vld.idx.msk [tilespmem:v26+s17+$0x0], vm2;
	p2 =	sgt.u32 @!p1 s24, $0x80000000  }
0x95: {  	p1 =	por p1, !p2  }
.Ltmp9:
0x96: {  	_ = 	snop;
	(pc) =	sbr.rel @!p1 .LBB2_9-.Ltmp9, $3  }
0x97: {  	_ =	sdelay $0x1  }
0x98: {  	v27 =	vmax.f32 v27, v15  }
0x99: {  	s23 =	sadd.s32 $0x1, s23;
	[tilespmem:v26+s17+$0x0] =	vst.idx.msk vm2, v27  }
.Ltmp10:
0x9a: {  	_ = 	snop;
	(pc) =	sbr.rel .LBB2_10-.Ltmp10, $1  }
0x9b: {  	_ =	sdelay $0x3  }
.LBB2_13:
0x9c: {  	_ =	sfence.sel $0x180000  }
0x9d: {  	[bflag:$0x0] =	sbarrier.arrive $0xFFFF  }
0x9e: {  	p0 =	sne.s32 s1, $0x0;
	_ =	strace $0x9000004A  }
0x9f: {  	s0 =	sadd.s32 @!p0 $0x100000, s0;
	[bflag:$0x2] =	sbarrier.arrive $0xFFFF  }
0xa0: {  	[sflag:s0] =	ssyncadd.tile.s32 @!p0 $0x1;
	_ =	shalt  }
.Lfunc_end2:
_tile_overlayer_lowered:
.L_overlay_start_2:
0xa1: {  	(tag) =	ssettag $0x2  }
0xa2: {  	s0 =	rddreg [dreg:$0x0];
	s2 =	stileid.u32  }
0xa3: {  	s1 =	rddreg [dreg:$0x1];
	p0 =	sne.s32 s2, $0x0  }
0xa4: {  	s3 =	rddreg [dreg:$0x2];
	[bflag:$0x3] =	sbarrier.arrive $0xFFFF;
	s2 =	simm.s32 @!p0 $0x1C01  }
0xa5: {  	[timem:s3], [sflag:s2] =	dma.local @!p0 [hbm:s0], s1  }
0xa6: {  	s0 =	simm.s32 @!p0 $0x1  }
0xa7: {  	_ =	swait.ge @!p0 [sflag:s0], s1  }
0xa8: {  	s1 =	ssub.s32 @!p0 $0x0, s1;
	[sflag:s0] =	ssyncset.done @!p0 $0x0  }
0xa9: {  	[sflag:s0] =	ssyncadd.s32 @!p0 s1  }
0xaa: {  	[bflag:$0x3] =	sbarrier.arrive $0xFFFF  }
0xab: {  	_ =	shalt  }

// kernel: kernel.18.cloned.1.call-start
scs
__scs_entry_jumppad:
0x0: {  	(pc) =	sbr.rel $0x88, $3  }
0x1: {  	(tag) =	ssettag $0x0;
	lr =	simm.s32 $0x1  }
0x2: {  	[smem:$0x3F8B] =	sst lr;
	_ =	strace $0xD0000000  }
0x3: {  	_ = 	snop  }
0x4: {  	_ = 	snop  }
0x5: {  	_ = 	snop  }
0x6: {  	_ = 	snop  }
0x7: {  	_ = 	snop  }
__scs_overlays_trampoline_lowered:
0x8: {  	[smem:$0x3F9A] =	sst s0  }
0x9: {  	[smem:$0x3F9B] =	sst s1  }
0xa: {  	[smem:$0x3F9C] =	sst s2  }
0xb: {  	[smem:$0x3F9D] =	sst s3  }
0xc: {  	[smem:$0x3F9E] =	sst s4  }
0xd: {  	[smem:$0x3F9F] =	sst s5  }
0xe: {  	[smem:$0x3FA0] =	sst s6  }
0xf: {  	[smem:$0x3FA1] =	sst s7  }
0x10: {  	[smem:$0x3FA2] =	sst s8  }
0x11: {  	[smem:$0x3FA3] =	sst s9;
	s0 =	simm.s32 @!p0 $0x0  }
0x12: {  	s1 =	sld [smem:$0x3F89];
	s0 =	simm.s32 @p0 $0x1  }
0x13: {  	[smem:$0x3FA4] =	sst s0;
	s0 =	simm.s32 @!p1 $0x0  }
0x14: {  	s2 =	sld [smem:$0x3F88];
	s0 =	simm.s32 @p1 $0x1  }
0x15: {  	[smem:$0x3FA5] =	sst s0;
	s0 =	simm.s32 @!p2 $0x0  }
0x16: {  	s3 =	sld [smem:$0x3FDB];
	s0 =	simm.s32 @p2 $0x1  }
0x17: {  	s4 =	simm.s32 $0x1BF5;
	[smem:$0x3FA7] =	sst s0  }
0x18: {  	s0 =	sld [smem:$0x3F8A];
	_ =	swait.ge [sflag:s4], $0x0  }
0x19: {  	s7 =	sld [smem:$0x3F8B]  }
0x1a: {  	s8 =	sadd.s32 $0xFFFFE003, lr  }
0x1b: {  	s9 =	sadd.s32 $0xFFFFFEF7, lr;
	s5 =	simm.s32 $0xFFFFFFFF;
	p2 =	slt.u32 s8, $0xFFFFF086  }
0x1c: {  	p1 =	slt.u32 s9, $0xF7A;
	s5 =	simm.s32 @!p2 $0x0  }
0x1d: {  	s5 =	simm.s32 @p1 $0x1;
	p0 =	seq.s32 s7, s2  }
0x1e: {  	s7 =	smul.u32 @!p0 $0xF7A, s2;
	p2 =	seq.s32 @!p0 s5, $0x0  }
0x1f: {  	s9 =	smul.u32 $0xF7A, s1;
	s8 =	simm.s32 @!p0 $0x1BF5;
	p2 =	por !p2, p0  }
0x20: {  	[sflag:s8] =	ssyncset.s32 @!p0 $0xFFFFF086;
	s6 =	sadd.s32 @!p0 s3, s7;
	s7 =	simm.s32 @!p0 $0x108  }
0x21: {  	s3 =	sadd.s32 s3, s9;
	s6 =	sadd.s32 @!p0 $0x88, s6;
	s7 =	simm.s32 @p2 $0x1082  }
0x22: {  	[simem:s7], [sflag:s8] =	dma.local @!p0 [hbm:s6], $0xF7A  }
0x23: {  	s9 =	sor.u32 $0xD0000000, s2;
	s6 =	simm.s32 $0x108;
	_ =	swait.ge @!p0 [sflag:s8], $0x0  }
0x24: {  	s3 =	sadd.s32 $0x88, s3;
	s6 =	simm.s32 @!p1 $0x1082;
	[sflag:s4] =	ssyncset.s32 $0xFFFFF086  }
0x25: {  	[simem:s6], [sflag:s4] =	dma.local [hbm:s3], $0xF7A  }
0x26: {  	[smem:$0x3F8B] =	sst s1;
	(tag) =	ssettag s2;
	_ =	strace s9  }
0x27: {  	s1 =	sld [smem:$0x3F9B]  }
0x28: {  	s2 =	sld [smem:$0x3F9C]  }
0x29: {  	s4 =	sld [smem:$0x3F9E]  }
0x2a: {  	p0 =	seq.s32 s5, $0x0;
	s5 =	sld [smem:$0x3F9F]  }
0x2b: {  	s6 =	sld [smem:$0x3FA0]  }
0x2c: {  	s7 =	sld [smem:$0x3FA1]  }
0x2d: {  	s3 =	simm.s32 $0x108;
	s8 =	sld [smem:$0x3FA2]  }
0x2e: {  	s3 =	simm.s32 @!p0 $0x1082;
	s9 =	sld [smem:$0x3FA3]  }
0x2f: {  	lr =	sadd.s32 s0, s3;
	s0 =	sld [smem:$0x3F9A]  }
0x30: {  	s3 =	sld [smem:$0x3F9D]  }
0x31: {  	[smem:$0x3FA6] =	sst s10  }
0x32: {  	s10 =	sld [smem:$0x3FA4];
	_ =	sdelay $0x3  }
0x33: {  	p0 =	seq.s32 s10, $0x1;
	s10 =	sld [smem:$0x3FA6];
	_ =	sdelay $0x3  }
0x34: {  	[smem:$0x3FA6] =	sst s10  }
0x35: {  	s10 =	sld [smem:$0x3FA5];
	_ =	sdelay $0x3  }
0x36: {  	p1 =	seq.s32 s10, $0x1;
	s10 =	sld [smem:$0x3FA6];
	_ =	sdelay $0x3  }
0x37: {  	[smem:$0x3FA6] =	sst s10  }
0x38: {  	s10 =	sld [smem:$0x3FA7]  }
0x39: {  	_ = 	snop;
	(pc) =	sbr.ind lr, $3  }
0x3a: {  	_ = 	snop  }
0x3b: {  	_ = 	snop  }
0x3c: {  	p2 =	seq.s32 s10, $0x1;
	s10 =	sld [smem:$0x3FA6]  }
0x3d: {  	_ =	shalt  }
0x3e: {  	_ =	shalt  }
0x3f: {  	_ =	shalt  }
0x40: {  	_ =	shalt  }
0x41: {  	_ =	shalt  }
0x42: {  	_ =	shalt  }
0x43: {  	_ =	shalt  }
0x44: {  	_ =	shalt  }
0x45: {  	_ =	shalt  }
0x46: {  	_ =	shalt  }
0x47: {  	_ =	shalt  }
0x48: {  	_ =	shalt  }
0x49: {  	_ =	shalt  }
0x4a: {  	_ =	shalt  }
0x4b: {  	_ =	shalt  }
0x4c: {  	_ =	shalt  }
0x4d: {  	_ =	shalt  }
0x4e: {  	_ =	shalt  }
0x4f: {  	_ =	shalt  }
0x50: {  	_ =	shalt  }
0x51: {  	_ =	shalt  }
0x52: {  	_ =	shalt  }
0x53: {  	_ =	shalt  }
0x54: {  	_ =	shalt  }
0x55: {  	_ =	shalt  }
0x56: {  	_ =	shalt  }
0x57: {  	_ =	shalt  }
0x58: {  	_ =	shalt  }
0x59: {  	_ =	shalt  }
0x5a: {  	_ =	shalt  }
0x5b: {  	_ =	shalt  }
0x5c: {  	_ =	shalt  }
0x5d: {  	_ =	shalt  }
0x5e: {  	_ =	shalt  }
0x5f: {  	_ =	shalt  }
0x60: {  	_ =	shalt  }
0x61: {  	_ =	shalt  }
0x62: {  	_ =	shalt  }
0x63: {  	_ =	shalt  }
0x64: {  	_ =	shalt  }
0x65: {  	_ =	shalt  }
0x66: {  	_ =	shalt  }
0x67: {  	_ =	shalt  }
0x68: {  	_ =	shalt  }
0x69: {  	_ =	shalt  }
0x6a: {  	_ =	shalt  }
0x6b: {  	_ =	shalt  }
0x6c: {  	_ =	shalt  }
0x6d: {  	_ =	shalt  }
0x6e: {  	_ =	shalt  }
0x6f: {  	_ =	shalt  }
0x70: {  	_ =	shalt  }
0x71: {  	_ =	shalt  }
0x72: {  	_ =	shalt  }
0x73: {  	_ =	shalt  }
0x74: {  	_ =	shalt  }
0x75: {  	_ =	shalt  }
0x76: {  	_ =	shalt  }
0x77: {  	_ =	shalt  }
0x78: {  	_ =	shalt  }
0x79: {  	_ =	shalt  }
0x7a: {  	_ =	shalt  }
0x7b: {  	_ =	shalt  }
0x7c: {  	_ =	shalt  }
0x7d: {  	_ =	shalt  }
0x7e: {  	_ =	shalt  }
0x7f: {  	_ =	shalt  }
0x80: {  	_ =	shalt  }
0x81: {  	_ =	shalt  }
0x82: {  	_ =	shalt  }
0x83: {  	_ =	shalt  }
0x84: {  	_ =	shalt  }
0x85: {  	_ =	shalt  }
0x86: {  	_ =	shalt  }
0x87: {  	_ =	shalt  }
.Lfunc_end0:
.L_simem_size_0:
called_computation.2_lowered:
.L_overlay_start_0:
0x88: {  	s2 =	sld [smem:$0x3FD9]  }
0x89: {  	s3 =	sld [smem:$0x3FFE];
	_ =	sdelay $0x1  }
0x8a: {  	s1 =	srdreg.scid  }
0x8b: {  	s0 =	sand.u32 $0x1, s1  }
0x8c: {  	s16 =	sshll.u32 s0, $0xA;
	s2 =	sadd.s32 s3, s2  }
0x8d: {  	s2 =	sadd.s32 s2, s16  }
0x8e: {  	[smem:$0x3FB2] =	sst s2  }
0x8f: {  	_ = 	snop  }
0x90: {  	(tm) =	ssettm $0x1  }
0x91: {  	s17 =	sld [smem:$0x3FFB];
	_ =	sdelay $0x3  }
0x92: {  	_ =	strace s17  }
0x93: {  	s2 =	sld [smem:$0x3FFC];
	_ =	sdelay $0x3  }
0x94: {  	_ =	strace s2  }
0x95: {  	s2 =	sld [smem:$0x3FFD];
	_ =	sdelay $0x3  }
0x96: {  	_ =	strace s2  }
0x97: {  	_ =	strace $0x8FFFFFFF  }
0x98: {  	s18 =	sld [smem:$0x3FDB];
	_ =	sdelay $0x1  }
0x99: {  	s19 =	simm.s32 $_scs_section_size  }
0x9a: {  	s4 =	simm.s32 $_size__tile_overlayer_lowered;
	s5 =	simm.s32 $_tile_overlayer_lowered  }
0x9b: {  	s22 =	simm.s32 $0x1BFF;
	s21 =	sshll.u32 s5, $0x1;
	s2 =	sadd.s32 s19, s18  }
0x9c: {  	s6 =	simm.s32 $0x0;
	s20 =	sshll.u32 s4, $0x1;
	s4 =	sadd.s32 s21, s2  }
0x9d: {  	[timem:s6], [sflag:s22] =	dma.local [hbm:s4], s20  }
0x9e: {  	_ =	swait.ge [sflag:s22], s20  }
0x9f: {  	s3 =	ssub.s32 $0x0, s20;
	[sflag:s22] =	ssyncset.done $0x0  }
0xa0: {  	[sflag:s22] =	ssyncadd.s32 s3;
	_ =	sdelay $0x1  }
0xa1: {  	s23 =	simm.s32 $0x1B8B  }
0xa2: {  	_ =	swait.ge [sflag:s23], $0x1  }
0xa3: {  	[sflag:s23] =	ssyncset.done $0x0  }
0xa4: {  	s25 =	simm.s32 $0x1B8E;
	s24 =	sld [smem:$0x3FFE];
	[sflag:s23] =	ssyncadd.s32 $0xFFFFFFFF  }
0xa5: {  	s26 =	simm.s32 $execute0_lowered;
	[smem:$0x3FD2] =	sst s25  }
0xa6: {  	s4 =	sshll.u32 s26, $0x1;
	_ =	strace $0x8000004C;
	[dreg:$0x1] =	wrdreg $0xFFFFFFFF  }
0xa7: {  	s28 =	simm.s32 $_size_execute0_lowered;
	s2 =	sadd.s32 s2, s4;
	[dreg:$0x0] =	wrdreg $0x0  }
0xa8: {  	s4 =	sshll.u32 s28, $0x1;
	[dreg:$0x2] =	wrdreg s2  }
0xa9: {  	[dreg:$0x3] =	wrdreg s4  }
0xaa: {  	[dreg:$0x4] =	wrdreg $0xC0  }
0xab: {  	_ =	task [dreg:s6], $0x5FFFF  }
0xac: {  	[dreg:$0x1] =	wrdreg $0xFFFFFFFF  }
0xad: {  	[dreg:$0x0] =	wrdreg $0x60  }
0xae: {  	[dreg:$0x2] =	wrdreg s24  }
0xaf: {  	[dreg:$0x3] =	wrdreg $0x1CCC00  }
0xb0: {  	[dreg:$0x4] =	wrdreg $0x9  }
0xb1: {  	_ =	task.clear_ibuf [dreg:s6], $0x5FFFF;
	_ =	strace $0x9000004C  }
0xb2: {  	s29 =	simm.s32 $0x9;
	_ =	strace $0x8000004E  }
0xb3: {  	_ =	swait.ge [sflag:s29], $0x1  }
0xb4: {  	[sflag:s29] =	ssyncadd.s32 $0xFFFFFFFF  }
0xb5: {  	_ =	strace $0x9000004E  }
0xb6: {  	_ =	sfence  }
0xb7: {  	s30 =	sld [smem:$0x0];
	_ =	sdelay $0x2  }
0xb8: {  	s31 =	sshll.u32 s1, $0xD;
	s1 =	sshrl.u32 s1, $0x2  }
0xb9: {  	s3 =	sand.u32 $0x4000, s31;
	s1 =	sadd.s32 s1, s30  }
0xba: {  	s0 =	sor.u32 s3, s0;
	s1 =	sshll.u32 s1, $0x11  }
0xbb: {  	s0 =	sor.u32 s1, s0  }
0xbc: {  	s0 =	sadd.s32 $0x8F2B, s0  }
0xbd: {  	[sflag:s0] =	ssyncadd.remote.s32 $0x1  }
0xbe: {  	_ =	sfence.sel $0xFFFF  }
0xbf: {  	[dreg:$0x0] =	wrdreg $0xFFFFFFFF;
	(pc) =	sbr.abs _section_cstart, $3  }
0xc0: {  	[dreg:$0x1] =	wrdreg $0xFFFFFFFF  }
0xc1: {  	_ =	task.clear_ibuf [dreg:s6], $0x2FFFF;
	_ =	strace $0x9FFFFFFF  }
0xc2: {  	(tm) =	ssettm $0x7FFFFFFF  }
0xc3: {  	_ =	shalt  }
tec
execute0_lowered:
.L_overlay_start_1:
0x0: {  	(tag) =	ssettag $0x1  }
0x1: {  	s7 =	rddreg [dreg:$0x0]  }
0x2: {  	s2 =	rddreg [dreg:$0x1]  }
0x3: {  	s0 =	rddreg [dreg:$0x2];
	s3 =	simm.s32 $0x0  }
0x4: {  	s1 =	stileid.u32;
	s4 =	srdreg.scid;
	s15 =	simm.s32 $0x1CCA0  }
0x5: {  	s16 =	simm.s32 $0x1CCB0;
	s17 =	simm.s32 $0x8CA0;
	s18 =	simm.s32 $0x10  }
0x6: {  	s19 =	simm.s32 $0x100;
	s20 =	simm.s32 $0x0;
	[smem:$0x7FF] =	sst s3  }
0x7: {  	s8 =	smul.u32 $0x2800, s1;
	s14 =	sand.u32 $0x1, s4;
	s4 =	sadd.s32 $0x4E00, s7  }
0x8: {  	s5 =	sadd.s32 $0x13C00, s7;
	s6 =	sadd.s32 $0x9E00, s7;
	s10 =	sshll.u32 s1, $0x4  }
0x9: {  	v0 =	vimm.s32 $0xEDCBA987;
	_ =	strace $0x8000004D;
	s9 =	smul.u32 $0x140000, s14;
	s30 =	ssub.s32 $0x2, s14  }
0xa: {  	v1 =	vimm.s32 $0x65432100;
	v2 =	vunpack.c.l.s4.s8 v0;
	s31 =	smul.u32 $0xFFFFEC78, s14;
	p0 =	sne.s32 s14, $0x0;
	s14 =	simm.s32 $0x7D0  }
.Ltmp0:
0xb: {  	v3 =	vunpack.c.l.s4.s8 v1;
	s11 =	sshrl.u32 s8, $0x3;
	s9 =	sor.u32 s10, s9;
	(pc) =	sbr.rel .LBB2_1-.Ltmp0, $4  }
0xc: {  	vm0 =	vmmov $0x1;
	s12 =	sshrl.u32 s30, $0x1;
	v5 =	vunpack.c.0.s8.s32 v2;
	s11 =	sadd.s32 s11, s7;
	s9 =	sshrl.u32 s9, $0x3  }
0xd: {  	v1 =	vimm.f32 $-3.000000010e+38;
	v2 =	vlaneseq.u32;
	v6 =	vunpack.c.0.s8.s32 v3;
	s12 =	ssub.s32 s30, s12;
	s13 =	sadd.s32 s9, s7;
	s7 =	sadd.s32 s8, s2  }
0xe: {  	v3 =	vimm.f32 $0.0e+00;
	v0 =	vmov s31;
	v7 =	vand.u32 $0xF, v5;
	s8 =	smul.u32 $0x4E20, s1;
	s9 =	sadd.s32 $0x6DA00, s11;
	s11 =	smax.u32 s12, $0x1  }
0xf: {  	v4 =	vmul.u32 $0x10, v2;
	v5 =	vimm.s32 $0x0;
	s12 =	simm.s32 $0xFA0;
	v6 =	vcombine.low v6, v7;
	s10 =	sadd.s32 $0x1DA00, s13;
	s13 =	simm.s32 $0x1  }
.LBB2_12:
0x10: {  	s21 =	sshll.u32 @!p0 s1, $0x6  }
0x11: {  	[bflag:$0x0] =	sbarrier.arrive $0xFFFF;
	s22 =	sshrl.u32 @!p0 s7, $0x3;
	s21 =	sor.u32 @!p0 $0x1C01, s21  }
0x12: {  	[hbm:s9], [sflag:s21] =	dma.local @!p0 [spmem:s22], $0x500  }
0x13: {  	s21 =	simm.s32 @!p0 $0x1  }
0x14: {  	s20 =	sadd.s32 $0x1, s20;
	_ =	swait.ge @!p0 [sflag:s21], $0x500  }
0x15: {  	p1 =	sne.s32 s20, s11;
	[sflag:s21] =	ssyncset.done @!p0 $0x0  }
.Ltmp1:
0x16: {  	[sflag:s21] =	ssyncadd.s32 @!p0 $0xFFFFFB00;
	(pc) =	sbr.rel @!p1 .LBB2_13-.Ltmp1, $4  }
0x17: {  	[hbm4b:s10+s18] =	stream.strided.scatter [tilespmem:s17], [sflag:$0x1], $0x14000, s19, s18, $0x38;
	[tilespmem:$0x1F4C0] =	vst v63  }
0x18: {  	_ =	swait.ge [sflag:s13], $0x14000  }
0x19: {  	[sflag:s13] =	ssyncset.done $0x0  }
0x1a: {  	[sflag:s13] =	ssyncadd.s32 $0xFFFEC000  }
.LBB2_1:
0x1b: {  	s21 =	simm.s32 $0x0  }
.LBB2_2:
0x1c: {  	p1 =	sne.s32 s21, $0x4FFC0  }
.Ltmp2:
0x1d: {  	_ = 	snop;
	(pc) =	sbr.rel @p1 .LBB2_2-.Ltmp2, $3  }
0x1e: {  	_ =	sdelay $0x1  }
0x1f: {  	s22 =	sshra.s32 s21, $0x2  }
0x20: {  	s21 =	sadd.s32 $0x40, s21;
	[tilespmem:s22+$0x8CA0] =	vst v1  }
0x21: {  	s21 =	simm.s32 $0x40;
	s22 =	simm.s32 $0x0  }
.LBB2_4:
0x22: {  	p1 =	sne.s32 s21, $0x9FC0;
	[tilespmem:s22+$0xFA0] =	vst v3;
	s22 =	smov.u32 s21;
	s21 =	sadd.s32 $0x40, s21  }
.Ltmp3:
0x23: {  	(pc) =	sbr.rel @p1 .LBB2_4-.Ltmp3, $2  }
0x24: {  	_ =	sdelay $0x2  }
0x25: {  	s22 =	sshra.s32 s22, $0x2  }
0x26: {  	[tilespmem:s22+$0xFA0] =	vst v3  }
0x27: {  	[spmem:s7] =	stream.linear.scatter [tilespmem:s12], [sflag:$0x1], $0x2800, $0x38;
	[tilespmem:$0x1F4C0] =	vst v63  }
.Ltmp4:
0x28: {  	_ =	swait.ge [sflag:s13], $0x2800;
	(pc) =	sbr.rel .LBB2_6-.Ltmp4, $4  }
0x29: {  	[sflag:s13] =	ssyncset.done $0x0  }
0x2a: {  	[sflag:s13] =	ssyncadd.s32 $0xFFFFD800  }
0x2b: {  	[bflag:$0x0] =	sbarrier.arrive $0xFFFF  }
0x2c: {  	s21 =	simm.s32 $0x0  }
.LBB2_11:
0x2d: {  	s21 =	sadd.s32 $0x1, s21  }
0x2e: {  	p1 =	sne.s32 s21, $0xA  }
.Ltmp5:
0x2f: {  	_ = 	snop;
	(pc) =	sbr.rel @!p1 .LBB2_12-.Ltmp5, $1  }
0x30: {  	_ =	sdelay $0x3  }
.LBB2_6:
0x31: {  	s22 =	smul.u32 $0x7D0, s21;
	_ =	sdelay $0x1  }
0x32: {  	s22 =	sadd.s32 s8, s22  }
0x33: {  	s22 =	sshrl.u32 s22, $0x3  }
0x34: {  	s23 =	sadd.s32 s5, s22  }
0x35: {  	[tilespmem:s3], [sflag:$0x1] =	stream.linear.gather [hbm4b:s23+s3], $0x7D0, $0x38;
	[tilespmem:$0x1F4C0] =	vst v63  }
0x36: {  	_ =	swait.ge [sflag:s13], $0x7D0  }
0x37: {  	[sflag:s13] =	ssyncset.done $0x0  }
0x38: {  	s22 =	sadd.s32 s6, s22;
	[sflag:s13] =	ssyncadd.s32 $0xFFFFF830  }
0x39: {  	[tilespmem:s14], [sflag:$0x1] =	stream.linear.gather [hbm4b:s22+s3], $0x7D0, $0x38;
	[tilespmem:$0x1F4C0] =	vst v63  }
0x3a: {  	_ =	swait.ge [sflag:s13], $0x7D0  }
0x3b: {  	[sflag:s13] =	ssyncset.done $0x0  }
0x3c: {  	[sflag:s13] =	ssyncadd.s32 $0xFFFFF830  }
0x3d: {  	[tilespmem:s12], [sflag:$0x1] =	stream.indirect.gather [hbm4b:s4+s14], $0x10, s3, s14, $0xb8;
	[tilespmem:$0x1F4C0] =	vst v63  }
0x3e: {  	_ =	swait.ge [sflag:s13], $0x7D00  }
0x3f: {  	[sflag:s13] =	ssyncset.done $0x0  }
0x40: {  	s23 =	simm.s32 @!p0 $0xFA0;
	s22 =	simm.s32 @!p0 $0x7D0;
	[sflag:s13] =	ssyncadd.s32 $0xFFFF8300  }
0x41: {  	[spmem:s2] =	stream.indirect.scatter.add.f32 @!p0 [tilespmem:s23], [sflag:$0x1], $0x10, s22, s22, $0xb8;
	[tilespmem:$0x1F4C0] =	vst v63  }
.Ltmp6:
0x42: {  	_ = 	snop;
	(pc) =	sbr.rel .LBB2_7-.Ltmp6, $4  }
0x43: {  	s22 =	simm.s32 @!p0 $0x1  }
0x44: {  	_ =	swait.ge @!p0 [sflag:s22], $0x7D00  }
0x45: {  	[sflag:s22] =	ssyncset.done @!p0 $0x0  }
0x46: {  	[sflag:s22] =	ssyncadd.s32 @!p0 $0xFFFF8300;
	s22 =	simm.s32 $0x0  }
.LBB2_10:
0x47: {  	s22 =	sadd.s32 $0x1, s22  }
0x48: {  	p1 =	sne.s32 s22, $0x7D  }
.Ltmp7:
0x49: {  	_ = 	snop;
	(pc) =	sbr.rel @!p1 .LBB2_11-.Ltmp7, $1  }
0x4a: {  	_ =	sdelay $0x3  }
.LBB2_7:
0x4b: {  	s23 =	sshll.u32 s22, $0x4  }
0x4c: {  	v7 =	vld [tilespmem:s23+$0x7D0];
	_ =	sdelay $0x4  }
0x4d: {  	v15 =	vadd.s32 v0, v7  }
0x4e: {  	vm1 =	vlt.u32 v15, $0x1388  }
0x4f: {  	v14 =	vsel vm1, $0x1, v5  }
0x50: {  	v7 =	vor.u32 $0x80000000, v14  }
0x51: {  	(xrf0) =	vmax.scan.msk.u32 $0xffff, v7;
	_ =	sdelay $0x5  }
0x52: {  	v7, _, _ =	vpop (xrf0)  }
0x53: {  	(v2sf) =	vpush v7, $0xF;
	_ =	sdelay $0x7  }
0x54: {  	v7 =	vmov s23  }
0x55: {  	v7 =	vshll.u32 v7, $0x4  }
0x56: {  	v9 =	vor.u32 v4, v7  }
0x57: {  	v8 =	vor.u32 $0x1, v9  }
0x58: {  	v10 =	vor.u32 $0x2, v9  }
0x59: {  	v11 =	vor.u32 $0x3, v9  }
0x5a: {  	v12 =	vor.u32 $0x4, v9  }
0x5b: {  	v13 =	vor.u32 $0x5, v9;
	v7 =	vld.idx.msk [tilespmem:v9+s12+$0x0], $0xffff;
	s31 =	spop (v2sf)  }
0x5c: {  	v16 =	vor.u32 $0x6, v9;
	v8 =	vld.idx.msk [tilespmem:v8+s12+$0x0], $0xffff;
	p1 =	slt.u32 s31, $0x80000001  }
.Ltmp8:
0x5d: {  	v9 =	vld.idx.msk [tilespmem:v10+s12+$0x0], $0xffff;
	(pc) =	sbr.rel @p1 .LBB2_10-.Ltmp8, $4  }
0x5e: {  	v10 =	vld.idx.msk [tilespmem:v11+s12+$0x0], $0xffff  }
0x5f: {  	v11 =	vld.idx.msk [tilespmem:v12+s12+$0x0], $0xffff  }
0x60: {  	v12 =	vld.idx.msk [tilespmem:v13+s12+$0x0], $0xffff  }
0x61: {  	v13 =	vld.idx.msk [tilespmem:v16+s12+$0x0], $0xffff  }
0x62: {  	vm2 =	vlt.u32 v15, $0x1388  }
0x63: {  	v16 =	vnsel vm2, $0x0, v15  }
0x64: {  	v15 =	vxor.u32 $0x80000000, v16;
	v16 =	vshll.u32 v16, $0x4  }
0x65: {  	v17 =	vor.u32 $0x1, v16;
	v18 =	vor.u32 $0x2, v16;
	v19 =	vor.u32 $0x3, v16  }
0x66: {  	s23 =	simm.s32 $0x0;
	v20 =	vor.u32 $0x4, v16;
	v21 =	vor.u32 $0x5, v16;
	v22 =	vor.u32 $0x6, v16  }
.LBB2_9:
0x67: {  	(xrf1) =	vsort.ascd.msk.u32 vm1, v15, v2;
	_ =	sdelay $0xd  }
0x68: {  	(xrf0) =	vadd.scan.msk.s32 $0xffff, v14;
	v23, v24, _ =	vpop (xrf1)  }
0x69: {  	v14 =	vxor.u32 $0x80000000, v23  }
0x6a: {  	[tilespmem:$0x1CCA0] =	vst v14  }
0x6b: {  	v23 =	vld.idx.msk [tilespmem:v6+s15+$0x0], $0xffff;
	_ =	sdelay $0x2  }
0x6c: {  	v25, _, _ =	vpop (xrf0)  }
0x6d: {  	v25 =	vbroadcast v25, $0xF  }
0x6e: {  	vm2 =	vne.s32 v14, v23  }
0x6f: {  	vm3 =	vgt.s32 v25, v2;
	vm2 =	vmor vm2, vm0  }
0x70: {  	vm2 =	vmand vm3, vm2  }
0x71: {  	v14 =	vsel vm2, $0x1, v5  }
0x72: {  	[tilespmem:v24+s16+$0x0] =	vst.idx.msk $0xffff, v14  }
0x73: {  	v14 =	vld.idx.msk [tilespmem:v2+s16+$0x0], $0xffff;
	_ =	sdelay $0x4  }
0x74: {  	vm2 =	vgt.s32 v14, $0x0  }
0x75: {  	vm2 =	vmand vm1, vm2;
	_ =	sdelay $0x5  }
0x76: {  	v14 =	vld.idx.msk [tilespmem:v16+s17+$0x0], vm2;
	_ =	sdelay $0x4  }
0x77: {  	v14 =	vmax.f32 v14, v7  }
0x78: {  	[tilespmem:v16+s17+$0x0] =	vst.idx.msk vm2, v14  }
0x79: {  	v14 =	vld.idx.msk [tilespmem:v17+s17+$0x0], vm2;
	_ =	sdelay $0x4  }
0x7a: {  	v14 =	vmax.f32 v14, v8  }
0x7b: {  	[tilespmem:v17+s17+$0x0] =	vst.idx.msk vm2, v14  }
0x7c: {  	v14 =	vld.idx.msk [tilespmem:v18+s17+$0x0], vm2;
	_ =	sdelay $0x4  }
0x7d: {  	vm1 =	vmxor vm1, vm2;
	v14 =	vmax.f32 v14, v9  }
0x7e: {  	[tilespmem:v18+s17+$0x0] =	vst.idx.msk vm2, v14;
	v14 =	vsel vm1, $0x1, v5  }
0x7f: {  	v63 =	vor.u32 $0x80000000, v14  }
0x80: {  	(xrf0) =	vmax.scan.msk.u32 $0xffff, v63;
	_ =	sdelay $0x1  }
0x81: {  	v23 =	vld.idx.msk [tilespmem:v19+s17+$0x0], vm2;
	_ =	sdelay $0x3  }
0x82: {  	v24, _, _ =	vpop (xrf0)  }
0x83: {  	v23 =	vmax.f32 v23, v10;
	(v2sf) =	vpush v24, $0xF  }
0x84: {  	[tilespmem:v19+s17+$0x0] =	vst.idx.msk vm2, v23  }
0x85: {  	v23 =	vld.idx.msk [tilespmem:v20+s17+$0x0], vm2;
	_ =	sdelay $0x4  }
0x86: {  	v23 =	vmax.f32 v23, v11  }
0x87: {  	[tilespmem:v20+s17+$0x0] =	vst.idx.msk vm2, v23  }
0x88: {  	v23 =	vld.idx.msk [tilespmem:v21+s17+$0x0], vm2;
	_ =	sdelay $0x4  }
0x89: {  	v23 =	vmax.f32 v23, v12  }
0x8a: {  	p1 =	sgt.u32 s23, $0xE;
	[tilespmem:v21+s17+$0x0] =	vst.idx.msk vm2, v23;
	s24 =	spop (v2sf)  }
0x8b: {  	v23 =	vld.idx.msk [tilespmem:v22+s17+$0x0], vm2;
	p2 =	sgt.u32 @!p1 s24, $0x80000000  }
0x8c: {  	p1 =	por p1, !p2  }
.Ltmp9:
0x8d: {  	_ = 	snop;
	(pc) =	sbr.rel @!p1 .LBB2_9-.Ltmp9, $3  }
0x8e: {  	_ =	sdelay $0x1  }
0x8f: {  	v23 =	vmax.f32 v23, v13  }
0x90: {  	s23 =	sadd.s32 $0x1, s23;
	[tilespmem:v22+s17+$0x0] =	vst.idx.msk vm2, v23  }
.Ltmp10:
0x91: {  	_ = 	snop;
	(pc) =	sbr.rel .LBB2_10-.Ltmp10, $1  }
0x92: {  	_ =	sdelay $0x3  }
.LBB2_13:
0x93: {  	_ =	sfence.sel $0x180000  }
0x94: {  	[bflag:$0x0] =	sbarrier.arrive $0xFFFF  }
0x95: {  	p0 =	sne.s32 s1, $0x0;
	_ =	strace $0x9000004D  }
0x96: {  	s0 =	sadd.s32 @!p0 $0x100000, s0;
	[bflag:$0x2] =	sbarrier.arrive $0xFFFF  }
0x97: {  	[sflag:s0] =	ssyncadd.tile.s32 @!p0 $0x1;
	_ =	shalt  }
.Lfunc_end2:
_tile_overlayer_lowered:
.L_overlay_start_2:
0x98: {  	(tag) =	ssettag $0x2  }
0x99: {  	s0 =	rddreg [dreg:$0x0];
	s2 =	stileid.u32  }
0x9a: {  	s1 =	rddreg [dreg:$0x1];
	p0 =	sne.s32 s2, $0x0  }
0x9b: {  	s3 =	rddreg [dreg:$0x2];
	[bflag:$0x3] =	sbarrier.arrive $0xFFFF;
	s2 =	simm.s32 @!p0 $0x1C01  }
0x9c: {  	[timem:s3], [sflag:s2] =	dma.local @!p0 [hbm:s0], s1  }
0x9d: {  	s0 =	simm.s32 @!p0 $0x1  }
0x9e: {  	_ =	swait.ge @!p0 [sflag:s0], s1  }
0x9f: {  	s1 =	ssub.s32 @!p0 $0x0, s1;
	[sflag:s0] =	ssyncset.done @!p0 $0x0  }
0xa0: {  	[sflag:s0] =	ssyncadd.s32 @!p0 s1  }
0xa1: {  	[bflag:$0x3] =	sbarrier.arrive $0xFFFF  }
0xa2: {  	_ =	shalt  }

</sc_bundles>
